<compile_context>
chip_gen: v7x
topology: tpu7x:2x2x1
jax: 0.10.2.dev20260603
libtpu: 0.0.44.dev20260713+nightly
codegen_flags: <defaults>
</compile_context>

<pallas_src>
import functools

import jax
import jax.numpy as jnp
from jax import lax
from jax.experimental import pallas as pl
from jax.experimental.pallas import tpu as pltpu
from jax.experimental.pallas import tpu_sc as plsc

N = 131072
D = 128
H = 8
G = 1024
F = 1024
E = 16384
GG = G * G

def _gates_body(ea_t_ref, egs_ref, w2_ref, b2_ref, w1t_ref, b1t_ref,
                g_ref, cw_ref, cb_ref):
    z = jnp.dot(egs_ref[...], ea_t_ref[...], preferred_element_type=jnp.float32)
    g_ref[...] = jax.nn.sigmoid(z)
    lane_blk = lax.broadcasted_iota(jnp.int32, (1, D), 1) // H
    w1t = w1t_ref[...]
    for dd in range(16):
        b3dd = jnp.where(lane_blk == dd, w1t, 0.0)
        cw_ref[dd] = jnp.dot(w2_ref[...], b3dd,
                             preferred_element_type=jnp.float32)
    cb_ref[...] = jnp.dot(b2_ref[...], w1t,
                          preferred_element_type=jnp.float32) + b1t_ref[...]


def _gates_call(ea_t, egs, w2, b2, w1t, b1t):
    return pl.pallas_call(
        _gates_body,
        out_shape=(
            jax.ShapeDtypeStruct((2, E), jnp.float32),
            jax.ShapeDtypeStruct((16, D, D), jnp.float32),
            jax.ShapeDtypeStruct((1, D), jnp.float32),
        ),
    )(ea_t, egs, w2, b2, w1t, b1t)


_NSUB = 16
_EPW = E // _NSUB
_ZB = 16384
_OUTW = GG // _NSUB
_ROWS_PER_SUB = G // _NSUB


def _adj_body(ei_hbm, gates_hbm, out_hbm, src_v, dst_v, idx_v, val_v, zero_v,
              a_sh, sem):
    cid = lax.axis_index("c")
    sid = lax.axis_index("s")

    base = sid * _EPW
    pltpu.sync_copy(ei_hbm.at[0, pl.ds(base, _EPW)], src_v)
    pltpu.sync_copy(ei_hbm.at[1, pl.ds(base, _EPW)], dst_v)
    pltpu.sync_copy(gates_hbm.at[cid, pl.ds(base, _EPW)], val_v)

    def _zfill(i, _):
        zero_v[pl.ds(i * 16, 16)] = jnp.zeros((16,), jnp.float32)
        return 0
    lax.fori_loop(0, _ZB // 16, _zfill, 0)
    for j in range(_OUTW // _ZB):
        pltpu.sync_copy(zero_v, a_sh.at[pl.ds(sid * _OUTW + j * _ZB, _ZB)])

    def _idx(i, _):
        s16 = src_v[pl.ds(i * 16, 16)]
        d16 = dst_v[pl.ds(i * 16, 16)]
        idx_v[pl.ds(i * 16, 16)] = d16 * G + s16
        return 0
    lax.fori_loop(0, _EPW // 16, _idx, 0)

    plsc.subcore_barrier()

    pltpu.sync_copy(val_v, a_sh.at[idx_v], add=True)

    plsc.subcore_barrier()

    copies = []
    for r in range(_ROWS_PER_SUB):
        row = sid * _ROWS_PER_SUB + r
        copies.append(pltpu.make_async_copy(
            a_sh.at[pl.ds(row * G, G)],
            out_hbm.at[cid * G + row],
            sem,
        ))
    for cp in copies:
        cp.start()
    for cp in copies:
        cp.wait()


_adj_call = functools.partial(
    pl.kernel,
    mesh=plsc.VectorSubcoreMesh(core_axis_name="c", subcore_axis_name="s"),
    out_type=jax.ShapeDtypeStruct((2 * G, G), jnp.float32),
    scratch_types=[
        pltpu.VMEM((_EPW,), jnp.int32),
        pltpu.VMEM((_EPW,), jnp.int32),
        pltpu.VMEM((_EPW,), jnp.int32),
        pltpu.VMEM((_EPW,), jnp.float32),
        pltpu.VMEM((_ZB,), jnp.float32),
        pltpu.VMEM_SHARED((GG,), jnp.float32),
        pltpu.SemaphoreType.DMA,
    ],
)(_adj_body)


_BN = 16384
_BR = _BN // 16


def _fc_body(x_ref, cw_ref, cb_ref, o_ref):
    xw = x_ref[...].reshape(_BR, 16 * D)
    acc = jnp.dot(xw, cw_ref[...].reshape(16 * D, D),
                  preferred_element_type=jnp.float32)
    o_ref[...] = jnp.maximum(acc + cb_ref[...], 0.0)


def _fc_call(x, cw, cb):
    return pl.pallas_call(
        _fc_body,
        grid=(N // _BN,),
        in_specs=[
            pl.BlockSpec((_BN, D), lambda i: (i, 0)),
            pl.BlockSpec((16, D, D), lambda i: (0, 0, 0)),
            pl.BlockSpec((1, D), lambda i: (0, 0)),
        ],
        out_specs=pl.BlockSpec((_BR, D), lambda i: (i, 0)),
        out_shape=jax.ShapeDtypeStruct((N // 16, D), jnp.float32),
    )(x, cw, cb)


_HF = F // 2


def _convs_body(h2_ref, a_ref, wm0_ref, wr0_ref, b0_ref,
                wm1_ref, wr1_ref, b1_ref, o_ref, h1_s, wm1h_s, wr1h_s):
    i = pl.program_id(0)

    @pl.when(i == 0)
    def _conv0():
        h = h2_ref[...].reshape(G, F)
        hm = jnp.dot(h, wm0_ref[...], preferred_element_type=jnp.float32)
        hr = jnp.dot(h, wr0_ref[...], preferred_element_type=jnp.float32)
        agg = jnp.dot(a_ref[...], hm, preferred_element_type=jnp.float32)
        h1_s[...] = jnp.maximum(hr + agg + b0_ref[...], 0.0)
        wm1h_s[...] = wm1_ref[...]
        wr1h_s[...] = wr1_ref[...]

    @pl.when(i == 1)
    def _conv1():
        h1 = h1_s[...]
        h1a = h1[:, :_HF]
        h1b = h1[:, _HF:]
        hm1 = (jnp.dot(h1a, wm1h_s[...], preferred_element_type=jnp.float32) +
               jnp.dot(h1b, wm1_ref[...], preferred_element_type=jnp.float32))
        agg1 = jnp.dot(a_ref[...], hm1, preferred_element_type=jnp.float32)
        hr1 = (jnp.dot(h1a, wr1h_s[...], preferred_element_type=jnp.float32) +
               jnp.dot(h1b, wr1_ref[...], preferred_element_type=jnp.float32))
        o_ref[...] = jnp.maximum(hr1 + agg1 + b1_ref[...], 0.0)


def _convs_call(h2, adj, wm0, wr0, b0, wm1, wr1, b1):
    zero2 = lambda i: (0, 0)
    return pl.pallas_call(
        _convs_body,
        grid=(2,),
        in_specs=[
            pl.BlockSpec((N // 16, D), zero2),
            pl.BlockSpec((G, G), lambda i: (i, 0)),
            pl.BlockSpec((F, F), zero2),
            pl.BlockSpec((F, F), zero2),
            pl.BlockSpec((1, F), zero2),
            pl.BlockSpec((_HF, F), lambda i: (i, 0)),
            pl.BlockSpec((_HF, F), lambda i: (i, 0)),
            pl.BlockSpec((1, F), zero2),
        ],
        out_specs=pl.BlockSpec((G, F), zero2),
        out_shape=jax.ShapeDtypeStruct((G, F), jnp.float32),
        scratch_shapes=[
            pltpu.VMEM((G, F), jnp.float32),
            pltpu.VMEM((_HF, F), jnp.float32),
            pltpu.VMEM((_HF, F), jnp.float32),
        ],
    )(h2, adj, wm0, wr0, b0, wm1, wr1, b1)


def kernel(x, edge_index, edge_attr, fc2_w, fc2_b, fc1_w, fc1_b,
           conv0_root, conv0_msg, conv0_eg, conv0_b,
           conv1_root, conv1_msg, conv1_eg, conv1_b):
    ea_t = edge_attr.T
    egs = jnp.concatenate([conv0_eg.T, conv1_eg.T], axis=0)

    w1t = jnp.tile(fc1_w, (1, 16))
    b1t = jnp.tile(fc1_b, 16).reshape(1, D)

    gates, cw, cb = _gates_call(ea_t, egs, fc2_w, fc2_b.reshape(1, D),
                                w1t, b1t)

    adj = _adj_call(edge_index, gates)

    h2 = _fc_call(x, cw, cb)

    return _convs_call(h2, adj, conv0_msg, conv0_root, conv0_b.reshape(1, F),
                       conv1_msg, conv1_root, conv1_b.reshape(1, F))

# --- scband reference (transcript-rebuilt; emitter-appended) ---
"""Pipeline reference for scband-decoder-88983132439257 (READ-ONLY COPY).

The authoritative reference and input builder live on the scoring server;
editing this copy changes nothing except your own understanding.
"""

import jax, jax.numpy as jnp
import numpy as np

N = 131072   # total fine-grained nodes
D = 128      # config['dim']
H = 8        # config['hidden_channels'][0]
G = 1024     # num_graphs = N // D (reshape constraint: N*H == G * D*H)
F = D * H    # 1024, feature dim seen by the conv layers
E = 16384    # edges over the G coarse nodes (avg degree 16)
DE = 4       # edge_attr dim


def setup_inputs(seed: int = 0) -> dict:
    key = jax.random.key(seed)
    ks = jax.random.split(key, 16)
    inp = {}
    inp['x'] = jax.random.normal(ks[0], (N, D), dtype=jnp.float32)
    inp['edge_index'] = jax.random.randint(ks[1], (2, E), 0, G, dtype=jnp.int32)
    inp['edge_attr'] = jax.random.normal(ks[2], (E, DE), dtype=jnp.float32)
    # convolution_layers.fc2 : Linear(D, D)
    inp['fc2_w'] = jax.random.normal(ks[3], (D, D), dtype=jnp.float32) * 0.05
    inp['fc2_b'] = jnp.zeros((D,), dtype=jnp.float32)
    # convolution_layers.fc1 : Linear(D, H)
    inp['fc1_w'] = jax.random.normal(ks[4], (D, H), dtype=jnp.float32) * 0.05
    inp['fc1_b'] = jnp.zeros((H,), dtype=jnp.float32)
    # two edge-gated graph convs on F=1024 dim features
    inp['conv0_root'] = jax.random.normal(ks[5], (F, F), dtype=jnp.float32) * 0.03
    inp['conv0_msg'] = jax.random.normal(ks[6], (F, F), dtype=jnp.float32) * 0.03
    inp['conv0_eg'] = jax.random.normal(ks[7], (DE, 1), dtype=jnp.float32) * 0.1
    inp['conv0_b'] = jnp.zeros((F,), dtype=jnp.float32)
    inp['conv1_root'] = jax.random.normal(ks[8], (F, F), dtype=jnp.float32) * 0.03
    inp['conv1_msg'] = jax.random.normal(ks[9], (F, F), dtype=jnp.float32) * 0.03
    inp['conv1_eg'] = jax.random.normal(ks[10], (DE, 1), dtype=jnp.float32) * 0.1
    inp['conv1_b'] = jnp.zeros((F,), dtype=jnp.float32)
    return inp


def reference(x, edge_index, edge_attr, fc2_w, fc2_b, fc1_w, fc1_b,
              conv0_root, conv0_msg, conv0_eg, conv0_b,
              conv1_root, conv1_msg, conv1_eg, conv1_b):
    # data.x = fc2(data.x)
    h = x @ fc2_w + fc2_b                      # [N, D]
    # data.x = act(fc1(data.x))
    h = jax.nn.relu(h @ fc1_w + fc1_b)         # [N, H]
    # data.x = data.x.reshape(num_graphs, input_dim * hidden_channels)
    h = h.reshape(G, F)                        # [G, F]
    src = edge_index[0]
    dst = edge_index[1]
    convs = ((conv0_root, conv0_msg, conv0_eg, conv0_b),
             (conv1_root, conv1_msg, conv1_eg, conv1_b))
    for (Wr, Wm, eg, b) in convs:
        # edge-conditioned message passing: gather -> gate -> scatter-add
        gate = jax.nn.sigmoid(edge_attr @ eg)               # [E, 1]
        msg = (jnp.take(h, src, axis=0) @ Wm) * gate        # [E, F]
        agg = jax.ops.segment_sum(msg, dst, num_segments=G) # [G, F]
        h = jax.nn.relu(h @ Wr + agg + b)                   # act(conv(...))
        # dropout with p=0.0 (eval) is identity
    return h

if __name__ == "__main__":
    import jax
    _d = setup_inputs()
    print(jax.jit(kernel)(*tuple(_d.values())))

</pallas_src>

<mosaic_0001>
#map = affine_map<(d0, d1) -> (0, 0)>
module attributes {stable_mosaic.version = 14 : i64} {
  func.func @_adj_body(%arg0: i32, %arg1: i32, %arg2: memref<2x16384xi32, #tpu.memory_space<hbm>>, %arg3: memref<2x16384xf32, #tpu.memory_space<hbm>>, %arg4: memref<2048x1024xf32, #tpu.memory_space<hbm>>, %arg5: memref<1024xi32, #tpu.memory_space<vmem>>, %arg6: memref<1024xi32, #tpu.memory_space<vmem>>, %arg7: memref<1024xi32, #tpu.memory_space<vmem>>, %arg8: memref<1024xf32, #tpu.memory_space<vmem>>, %arg9: memref<16384xf32, #tpu.memory_space<vmem>>, %arg10: memref<1048576xf32, #tpu.memory_space<vmem_shared>>, %arg11: memref<!tpu.dma_semaphore, #tpu.memory_space<semaphore_mem>>) attributes {dimension_semantics = [#tpu.dimension_semantics<core_parallel>, #tpu.dimension_semantics<subcore_parallel>], iteration_bounds = array<i64: 2, 16>, scalar_prefetch = 0 : i64, scratch_operands = 7 : i64, tpu.core_type = #tpu.core_type<sc_vector_subcore>, window_params = [{transform_indices = #map}, {transform_indices = #map}, {transform_indices = #map}]} {
    %mul3A = arith.constant 1024 : i32
    %mul3A_0 = arith.muli %arg1, %mul3A : i32
    %run_scoped3A = arith.constant 0 : i32
    "tpu.region"() ({
      %run_scoped3A_1117 = tpu.sem_alloc : memref<!tpu.dma_semaphore, #tpu.memory_space<semaphore_mem>>
      %dma_start3A_1118 = tpu.memref_slice %arg2[%run_scoped3A, %mul3A_0] : memref<2x16384xi32, #tpu.memory_space<hbm>> -> memref<1x1024xi32, #tpu.memory_space<hbm>>
      %dma_start3A_1119 = tpu.memref_squeeze %dma_start3A_1118 : memref<1x1024xi32, #tpu.memory_space<hbm>> -> memref<1024xi32, #tpu.memory_space<hbm>>
      %dma_start3A_1120 = tpu.memref_slice %arg2[%run_scoped3A, %mul3A_0] : memref<2x16384xi32, #tpu.memory_space<hbm>> -> memref<1x1024xi32, #tpu.memory_space<hbm>>
      %dma_start3A_1121 = tpu.memref_squeeze %dma_start3A_1120 : memref<1x1024xi32, #tpu.memory_space<hbm>> -> memref<1024xi32, #tpu.memory_space<hbm>>
      tpu.enqueue_dma source(%dma_start3A_1121 : memref<1024xi32, #tpu.memory_space<hbm>>) target(%arg5 : memref<1024xi32, #tpu.memory_space<vmem>>) target_semaphore(%run_scoped3A_1117 : memref<!tpu.dma_semaphore, #tpu.memory_space<semaphore_mem>>)
      %dma_wait3A_1122 = tpu.memref_slice %arg2[%run_scoped3A, %mul3A_0] : memref<2x16384xi32, #tpu.memory_space<hbm>> -> memref<1x1024xi32, #tpu.memory_space<hbm>>
      %dma_wait3A_1123 = tpu.memref_squeeze %dma_wait3A_1122 : memref<1x1024xi32, #tpu.memory_space<hbm>> -> memref<1024xi32, #tpu.memory_space<hbm>>
      %dma_wait3A_1124 = tpu.memref_slice %arg2[%run_scoped3A, %mul3A_0] : memref<2x16384xi32, #tpu.memory_space<hbm>> -> memref<1x1024xi32, #tpu.memory_space<hbm>>
      %dma_wait3A_1125 = tpu.memref_squeeze %dma_wait3A_1124 : memref<1x1024xi32, #tpu.memory_space<hbm>> -> memref<1024xi32, #tpu.memory_space<hbm>>
      tpu.wait_dma2 semaphore(%run_scoped3A_1117 : memref<!tpu.dma_semaphore, #tpu.memory_space<semaphore_mem>>) src(%dma_wait3A_1125 : memref<1024xi32, #tpu.memory_space<hbm>>) dst(%arg5 : memref<1024xi32, #tpu.memory_space<vmem>>)
      tpu.yield
    }) : () -> ()
    %run_scoped3A_1 = arith.constant 1 : i32
    "tpu.region"() ({
      %run_scoped3A_1117 = tpu.sem_alloc : memref<!tpu.dma_semaphore, #tpu.memory_space<semaphore_mem>>
      %dma_start3A_1118 = tpu.memref_slice %arg2[%run_scoped3A_1, %mul3A_0] : memref<2x16384xi32, #tpu.memory_space<hbm>> -> memref<1x1024xi32, #tpu.memory_space<hbm>>
      %dma_start3A_1119 = tpu.memref_squeeze %dma_start3A_1118 : memref<1x1024xi32, #tpu.memory_space<hbm>> -> memref<1024xi32, #tpu.memory_space<hbm>>
      %dma_start3A_1120 = tpu.memref_slice %arg2[%run_scoped3A_1, %mul3A_0] : memref<2x16384xi32, #tpu.memory_space<hbm>> -> memref<1x1024xi32, #tpu.memory_space<hbm>>
      %dma_start3A_1121 = tpu.memref_squeeze %dma_start3A_1120 : memref<1x1024xi32, #tpu.memory_space<hbm>> -> memref<1024xi32, #tpu.memory_space<hbm>>
      tpu.enqueue_dma source(%dma_start3A_1121 : memref<1024xi32, #tpu.memory_space<hbm>>) target(%arg6 : memref<1024xi32, #tpu.memory_space<vmem>>) target_semaphore(%run_scoped3A_1117 : memref<!tpu.dma_semaphore, #tpu.memory_space<semaphore_mem>>)
      %dma_wait3A_1122 = tpu.memref_slice %arg2[%run_scoped3A_1, %mul3A_0] : memref<2x16384xi32, #tpu.memory_space<hbm>> -> memref<1x1024xi32, #tpu.memory_space<hbm>>
      %dma_wait3A_1123 = tpu.memref_squeeze %dma_wait3A_1122 : memref<1x1024xi32, #tpu.memory_space<hbm>> -> memref<1024xi32, #tpu.memory_space<hbm>>
      %dma_wait3A_1124 = tpu.memref_slice %arg2[%run_scoped3A_1, %mul3A_0] : memref<2x16384xi32, #tpu.memory_space<hbm>> -> memref<1x1024xi32, #tpu.memory_space<hbm>>
      %dma_wait3A_1125 = tpu.memref_squeeze %dma_wait3A_1124 : memref<1x1024xi32, #tpu.memory_space<hbm>> -> memref<1024xi32, #tpu.memory_space<hbm>>
      tpu.wait_dma2 semaphore(%run_scoped3A_1117 : memref<!tpu.dma_semaphore, #tpu.memory_space<semaphore_mem>>) src(%dma_wait3A_1125 : memref<1024xi32, #tpu.memory_space<hbm>>) dst(%arg6 : memref<1024xi32, #tpu.memory_space<vmem>>)
      tpu.yield
    }) : () -> ()
    "tpu.region"() ({
      %run_scoped3A_1117 = tpu.sem_alloc : memref<!tpu.dma_semaphore, #tpu.memory_space<semaphore_mem>>
      %dma_start3A_1118 = tpu.memref_slice %arg3[%arg0, %mul3A_0] : memref<2x16384xf32, #tpu.memory_space<hbm>> -> memref<1x1024xf32, #tpu.memory_space<hbm>>
      %dma_start3A_1119 = tpu.memref_squeeze %dma_start3A_1118 : memref<1x1024xf32, #tpu.memory_space<hbm>> -> memref<1024xf32, #tpu.memory_space<hbm>>
      %dma_start3A_1120 = tpu.memref_slice %arg3[%arg0, %mul3A_0] : memref<2x16384xf32, #tpu.memory_space<hbm>> -> memref<1x1024xf32, #tpu.memory_space<hbm>>
      %dma_start3A_1121 = tpu.memref_squeeze %dma_start3A_1120 : memref<1x1024xf32, #tpu.memory_space<hbm>> -> memref<1024xf32, #tpu.memory_space<hbm>>
      tpu.enqueue_dma source(%dma_start3A_1121 : memref<1024xf32, #tpu.memory_space<hbm>>) target(%arg8 : memref<1024xf32, #tpu.memory_space<vmem>>) target_semaphore(%run_scoped3A_1117 : memref<!tpu.dma_semaphore, #tpu.memory_space<semaphore_mem>>)
      %dma_wait3A_1122 = tpu.memref_slice %arg3[%arg0, %mul3A_0] : memref<2x16384xf32, #tpu.memory_space<hbm>> -> memref<1x1024xf32, #tpu.memory_space<hbm>>
      %dma_wait3A_1123 = tpu.memref_squeeze %dma_wait3A_1122 : memref<1x1024xf32, #tpu.memory_space<hbm>> -> memref<1024xf32, #tpu.memory_space<hbm>>
      %dma_wait3A_1124 = tpu.memref_slice %arg3[%arg0, %mul3A_0] : memref<2x16384xf32, #tpu.memory_space<hbm>> -> memref<1x1024xf32, #tpu.memory_space<hbm>>
      %dma_wait3A_1125 = tpu.memref_squeeze %dma_wait3A_1124 : memref<1x1024xf32, #tpu.memory_space<hbm>> -> memref<1024xf32, #tpu.memory_space<hbm>>
      tpu.wait_dma2 semaphore(%run_scoped3A_1117 : memref<!tpu.dma_semaphore, #tpu.memory_space<semaphore_mem>>) src(%dma_wait3A_1125 : memref<1024xf32, #tpu.memory_space<hbm>>) dst(%arg8 : memref<1024xf32, #tpu.memory_space<vmem>>)
      tpu.yield
    }) : () -> ()
    %scan3A = arith.constant 0 : i32
    %scan3A_2 = arith.constant 0 : i32
    %scan3A_3 = arith.constant 1024 : i32
    %scan3A_4 = arith.addi %scan3A_2, %scan3A_3 : i32
    %scan3A_5 = arith.constant 1 : i32
    %scan3A_6 = scf.for %scan3A_1117 = %scan3A_2 to %scan3A_4 step %scan3A_5 iter_args(%scan3A_1118 = %scan3A) -> (i32)  : i32 {
      %broadcast_in_dim3A = arith.constant 0.000000e+00 : f32
      %broadcast_in_dim3A_1119 = vector.broadcast %broadcast_in_dim3A : f32 to vector<16xf32>
      %mul3A_1120 = arith.constant 16 : i32
      %mul3A_1121 = arith.muli %scan3A_1117, %mul3A_1120 : i32
      %swap3A = arith.index_cast %mul3A_1121 : i32 to index
      %swap3A_1122 = tpu.vector_load %arg9[%swap3A] {strides = array<i32>} : memref<16384xf32, #tpu.memory_space<vmem>>, vector<16xf32>,
      %swap3A_1123 = vector.shape_cast %swap3A_1122 : vector<16xf32> to vector<16xf32>
      %swap3A_1124 = vector.shape_cast %broadcast_in_dim3A_1119 : vector<16xf32> to vector<16xf32>
      tpu.vector_store %arg9[%swap3A], %swap3A_1124 {strides = array<i32>} : memref<16384xf32, #tpu.memory_space<vmem>>, vector<16xf32>,
      %scan3A_1125 = arith.constant 0 : i32
      scf.yield %scan3A_1125 : i32
    }
    %scan3A_7 = arith.constant 1024 : i32
    %mul3A_8 = arith.constant 65536 : i32
    %mul3A_9 = arith.muli %arg1, %mul3A_8 : i32
    %add3A = arith.constant 0 : i32
    %add3A_10 = arith.addi %mul3A_9, %add3A : i32
    "tpu.region"() ({
      %run_scoped3A_1117 = tpu.sem_alloc : memref<!tpu.dma_semaphore, #tpu.memory_space<semaphore_mem>>
      %dma_start3A_1118 = tpu.memref_slice %arg10[%add3A_10] : memref<1048576xf32, #tpu.memory_space<vmem_shared>> -> memref<16384xf32, #tpu.memory_space<vmem_shared>>
      %dma_start3A_1119 = tpu.memref_slice %arg10[%add3A_10] : memref<1048576xf32, #tpu.memory_space<vmem_shared>> -> memref<16384xf32, #tpu.memory_space<vmem_shared>>
      tpu.enqueue_dma source(%arg9 : memref<16384xf32, #tpu.memory_space<vmem>>) target(%dma_start3A_1119 : memref<16384xf32, #tpu.memory_space<vmem_shared>>) target_semaphore(%run_scoped3A_1117 : memref<!tpu.dma_semaphore, #tpu.memory_space<semaphore_mem>>)
      %dma_wait3A_1120 = tpu.memref_slice %arg10[%add3A_10] : memref<1048576xf32, #tpu.memory_space<vmem_shared>> -> memref<16384xf32, #tpu.memory_space<vmem_shared>>
      %dma_wait3A_1121 = tpu.memref_slice %arg10[%add3A_10] : memref<1048576xf32, #tpu.memory_space<vmem_shared>> -> memref<16384xf32, #tpu.memory_space<vmem_shared>>
      tpu.wait_dma2 semaphore(%run_scoped3A_1117 : memref<!tpu.dma_semaphore, #tpu.memory_space<semaphore_mem>>) src(%arg9 : memref<16384xf32, #tpu.memory_space<vmem>>) dst(%dma_wait3A_1121 : memref<16384xf32, #tpu.memory_space<vmem_shared>>)
      tpu.yield
    }) : () -> ()
    %mul3A_11 = arith.constant 65536 : i32
    %mul3A_12 = arith.muli %arg1, %mul3A_11 : i32
    %add3A_13 = arith.constant 16384 : i32
    %add3A_14 = arith.addi %mul3A_12, %add3A_13 : i32
    "tpu.region"() ({
      %run_scoped3A_1117 = tpu.sem_alloc : memref<!tpu.dma_semaphore, #tpu.memory_space<semaphore_mem>>
      %dma_start3A_1118 = tpu.memref_slice %arg10[%add3A_14] : memref<1048576xf32, #tpu.memory_space<vmem_shared>> -> memref<16384xf32, #tpu.memory_space<vmem_shared>>
      %dma_start3A_1119 = tpu.memref_slice %arg10[%add3A_14] : memref<1048576xf32, #tpu.memory_space<vmem_shared>> -> memref<16384xf32, #tpu.memory_space<vmem_shared>>
      tpu.enqueue_dma source(%arg9 : memref<16384xf32, #tpu.memory_space<vmem>>) target(%dma_start3A_1119 : memref<16384xf32, #tpu.memory_space<vmem_shared>>) target_semaphore(%run_scoped3A_1117 : memref<!tpu.dma_semaphore, #tpu.memory_space<semaphore_mem>>)
      %dma_wait3A_1120 = tpu.memref_slice %arg10[%add3A_14] : memref<1048576xf32, #tpu.memory_space<vmem_shared>> -> memref<16384xf32, #tpu.memory_space<vmem_shared>>
      %dma_wait3A_1121 = tpu.memref_slice %arg10[%add3A_14] : memref<1048576xf32, #tpu.memory_space<vmem_shared>> -> memref<16384xf32, #tpu.memory_space<vmem_shared>>
      tpu.wait_dma2 semaphore(%run_scoped3A_1117 : memref<!tpu.dma_semaphore, #tpu.memory_space<semaphore_mem>>) src(%arg9 : memref<16384xf32, #tpu.memory_space<vmem>>) dst(%dma_wait3A_1121 : memref<16384xf32, #tpu.memory_space<vmem_shared>>)
      tpu.yield
    }) : () -> ()
    %mul3A_15 = arith.constant 65536 : i32
    %mul3A_16 = arith.muli %arg1, %mul3A_15 : i32
    %add3A_17 = arith.constant 32768 : i32
    %add3A_18 = arith.addi %mul3A_16, %add3A_17 : i32
    "tpu.region"() ({
      %run_scoped3A_1117 = tpu.sem_alloc : memref<!tpu.dma_semaphore, #tpu.memory_space<semaphore_mem>>
      %dma_start3A_1118 = tpu.memref_slice %arg10[%add3A_18] : memref<1048576xf32, #tpu.memory_space<vmem_shared>> -> memref<16384xf32, #tpu.memory_space<vmem_shared>>
      %dma_start3A_1119 = tpu.memref_slice %arg10[%add3A_18] : memref<1048576xf32, #tpu.memory_space<vmem_shared>> -> memref<16384xf32, #tpu.memory_space<vmem_shared>>
      tpu.enqueue_dma source(%arg9 : memref<16384xf32, #tpu.memory_space<vmem>>) target(%dma_start3A_1119 : memref<16384xf32, #tpu.memory_space<vmem_shared>>) target_semaphore(%run_scoped3A_1117 : memref<!tpu.dma_semaphore, #tpu.memory_space<semaphore_mem>>)
      %dma_wait3A_1120 = tpu.memref_slice %arg10[%add3A_18] : memref<1048576xf32, #tpu.memory_space<vmem_shared>> -> memref<16384xf32, #tpu.memory_space<vmem_shared>>
      %dma_wait3A_1121 = tpu.memref_slice %arg10[%add3A_18] : memref<1048576xf32, #tpu.memory_space<vmem_shared>> -> memref<16384xf32, #tpu.memory_space<vmem_shared>>
      tpu.wait_dma2 semaphore(%run_scoped3A_1117 : memref<!tpu.dma_semaphore, #tpu.memory_space<semaphore_mem>>) src(%arg9 : memref<16384xf32, #tpu.memory_space<vmem>>) dst(%dma_wait3A_1121 : memref<16384xf32, #tpu.memory_space<vmem_shared>>)
      tpu.yield
    }) : () -> ()
    %mul3A_19 = arith.constant 65536 : i32
    %mul3A_20 = arith.muli %arg1, %mul3A_19 : i32
    %add3A_21 = arith.constant 49152 : i32
    %add3A_22 = arith.addi %mul3A_20, %add3A_21 : i32
    "tpu.region"() ({
      %run_scoped3A_1117 = tpu.sem_alloc : memref<!tpu.dma_semaphore, #tpu.memory_space<semaphore_mem>>
      %dma_start3A_1118 = tpu.memref_slice %arg10[%add3A_22] : memref<1048576xf32, #tpu.memory_space<vmem_shared>> -> memref<16384xf32, #tpu.memory_space<vmem_shared>>
      %dma_start3A_1119 = tpu.memref_slice %arg10[%add3A_22] : memref<1048576xf32, #tpu.memory_space<vmem_shared>> -> memref<16384xf32, #tpu.memory_space<vmem_shared>>
      tpu.enqueue_dma source(%arg9 : memref<16384xf32, #tpu.memory_space<vmem>>) target(%dma_start3A_1119 : memref<16384xf32, #tpu.memory_space<vmem_shared>>) target_semaphore(%run_scoped3A_1117 : memref<!tpu.dma_semaphore, #tpu.memory_space<semaphore_mem>>)
      %dma_wait3A_1120 = tpu.memref_slice %arg10[%add3A_22] : memref<1048576xf32, #tpu.memory_space<vmem_shared>> -> memref<16384xf32, #tpu.memory_space<vmem_shared>>
      %dma_wait3A_1121 = tpu.memref_slice %arg10[%add3A_22] : memref<1048576xf32, #tpu.memory_space<vmem_shared>> -> memref<16384xf32, #tpu.memory_space<vmem_shared>>
      tpu.wait_dma2 semaphore(%run_scoped3A_1117 : memref<!tpu.dma_semaphore, #tpu.memory_space<semaphore_mem>>) src(%arg9 : memref<16384xf32, #tpu.memory_space<vmem>>) dst(%dma_wait3A_1121 : memref<16384xf32, #tpu.memory_space<vmem_shared>>)
      tpu.yield
    }) : () -> ()
    %scan3A_23 = arith.constant 0 : i32
    %scan3A_24 = arith.constant 0 : i32
    %scan3A_25 = arith.constant 64 : i32
    %scan3A_26 = arith.addi %scan3A_24, %scan3A_25 : i32
    %scan3A_27 = arith.constant 1 : i32
    %scan3A_28 = scf.for %scan3A_1117 = %scan3A_24 to %scan3A_26 step %scan3A_27 iter_args(%scan3A_1118 = %scan3A_23) -> (i32)  : i32 {
      %mul3A_1119 = arith.constant 16 : i32
      %mul3A_1120 = arith.muli %scan3A_1117, %mul3A_1119 : i32
      %get3A = arith.index_cast %mul3A_1120 : i32 to index
      %get3A_1121 = tpu.vector_load %arg5[%get3A] {strides = array<i32>} : memref<1024xi32, #tpu.memory_space<vmem>>, vector<16xi32>,
      %get3A_1122 = vector.shape_cast %get3A_1121 : vector<16xi32> to vector<16xi32>
      %mul3A_1123 = arith.constant 16 : i32
      %mul3A_1124 = arith.muli %scan3A_1117, %mul3A_1123 : i32
      %get3A_1125 = arith.index_cast %mul3A_1124 : i32 to index
      %get3A_1126 = tpu.vector_load %arg6[%get3A_1125] {strides = array<i32>} : memref<1024xi32, #tpu.memory_space<vmem>>, vector<16xi32>,
      %get3A_1127 = vector.shape_cast %get3A_1126 : vector<16xi32> to vector<16xi32>
      %mul3A_1128 = arith.constant 1024 : i32
      %mul3A_1129 = vector.broadcast %mul3A_1128 : i32 to vector<16xi32>
      %mul3A_1130 = arith.muli %get3A_1127, %mul3A_1129 : vector<16xi32>
      %add3A_1131 = arith.addi %mul3A_1130, %get3A_1122 : vector<16xi32>
      %mul3A_1132 = arith.constant 16 : i32
      %mul3A_1133 = arith.muli %scan3A_1117, %mul3A_1132 : i32
      %swap3A = arith.index_cast %mul3A_1133 : i32 to index
      %swap3A_1134 = tpu.vector_load %arg7[%swap3A] {strides = array<i32>} : memref<1024xi32, #tpu.memory_space<vmem>>, vector<16xi32>,
      %swap3A_1135 = vector.shape_cast %swap3A_1134 : vector<16xi32> to vector<16xi32>
      %swap3A_1136 = vector.shape_cast %add3A_1131 : vector<16xi32> to vector<16xi32>
      tpu.vector_store %arg7[%swap3A], %swap3A_1136 {strides = array<i32>} : memref<1024xi32, #tpu.memory_space<vmem>>, vector<16xi32>,
      %scan3A_1137 = arith.constant 0 : i32
      scf.yield %scan3A_1137 : i32
    }
    %scan3A_29 = arith.constant 64 : i32
    %barrier3A = arith.constant 0 : index
    tpu.barrier barrier_id(%barrier3A)
    "tpu.region"() ({
      %run_scoped3A_1117 = tpu.sem_alloc : memref<!tpu.dma_semaphore, #tpu.memory_space<semaphore_mem>>
      %dma_start3A_1118 = arith.constant 0 : i32
      %dma_start3A_1119 = tpu.memref_slice %arg10[%dma_start3A_1118] : memref<1048576xf32, #tpu.memory_space<vmem_shared>> -> memref<1048576xf32, #tpu.memory_space<vmem_shared>>
      tpu.enqueue_indirect_dma source(%arg8 : memref<1024xf32, #tpu.memory_space<vmem>>) target(%dma_start3A_1119 : memref<1048576xf32, #tpu.memory_space<vmem_shared>>) offsets(%arg7 : memref<1024xi32, #tpu.memory_space<vmem>>) semaphore(%run_scoped3A_1117 : memref<!tpu.dma_semaphore, #tpu.memory_space<semaphore_mem>>) {add = true}
      %dma_wait3A_1120 = arith.constant 0 : i32
      %dma_wait3A_1121 = tpu.memref_slice %arg10[%dma_wait3A_1120] : memref<1048576xf32, #tpu.memory_space<vmem_shared>> -> memref<1048576xf32, #tpu.memory_space<vmem_shared>>
      tpu.wait_indirect_dma semaphore(%run_scoped3A_1117 : memref<!tpu.dma_semaphore, #tpu.memory_space<semaphore_mem>>) src(%arg8 : memref<1024xf32, #tpu.memory_space<vmem>>) dst(%dma_wait3A_1121 : memref<1048576xf32, #tpu.memory_space<vmem_shared>>)
      tpu.yield
    }) : () -> ()
    %barrier3A_30 = arith.constant 0 : index
    tpu.barrier barrier_id(%barrier3A_30)
    %mul3A_31 = arith.constant 64 : i32
    %mul3A_32 = arith.muli %arg1, %mul3A_31 : i32
    %add3A_33 = arith.constant 0 : i32
    %add3A_34 = arith.addi %mul3A_32, %add3A_33 : i32
    %mul3A_35 = arith.constant 1024 : i32
    %mul3A_36 = arith.muli %add3A_34, %mul3A_35 : i32
    %mul3A_37 = arith.constant 1024 : i32
    %mul3A_38 = arith.muli %arg0, %mul3A_37 : i32
    %add3A_39 = arith.addi %mul3A_38, %add3A_34 : i32
    %mul3A_40 = arith.constant 64 : i32
    %mul3A_41 = arith.muli %arg1, %mul3A_40 : i32
    %add3A_42 = arith.constant 1 : i32
    %add3A_43 = arith.addi %mul3A_41, %add3A_42 : i32
    %mul3A_44 = arith.constant 1024 : i32
    %mul3A_45 = arith.muli %add3A_43, %mul3A_44 : i32
    %mul3A_46 = arith.constant 1024 : i32
    %mul3A_47 = arith.muli %arg0, %mul3A_46 : i32
    %add3A_48 = arith.addi %mul3A_47, %add3A_43 : i32
    %mul3A_49 = arith.constant 64 : i32
    %mul3A_50 = arith.muli %arg1, %mul3A_49 : i32
    %add3A_51 = arith.constant 2 : i32
    %add3A_52 = arith.addi %mul3A_50, %add3A_51 : i32
    %mul3A_53 = arith.constant 1024 : i32
    %mul3A_54 = arith.muli %add3A_52, %mul3A_53 : i32
    %mul3A_55 = arith.constant 1024 : i32
    %mul3A_56 = arith.muli %arg0, %mul3A_55 : i32
    %add3A_57 = arith.addi %mul3A_56, %add3A_52 : i32
    %mul3A_58 = arith.constant 64 : i32
    %mul3A_59 = arith.muli %arg1, %mul3A_58 : i32
    %add3A_60 = arith.constant 3 : i32
    %add3A_61 = arith.addi %mul3A_59, %add3A_60 : i32
    %mul3A_62 = arith.constant 1024 : i32
    %mul3A_63 = arith.muli %add3A_61, %mul3A_62 : i32
    %mul3A_64 = arith.constant 1024 : i32
    %mul3A_65 = arith.muli %arg0, %mul3A_64 : i32
    %add3A_66 = arith.addi %mul3A_65, %add3A_61 : i32
    %mul3A_67 = arith.constant 64 : i32
    %mul3A_68 = arith.muli %arg1, %mul3A_67 : i32
    %add3A_69 = arith.constant 4 : i32
    %add3A_70 = arith.addi %mul3A_68, %add3A_69 : i32
    %mul3A_71 = arith.constant 1024 : i32
    %mul3A_72 = arith.muli %add3A_70, %mul3A_71 : i32
    %mul3A_73 = arith.constant 1024 : i32
    %mul3A_74 = arith.muli %arg0, %mul3A_73 : i32
    %add3A_75 = arith.addi %mul3A_74, %add3A_70 : i32
    %mul3A_76 = arith.constant 64 : i32
    %mul3A_77 = arith.muli %arg1, %mul3A_76 : i32
    %add3A_78 = arith.constant 5 : i32
    %add3A_79 = arith.addi %mul3A_77, %add3A_78 : i32
    %mul3A_80 = arith.constant 1024 : i32
    %mul3A_81 = arith.muli %add3A_79, %mul3A_80 : i32
    %mul3A_82 = arith.constant 1024 : i32
    %mul3A_83 = arith.muli %arg0, %mul3A_82 : i32
    %add3A_84 = arith.addi %mul3A_83, %add3A_79 : i32
    %mul3A_85 = arith.constant 64 : i32
    %mul3A_86 = arith.muli %arg1, %mul3A_85 : i32
    %add3A_87 = arith.constant 6 : i32
    %add3A_88 = arith.addi %mul3A_86, %add3A_87 : i32
    %mul3A_89 = arith.constant 1024 : i32
    %mul3A_90 = arith.muli %add3A_88, %mul3A_89 : i32
    %mul3A_91 = arith.constant 1024 : i32
    %mul3A_92 = arith.muli %arg0, %mul3A_91 : i32
    %add3A_93 = arith.addi %mul3A_92, %add3A_88 : i32
    %mul3A_94 = arith.constant 64 : i32
    %mul3A_95 = arith.muli %arg1, %mul3A_94 : i32
    %add3A_96 = arith.constant 7 : i32
    %add3A_97 = arith.addi %mul3A_95, %add3A_96 : i32
    %mul3A_98 = arith.constant 1024 : i32
    %mul3A_99 = arith.muli %add3A_97, %mul3A_98 : i32
    %mul3A_100 = arith.constant 1024 : i32
    %mul3A_101 = arith.muli %arg0, %mul3A_100 : i32
    %add3A_102 = arith.addi %mul3A_101, %add3A_97 : i32
    %mul3A_103 = arith.constant 64 : i32
    %mul3A_104 = arith.muli %arg1, %mul3A_103 : i32
    %add3A_105 = arith.constant 8 : i32
    %add3A_106 = arith.addi %mul3A_104, %add3A_105 : i32
    %mul3A_107 = arith.constant 1024 : i32
    %mul3A_108 = arith.muli %add3A_106, %mul3A_107 : i32
    %mul3A_109 = arith.constant 1024 : i32
    %mul3A_110 = arith.muli %arg0, %mul3A_109 : i32
    %add3A_111 = arith.addi %mul3A_110, %add3A_106 : i32
    %mul3A_112 = arith.constant 64 : i32
    %mul3A_113 = arith.muli %arg1, %mul3A_112 : i32
    %add3A_114 = arith.constant 9 : i32
    %add3A_115 = arith.addi %mul3A_113, %add3A_114 : i32
    %mul3A_116 = arith.constant 1024 : i32
    %mul3A_117 = arith.muli %add3A_115, %mul3A_116 : i32
    %mul3A_118 = arith.constant 1024 : i32
    %mul3A_119 = arith.muli %arg0, %mul3A_118 : i32
    %add3A_120 = arith.addi %mul3A_119, %add3A_115 : i32
    %mul3A_121 = arith.constant 64 : i32
    %mul3A_122 = arith.muli %arg1, %mul3A_121 : i32
    %add3A_123 = arith.constant 10 : i32
    %add3A_124 = arith.addi %mul3A_122, %add3A_123 : i32
    %mul3A_125 = arith.constant 1024 : i32
    %mul3A_126 = arith.muli %add3A_124, %mul3A_125 : i32
    %mul3A_127 = arith.constant 1024 : i32
    %mul3A_128 = arith.muli %arg0, %mul3A_127 : i32
    %add3A_129 = arith.addi %mul3A_128, %add3A_124 : i32
    %mul3A_130 = arith.constant 64 : i32
    %mul3A_131 = arith.muli %arg1, %mul3A_130 : i32
    %add3A_132 = arith.constant 11 : i32
    %add3A_133 = arith.addi %mul3A_131, %add3A_132 : i32
    %mul3A_134 = arith.constant 1024 : i32
    %mul3A_135 = arith.muli %add3A_133, %mul3A_134 : i32
    %mul3A_136 = arith.constant 1024 : i32
    %mul3A_137 = arith.muli %arg0, %mul3A_136 : i32
    %add3A_138 = arith.addi %mul3A_137, %add3A_133 : i32
    %mul3A_139 = arith.constant 64 : i32
    %mul3A_140 = arith.muli %arg1, %mul3A_139 : i32
    %add3A_141 = arith.constant 12 : i32
    %add3A_142 = arith.addi %mul3A_140, %add3A_141 : i32
    %mul3A_143 = arith.constant 1024 : i32
    %mul3A_144 = arith.muli %add3A_142, %mul3A_143 : i32
    %mul3A_145 = arith.constant 1024 : i32
    %mul3A_146 = arith.muli %arg0, %mul3A_145 : i32
    %add3A_147 = arith.addi %mul3A_146, %add3A_142 : i32
    %mul3A_148 = arith.constant 64 : i32
    %mul3A_149 = arith.muli %arg1, %mul3A_148 : i32
    %add3A_150 = arith.constant 13 : i32
    %add3A_151 = arith.addi %mul3A_149, %add3A_150 : i32
    %mul3A_152 = arith.constant 1024 : i32
    %mul3A_153 = arith.muli %add3A_151, %mul3A_152 : i32
    %mul3A_154 = arith.constant 1024 : i32
    %mul3A_155 = arith.muli %arg0, %mul3A_154 : i32
    %add3A_156 = arith.addi %mul3A_155, %add3A_151 : i32
    %mul3A_157 = arith.constant 64 : i32
    %mul3A_158 = arith.muli %arg1, %mul3A_157 : i32
    %add3A_159 = arith.constant 14 : i32
    %add3A_160 = arith.addi %mul3A_158, %add3A_159 : i32
    %mul3A_161 = arith.constant 1024 : i32
    %mul3A_162 = arith.muli %add3A_160, %mul3A_161 : i32
    %mul3A_163 = arith.constant 1024 : i32
    %mul3A_164 = arith.muli %arg0, %mul3A_163 : i32
    %add3A_165 = arith.addi %mul3A_164, %add3A_160 : i32
    %mul3A_166 = arith.constant 64 : i32
    %mul3A_167 = arith.muli %arg1, %mul3A_166 : i32
    %add3A_168 = arith.constant 15 : i32
    %add3A_169 = arith.addi %mul3A_167, %add3A_168 : i32
    %mul3A_170 = arith.constant 1024 : i32
    %mul3A_171 = arith.muli %add3A_169, %mul3A_170 : i32
    %mul3A_172 = arith.constant 1024 : i32
    %mul3A_173 = arith.muli %arg0, %mul3A_172 : i32
    %add3A_174 = arith.addi %mul3A_173, %add3A_169 : i32
    %mul3A_175 = arith.constant 64 : i32
    %mul3A_176 = arith.muli %arg1, %mul3A_175 : i32
    %add3A_177 = arith.constant 16 : i32
    %add3A_178 = arith.addi %mul3A_176, %add3A_177 : i32
    %mul3A_179 = arith.constant 1024 : i32
    %mul3A_180 = arith.muli %add3A_178, %mul3A_179 : i32
    %mul3A_181 = arith.constant 1024 : i32
    %mul3A_182 = arith.muli %arg0, %mul3A_181 : i32
    %add3A_183 = arith.addi %mul3A_182, %add3A_178 : i32
    %mul3A_184 = arith.constant 64 : i32
    %mul3A_185 = arith.muli %arg1, %mul3A_184 : i32
    %add3A_186 = arith.constant 17 : i32
    %add3A_187 = arith.addi %mul3A_185, %add3A_186 : i32
    %mul3A_188 = arith.constant 1024 : i32
    %mul3A_189 = arith.muli %add3A_187, %mul3A_188 : i32
    %mul3A_190 = arith.constant 1024 : i32
    %mul3A_191 = arith.muli %arg0, %mul3A_190 : i32
    %add3A_192 = arith.addi %mul3A_191, %add3A_187 : i32
    %mul3A_193 = arith.constant 64 : i32
    %mul3A_194 = arith.muli %arg1, %mul3A_193 : i32
    %add3A_195 = arith.constant 18 : i32
    %add3A_196 = arith.addi %mul3A_194, %add3A_195 : i32
    %mul3A_197 = arith.constant 1024 : i32
    %mul3A_198 = arith.muli %add3A_196, %mul3A_197 : i32
    %mul3A_199 = arith.constant 1024 : i32
    %mul3A_200 = arith.muli %arg0, %mul3A_199 : i32
    %add3A_201 = arith.addi %mul3A_200, %add3A_196 : i32
    %mul3A_202 = arith.constant 64 : i32
    %mul3A_203 = arith.muli %arg1, %mul3A_202 : i32
    %add3A_204 = arith.constant 19 : i32
    %add3A_205 = arith.addi %mul3A_203, %add3A_204 : i32
    %mul3A_206 = arith.constant 1024 : i32
    %mul3A_207 = arith.muli %add3A_205, %mul3A_206 : i32
    %mul3A_208 = arith.constant 1024 : i32
    %mul3A_209 = arith.muli %arg0, %mul3A_208 : i32
    %add3A_210 = arith.addi %mul3A_209, %add3A_205 : i32
    %mul3A_211 = arith.constant 64 : i32
    %mul3A_212 = arith.muli %arg1, %mul3A_211 : i32
    %add3A_213 = arith.constant 20 : i32
    %add3A_214 = arith.addi %mul3A_212, %add3A_213 : i32
    %mul3A_215 = arith.constant 1024 : i32
    %mul3A_216 = arith.muli %add3A_214, %mul3A_215 : i32
    %mul3A_217 = arith.constant 1024 : i32
    %mul3A_218 = arith.muli %arg0, %mul3A_217 : i32
    %add3A_219 = arith.addi %mul3A_218, %add3A_214 : i32
    %mul3A_220 = arith.constant 64 : i32
    %mul3A_221 = arith.muli %arg1, %mul3A_220 : i32
    %add3A_222 = arith.constant 21 : i32
    %add3A_223 = arith.addi %mul3A_221, %add3A_222 : i32
    %mul3A_224 = arith.constant 1024 : i32
    %mul3A_225 = arith.muli %add3A_223, %mul3A_224 : i32
    %mul3A_226 = arith.constant 1024 : i32
    %mul3A_227 = arith.muli %arg0, %mul3A_226 : i32
    %add3A_228 = arith.addi %mul3A_227, %add3A_223 : i32
    %mul3A_229 = arith.constant 64 : i32
    %mul3A_230 = arith.muli %arg1, %mul3A_229 : i32
    %add3A_231 = arith.constant 22 : i32
    %add3A_232 = arith.addi %mul3A_230, %add3A_231 : i32
    %mul3A_233 = arith.constant 1024 : i32
    %mul3A_234 = arith.muli %add3A_232, %mul3A_233 : i32
    %mul3A_235 = arith.constant 1024 : i32
    %mul3A_236 = arith.muli %arg0, %mul3A_235 : i32
    %add3A_237 = arith.addi %mul3A_236, %add3A_232 : i32
    %mul3A_238 = arith.constant 64 : i32
    %mul3A_239 = arith.muli %arg1, %mul3A_238 : i32
    %add3A_240 = arith.constant 23 : i32
    %add3A_241 = arith.addi %mul3A_239, %add3A_240 : i32
    %mul3A_242 = arith.constant 1024 : i32
    %mul3A_243 = arith.muli %add3A_241, %mul3A_242 : i32
    %mul3A_244 = arith.constant 1024 : i32
    %mul3A_245 = arith.muli %arg0, %mul3A_244 : i32
    %add3A_246 = arith.addi %mul3A_245, %add3A_241 : i32
    %mul3A_247 = arith.constant 64 : i32
    %mul3A_248 = arith.muli %arg1, %mul3A_247 : i32
    %add3A_249 = arith.constant 24 : i32
    %add3A_250 = arith.addi %mul3A_248, %add3A_249 : i32
    %mul3A_251 = arith.constant 1024 : i32
    %mul3A_252 = arith.muli %add3A_250, %mul3A_251 : i32
    %mul3A_253 = arith.constant 1024 : i32
    %mul3A_254 = arith.muli %arg0, %mul3A_253 : i32
    %add3A_255 = arith.addi %mul3A_254, %add3A_250 : i32
    %mul3A_256 = arith.constant 64 : i32
    %mul3A_257 = arith.muli %arg1, %mul3A_256 : i32
    %add3A_258 = arith.constant 25 : i32
    %add3A_259 = arith.addi %mul3A_257, %add3A_258 : i32
    %mul3A_260 = arith.constant 1024 : i32
    %mul3A_261 = arith.muli %add3A_259, %mul3A_260 : i32
    %mul3A_262 = arith.constant 1024 : i32
    %mul3A_263 = arith.muli %arg0, %mul3A_262 : i32
    %add3A_264 = arith.addi %mul3A_263, %add3A_259 : i32
    %mul3A_265 = arith.constant 64 : i32
    %mul3A_266 = arith.muli %arg1, %mul3A_265 : i32
    %add3A_267 = arith.constant 26 : i32
    %add3A_268 = arith.addi %mul3A_266, %add3A_267 : i32
    %mul3A_269 = arith.constant 1024 : i32
    %mul3A_270 = arith.muli %add3A_268, %mul3A_269 : i32
    %mul3A_271 = arith.constant 1024 : i32
    %mul3A_272 = arith.muli %arg0, %mul3A_271 : i32
    %add3A_273 = arith.addi %mul3A_272, %add3A_268 : i32
    %mul3A_274 = arith.constant 64 : i32
    %mul3A_275 = arith.muli %arg1, %mul3A_274 : i32
    %add3A_276 = arith.constant 27 : i32
    %add3A_277 = arith.addi %mul3A_275, %add3A_276 : i32
    %mul3A_278 = arith.constant 1024 : i32
    %mul3A_279 = arith.muli %add3A_277, %mul3A_278 : i32
    %mul3A_280 = arith.constant 1024 : i32
    %mul3A_281 = arith.muli %arg0, %mul3A_280 : i32
    %add3A_282 = arith.addi %mul3A_281, %add3A_277 : i32
    %mul3A_283 = arith.constant 64 : i32
    %mul3A_284 = arith.muli %arg1, %mul3A_283 : i32
    %add3A_285 = arith.constant 28 : i32
    %add3A_286 = arith.addi %mul3A_284, %add3A_285 : i32
    %mul3A_287 = arith.constant 1024 : i32
    %mul3A_288 = arith.muli %add3A_286, %mul3A_287 : i32
    %mul3A_289 = arith.constant 1024 : i32
    %mul3A_290 = arith.muli %arg0, %mul3A_289 : i32
    %add3A_291 = arith.addi %mul3A_290, %add3A_286 : i32
    %mul3A_292 = arith.constant 64 : i32
    %mul3A_293 = arith.muli %arg1, %mul3A_292 : i32
    %add3A_294 = arith.constant 29 : i32
    %add3A_295 = arith.addi %mul3A_293, %add3A_294 : i32
    %mul3A_296 = arith.constant 1024 : i32
    %mul3A_297 = arith.muli %add3A_295, %mul3A_296 : i32
    %mul3A_298 = arith.constant 1024 : i32
    %mul3A_299 = arith.muli %arg0, %mul3A_298 : i32
    %add3A_300 = arith.addi %mul3A_299, %add3A_295 : i32
    %mul3A_301 = arith.constant 64 : i32
    %mul3A_302 = arith.muli %arg1, %mul3A_301 : i32
    %add3A_303 = arith.constant 30 : i32
    %add3A_304 = arith.addi %mul3A_302, %add3A_303 : i32
    %mul3A_305 = arith.constant 1024 : i32
    %mul3A_306 = arith.muli %add3A_304, %mul3A_305 : i32
    %mul3A_307 = arith.constant 1024 : i32
    %mul3A_308 = arith.muli %arg0, %mul3A_307 : i32
    %add3A_309 = arith.addi %mul3A_308, %add3A_304 : i32
    %mul3A_310 = arith.constant 64 : i32
    %mul3A_311 = arith.muli %arg1, %mul3A_310 : i32
    %add3A_312 = arith.constant 31 : i32
    %add3A_313 = arith.addi %mul3A_311, %add3A_312 : i32
    %mul3A_314 = arith.constant 1024 : i32
    %mul3A_315 = arith.muli %add3A_313, %mul3A_314 : i32
    %mul3A_316 = arith.constant 1024 : i32
    %mul3A_317 = arith.muli %arg0, %mul3A_316 : i32
    %add3A_318 = arith.addi %mul3A_317, %add3A_313 : i32
    %mul3A_319 = arith.constant 64 : i32
    %mul3A_320 = arith.muli %arg1, %mul3A_319 : i32
    %add3A_321 = arith.constant 32 : i32
    %add3A_322 = arith.addi %mul3A_320, %add3A_321 : i32
    %mul3A_323 = arith.constant 1024 : i32
    %mul3A_324 = arith.muli %add3A_322, %mul3A_323 : i32
    %mul3A_325 = arith.constant 1024 : i32
    %mul3A_326 = arith.muli %arg0, %mul3A_325 : i32
    %add3A_327 = arith.addi %mul3A_326, %add3A_322 : i32
    %mul3A_328 = arith.constant 64 : i32
    %mul3A_329 = arith.muli %arg1, %mul3A_328 : i32
    %add3A_330 = arith.constant 33 : i32
    %add3A_331 = arith.addi %mul3A_329, %add3A_330 : i32
    %mul3A_332 = arith.constant 1024 : i32
    %mul3A_333 = arith.muli %add3A_331, %mul3A_332 : i32
    %mul3A_334 = arith.constant 1024 : i32
    %mul3A_335 = arith.muli %arg0, %mul3A_334 : i32
    %add3A_336 = arith.addi %mul3A_335, %add3A_331 : i32
    %mul3A_337 = arith.constant 64 : i32
    %mul3A_338 = arith.muli %arg1, %mul3A_337 : i32
    %add3A_339 = arith.constant 34 : i32
    %add3A_340 = arith.addi %mul3A_338, %add3A_339 : i32
    %mul3A_341 = arith.constant 1024 : i32
    %mul3A_342 = arith.muli %add3A_340, %mul3A_341 : i32
    %mul3A_343 = arith.constant 1024 : i32
    %mul3A_344 = arith.muli %arg0, %mul3A_343 : i32
    %add3A_345 = arith.addi %mul3A_344, %add3A_340 : i32
    %mul3A_346 = arith.constant 64 : i32
    %mul3A_347 = arith.muli %arg1, %mul3A_346 : i32
    %add3A_348 = arith.constant 35 : i32
    %add3A_349 = arith.addi %mul3A_347, %add3A_348 : i32
    %mul3A_350 = arith.constant 1024 : i32
    %mul3A_351 = arith.muli %add3A_349, %mul3A_350 : i32
    %mul3A_352 = arith.constant 1024 : i32
    %mul3A_353 = arith.muli %arg0, %mul3A_352 : i32
    %add3A_354 = arith.addi %mul3A_353, %add3A_349 : i32
    %mul3A_355 = arith.constant 64 : i32
    %mul3A_356 = arith.muli %arg1, %mul3A_355 : i32
    %add3A_357 = arith.constant 36 : i32
    %add3A_358 = arith.addi %mul3A_356, %add3A_357 : i32
    %mul3A_359 = arith.constant 1024 : i32
    %mul3A_360 = arith.muli %add3A_358, %mul3A_359 : i32
    %mul3A_361 = arith.constant 1024 : i32
    %mul3A_362 = arith.muli %arg0, %mul3A_361 : i32
    %add3A_363 = arith.addi %mul3A_362, %add3A_358 : i32
    %mul3A_364 = arith.constant 64 : i32
    %mul3A_365 = arith.muli %arg1, %mul3A_364 : i32
    %add3A_366 = arith.constant 37 : i32
    %add3A_367 = arith.addi %mul3A_365, %add3A_366 : i32
    %mul3A_368 = arith.constant 1024 : i32
    %mul3A_369 = arith.muli %add3A_367, %mul3A_368 : i32
    %mul3A_370 = arith.constant 1024 : i32
    %mul3A_371 = arith.muli %arg0, %mul3A_370 : i32
    %add3A_372 = arith.addi %mul3A_371, %add3A_367 : i32
    %mul3A_373 = arith.constant 64 : i32
    %mul3A_374 = arith.muli %arg1, %mul3A_373 : i32
    %add3A_375 = arith.constant 38 : i32
    %add3A_376 = arith.addi %mul3A_374, %add3A_375 : i32
    %mul3A_377 = arith.constant 1024 : i32
    %mul3A_378 = arith.muli %add3A_376, %mul3A_377 : i32
    %mul3A_379 = arith.constant 1024 : i32
    %mul3A_380 = arith.muli %arg0, %mul3A_379 : i32
    %add3A_381 = arith.addi %mul3A_380, %add3A_376 : i32
    %mul3A_382 = arith.constant 64 : i32
    %mul3A_383 = arith.muli %arg1, %mul3A_382 : i32
    %add3A_384 = arith.constant 39 : i32
    %add3A_385 = arith.addi %mul3A_383, %add3A_384 : i32
    %mul3A_386 = arith.constant 1024 : i32
    %mul3A_387 = arith.muli %add3A_385, %mul3A_386 : i32
    %mul3A_388 = arith.constant 1024 : i32
    %mul3A_389 = arith.muli %arg0, %mul3A_388 : i32
    %add3A_390 = arith.addi %mul3A_389, %add3A_385 : i32
    %mul3A_391 = arith.constant 64 : i32
    %mul3A_392 = arith.muli %arg1, %mul3A_391 : i32
    %add3A_393 = arith.constant 40 : i32
    %add3A_394 = arith.addi %mul3A_392, %add3A_393 : i32
    %mul3A_395 = arith.constant 1024 : i32
    %mul3A_396 = arith.muli %add3A_394, %mul3A_395 : i32
    %mul3A_397 = arith.constant 1024 : i32
    %mul3A_398 = arith.muli %arg0, %mul3A_397 : i32
    %add3A_399 = arith.addi %mul3A_398, %add3A_394 : i32
    %mul3A_400 = arith.constant 64 : i32
    %mul3A_401 = arith.muli %arg1, %mul3A_400 : i32
    %add3A_402 = arith.constant 41 : i32
    %add3A_403 = arith.addi %mul3A_401, %add3A_402 : i32
    %mul3A_404 = arith.constant 1024 : i32
    %mul3A_405 = arith.muli %add3A_403, %mul3A_404 : i32
    %mul3A_406 = arith.constant 1024 : i32
    %mul3A_407 = arith.muli %arg0, %mul3A_406 : i32
    %add3A_408 = arith.addi %mul3A_407, %add3A_403 : i32
    %mul3A_409 = arith.constant 64 : i32
    %mul3A_410 = arith.muli %arg1, %mul3A_409 : i32
    %add3A_411 = arith.constant 42 : i32
    %add3A_412 = arith.addi %mul3A_410, %add3A_411 : i32
    %mul3A_413 = arith.constant 1024 : i32
    %mul3A_414 = arith.muli %add3A_412, %mul3A_413 : i32
    %mul3A_415 = arith.constant 1024 : i32
    %mul3A_416 = arith.muli %arg0, %mul3A_415 : i32
    %add3A_417 = arith.addi %mul3A_416, %add3A_412 : i32
    %mul3A_418 = arith.constant 64 : i32
    %mul3A_419 = arith.muli %arg1, %mul3A_418 : i32
    %add3A_420 = arith.constant 43 : i32
    %add3A_421 = arith.addi %mul3A_419, %add3A_420 : i32
    %mul3A_422 = arith.constant 1024 : i32
    %mul3A_423 = arith.muli %add3A_421, %mul3A_422 : i32
    %mul3A_424 = arith.constant 1024 : i32
    %mul3A_425 = arith.muli %arg0, %mul3A_424 : i32
    %add3A_426 = arith.addi %mul3A_425, %add3A_421 : i32
    %mul3A_427 = arith.constant 64 : i32
    %mul3A_428 = arith.muli %arg1, %mul3A_427 : i32
    %add3A_429 = arith.constant 44 : i32
    %add3A_430 = arith.addi %mul3A_428, %add3A_429 : i32
    %mul3A_431 = arith.constant 1024 : i32
    %mul3A_432 = arith.muli %add3A_430, %mul3A_431 : i32
    %mul3A_433 = arith.constant 1024 : i32
    %mul3A_434 = arith.muli %arg0, %mul3A_433 : i32
    %add3A_435 = arith.addi %mul3A_434, %add3A_430 : i32
    %mul3A_436 = arith.constant 64 : i32
    %mul3A_437 = arith.muli %arg1, %mul3A_436 : i32
    %add3A_438 = arith.constant 45 : i32
    %add3A_439 = arith.addi %mul3A_437, %add3A_438 : i32
    %mul3A_440 = arith.constant 1024 : i32
    %mul3A_441 = arith.muli %add3A_439, %mul3A_440 : i32
    %mul3A_442 = arith.constant 1024 : i32
    %mul3A_443 = arith.muli %arg0, %mul3A_442 : i32
    %add3A_444 = arith.addi %mul3A_443, %add3A_439 : i32
    %mul3A_445 = arith.constant 64 : i32
    %mul3A_446 = arith.muli %arg1, %mul3A_445 : i32
    %add3A_447 = arith.constant 46 : i32
    %add3A_448 = arith.addi %mul3A_446, %add3A_447 : i32
    %mul3A_449 = arith.constant 1024 : i32
    %mul3A_450 = arith.muli %add3A_448, %mul3A_449 : i32
    %mul3A_451 = arith.constant 1024 : i32
    %mul3A_452 = arith.muli %arg0, %mul3A_451 : i32
    %add3A_453 = arith.addi %mul3A_452, %add3A_448 : i32
    %mul3A_454 = arith.constant 64 : i32
    %mul3A_455 = arith.muli %arg1, %mul3A_454 : i32
    %add3A_456 = arith.constant 47 : i32
    %add3A_457 = arith.addi %mul3A_455, %add3A_456 : i32
    %mul3A_458 = arith.constant 1024 : i32
    %mul3A_459 = arith.muli %add3A_457, %mul3A_458 : i32
    %mul3A_460 = arith.constant 1024 : i32
    %mul3A_461 = arith.muli %arg0, %mul3A_460 : i32
    %add3A_462 = arith.addi %mul3A_461, %add3A_457 : i32
    %mul3A_463 = arith.constant 64 : i32
    %mul3A_464 = arith.muli %arg1, %mul3A_463 : i32
    %add3A_465 = arith.constant 48 : i32
    %add3A_466 = arith.addi %mul3A_464, %add3A_465 : i32
    %mul3A_467 = arith.constant 1024 : i32
    %mul3A_468 = arith.muli %add3A_466, %mul3A_467 : i32
    %mul3A_469 = arith.constant 1024 : i32
    %mul3A_470 = arith.muli %arg0, %mul3A_469 : i32
    %add3A_471 = arith.addi %mul3A_470, %add3A_466 : i32
    %mul3A_472 = arith.constant 64 : i32
    %mul3A_473 = arith.muli %arg1, %mul3A_472 : i32
    %add3A_474 = arith.constant 49 : i32
    %add3A_475 = arith.addi %mul3A_473, %add3A_474 : i32
    %mul3A_476 = arith.constant 1024 : i32
    %mul3A_477 = arith.muli %add3A_475, %mul3A_476 : i32
    %mul3A_478 = arith.constant 1024 : i32
    %mul3A_479 = arith.muli %arg0, %mul3A_478 : i32
    %add3A_480 = arith.addi %mul3A_479, %add3A_475 : i32
    %mul3A_481 = arith.constant 64 : i32
    %mul3A_482 = arith.muli %arg1, %mul3A_481 : i32
    %add3A_483 = arith.constant 50 : i32
    %add3A_484 = arith.addi %mul3A_482, %add3A_483 : i32
    %mul3A_485 = arith.constant 1024 : i32
    %mul3A_486 = arith.muli %add3A_484, %mul3A_485 : i32
    %mul3A_487 = arith.constant 1024 : i32
    %mul3A_488 = arith.muli %arg0, %mul3A_487 : i32
    %add3A_489 = arith.addi %mul3A_488, %add3A_484 : i32
    %mul3A_490 = arith.constant 64 : i32
    %mul3A_491 = arith.muli %arg1, %mul3A_490 : i32
    %add3A_492 = arith.constant 51 : i32
    %add3A_493 = arith.addi %mul3A_491, %add3A_492 : i32
    %mul3A_494 = arith.constant 1024 : i32
    %mul3A_495 = arith.muli %add3A_493, %mul3A_494 : i32
    %mul3A_496 = arith.constant 1024 : i32
    %mul3A_497 = arith.muli %arg0, %mul3A_496 : i32
    %add3A_498 = arith.addi %mul3A_497, %add3A_493 : i32
    %mul3A_499 = arith.constant 64 : i32
    %mul3A_500 = arith.muli %arg1, %mul3A_499 : i32
    %add3A_501 = arith.constant 52 : i32
    %add3A_502 = arith.addi %mul3A_500, %add3A_501 : i32
    %mul3A_503 = arith.constant 1024 : i32
    %mul3A_504 = arith.muli %add3A_502, %mul3A_503 : i32
    %mul3A_505 = arith.constant 1024 : i32
    %mul3A_506 = arith.muli %arg0, %mul3A_505 : i32
    %add3A_507 = arith.addi %mul3A_506, %add3A_502 : i32
    %mul3A_508 = arith.constant 64 : i32
    %mul3A_509 = arith.muli %arg1, %mul3A_508 : i32
    %add3A_510 = arith.constant 53 : i32
    %add3A_511 = arith.addi %mul3A_509, %add3A_510 : i32
    %mul3A_512 = arith.constant 1024 : i32
    %mul3A_513 = arith.muli %add3A_511, %mul3A_512 : i32
    %mul3A_514 = arith.constant 1024 : i32
    %mul3A_515 = arith.muli %arg0, %mul3A_514 : i32
    %add3A_516 = arith.addi %mul3A_515, %add3A_511 : i32
    %mul3A_517 = arith.constant 64 : i32
    %mul3A_518 = arith.muli %arg1, %mul3A_517 : i32
    %add3A_519 = arith.constant 54 : i32
    %add3A_520 = arith.addi %mul3A_518, %add3A_519 : i32
    %mul3A_521 = arith.constant 1024 : i32
    %mul3A_522 = arith.muli %add3A_520, %mul3A_521 : i32
    %mul3A_523 = arith.constant 1024 : i32
    %mul3A_524 = arith.muli %arg0, %mul3A_523 : i32
    %add3A_525 = arith.addi %mul3A_524, %add3A_520 : i32
    %mul3A_526 = arith.constant 64 : i32
    %mul3A_527 = arith.muli %arg1, %mul3A_526 : i32
    %add3A_528 = arith.constant 55 : i32
    %add3A_529 = arith.addi %mul3A_527, %add3A_528 : i32
    %mul3A_530 = arith.constant 1024 : i32
    %mul3A_531 = arith.muli %add3A_529, %mul3A_530 : i32
    %mul3A_532 = arith.constant 1024 : i32
    %mul3A_533 = arith.muli %arg0, %mul3A_532 : i32
    %add3A_534 = arith.addi %mul3A_533, %add3A_529 : i32
    %mul3A_535 = arith.constant 64 : i32
    %mul3A_536 = arith.muli %arg1, %mul3A_535 : i32
    %add3A_537 = arith.constant 56 : i32
    %add3A_538 = arith.addi %mul3A_536, %add3A_537 : i32
    %mul3A_539 = arith.constant 1024 : i32
    %mul3A_540 = arith.muli %add3A_538, %mul3A_539 : i32
    %mul3A_541 = arith.constant 1024 : i32
    %mul3A_542 = arith.muli %arg0, %mul3A_541 : i32
    %add3A_543 = arith.addi %mul3A_542, %add3A_538 : i32
    %mul3A_544 = arith.constant 64 : i32
    %mul3A_545 = arith.muli %arg1, %mul3A_544 : i32
    %add3A_546 = arith.constant 57 : i32
    %add3A_547 = arith.addi %mul3A_545, %add3A_546 : i32
    %mul3A_548 = arith.constant 1024 : i32
    %mul3A_549 = arith.muli %add3A_547, %mul3A_548 : i32
    %mul3A_550 = arith.constant 1024 : i32
    %mul3A_551 = arith.muli %arg0, %mul3A_550 : i32
    %add3A_552 = arith.addi %mul3A_551, %add3A_547 : i32
    %mul3A_553 = arith.constant 64 : i32
    %mul3A_554 = arith.muli %arg1, %mul3A_553 : i32
    %add3A_555 = arith.constant 58 : i32
    %add3A_556 = arith.addi %mul3A_554, %add3A_555 : i32
    %mul3A_557 = arith.constant 1024 : i32
    %mul3A_558 = arith.muli %add3A_556, %mul3A_557 : i32
    %mul3A_559 = arith.constant 1024 : i32
    %mul3A_560 = arith.muli %arg0, %mul3A_559 : i32
    %add3A_561 = arith.addi %mul3A_560, %add3A_556 : i32
    %mul3A_562 = arith.constant 64 : i32
    %mul3A_563 = arith.muli %arg1, %mul3A_562 : i32
    %add3A_564 = arith.constant 59 : i32
    %add3A_565 = arith.addi %mul3A_563, %add3A_564 : i32
    %mul3A_566 = arith.constant 1024 : i32
    %mul3A_567 = arith.muli %add3A_565, %mul3A_566 : i32
    %mul3A_568 = arith.constant 1024 : i32
    %mul3A_569 = arith.muli %arg0, %mul3A_568 : i32
    %add3A_570 = arith.addi %mul3A_569, %add3A_565 : i32
    %mul3A_571 = arith.constant 64 : i32
    %mul3A_572 = arith.muli %arg1, %mul3A_571 : i32
    %add3A_573 = arith.constant 60 : i32
    %add3A_574 = arith.addi %mul3A_572, %add3A_573 : i32
    %mul3A_575 = arith.constant 1024 : i32
    %mul3A_576 = arith.muli %add3A_574, %mul3A_575 : i32
    %mul3A_577 = arith.constant 1024 : i32
    %mul3A_578 = arith.muli %arg0, %mul3A_577 : i32
    %add3A_579 = arith.addi %mul3A_578, %add3A_574 : i32
    %mul3A_580 = arith.constant 64 : i32
    %mul3A_581 = arith.muli %arg1, %mul3A_580 : i32
    %add3A_582 = arith.constant 61 : i32
    %add3A_583 = arith.addi %mul3A_581, %add3A_582 : i32
    %mul3A_584 = arith.constant 1024 : i32
    %mul3A_585 = arith.muli %add3A_583, %mul3A_584 : i32
    %mul3A_586 = arith.constant 1024 : i32
    %mul3A_587 = arith.muli %arg0, %mul3A_586 : i32
    %add3A_588 = arith.addi %mul3A_587, %add3A_583 : i32
    %mul3A_589 = arith.constant 64 : i32
    %mul3A_590 = arith.muli %arg1, %mul3A_589 : i32
    %add3A_591 = arith.constant 62 : i32
    %add3A_592 = arith.addi %mul3A_590, %add3A_591 : i32
    %mul3A_593 = arith.constant 1024 : i32
    %mul3A_594 = arith.muli %add3A_592, %mul3A_593 : i32
    %mul3A_595 = arith.constant 1024 : i32
    %mul3A_596 = arith.muli %arg0, %mul3A_595 : i32
    %add3A_597 = arith.addi %mul3A_596, %add3A_592 : i32
    %mul3A_598 = arith.constant 64 : i32
    %mul3A_599 = arith.muli %arg1, %mul3A_598 : i32
    %add3A_600 = arith.constant 63 : i32
    %add3A_601 = arith.addi %mul3A_599, %add3A_600 : i32
    %mul3A_602 = arith.constant 1024 : i32
    %mul3A_603 = arith.muli %add3A_601, %mul3A_602 : i32
    %mul3A_604 = arith.constant 1024 : i32
    %mul3A_605 = arith.muli %arg0, %mul3A_604 : i32
    %add3A_606 = arith.addi %mul3A_605, %add3A_601 : i32
    %dma_start3A = arith.constant 0 : i32
    %dma_start3A_607 = tpu.memref_slice %arg4[%add3A_39, %dma_start3A] : memref<2048x1024xf32, #tpu.memory_space<hbm>> -> memref<1x1024xf32, #tpu.memory_space<hbm>>
    %dma_start3A_608 = tpu.memref_squeeze %dma_start3A_607 : memref<1x1024xf32, #tpu.memory_space<hbm>> -> memref<1024xf32, #tpu.memory_space<hbm>>
    %dma_start3A_609 = tpu.memref_slice %arg10[%mul3A_36] : memref<1048576xf32, #tpu.memory_space<vmem_shared>> -> memref<1024xf32, #tpu.memory_space<vmem_shared>>
    tpu.enqueue_dma source(%dma_start3A_609 : memref<1024xf32, #tpu.memory_space<vmem_shared>>) target(%dma_start3A_608 : memref<1024xf32, #tpu.memory_space<hbm>>) target_semaphore(%arg11 : memref<!tpu.dma_semaphore, #tpu.memory_space<semaphore_mem>>)
    %dma_start3A_610 = arith.constant 0 : i32
    %dma_start3A_611 = tpu.memref_slice %arg4[%add3A_48, %dma_start3A_610] : memref<2048x1024xf32, #tpu.memory_space<hbm>> -> memref<1x1024xf32, #tpu.memory_space<hbm>>
    %dma_start3A_612 = tpu.memref_squeeze %dma_start3A_611 : memref<1x1024xf32, #tpu.memory_space<hbm>> -> memref<1024xf32, #tpu.memory_space<hbm>>
    %dma_start3A_613 = tpu.memref_slice %arg10[%mul3A_45] : memref<1048576xf32, #tpu.memory_space<vmem_shared>> -> memref<1024xf32, #tpu.memory_space<vmem_shared>>
    tpu.enqueue_dma source(%dma_start3A_613 : memref<1024xf32, #tpu.memory_space<vmem_shared>>) target(%dma_start3A_612 : memref<1024xf32, #tpu.memory_space<hbm>>) target_semaphore(%arg11 : memref<!tpu.dma_semaphore, #tpu.memory_space<semaphore_mem>>)
    %dma_start3A_614 = arith.constant 0 : i32
    %dma_start3A_615 = tpu.memref_slice %arg4[%add3A_57, %dma_start3A_614] : memref<2048x1024xf32, #tpu.memory_space<hbm>> -> memref<1x1024xf32, #tpu.memory_space<hbm>>
    %dma_start3A_616 = tpu.memref_squeeze %dma_start3A_615 : memref<1x1024xf32, #tpu.memory_space<hbm>> -> memref<1024xf32, #tpu.memory_space<hbm>>
    %dma_start3A_617 = tpu.memref_slice %arg10[%mul3A_54] : memref<1048576xf32, #tpu.memory_space<vmem_shared>> -> memref<1024xf32, #tpu.memory_space<vmem_shared>>
    tpu.enqueue_dma source(%dma_start3A_617 : memref<1024xf32, #tpu.memory_space<vmem_shared>>) target(%dma_start3A_616 : memref<1024xf32, #tpu.memory_space<hbm>>) target_semaphore(%arg11 : memref<!tpu.dma_semaphore, #tpu.memory_space<semaphore_mem>>)
    %dma_start3A_618 = arith.constant 0 : i32
    %dma_start3A_619 = tpu.memref_slice %arg4[%add3A_66, %dma_start3A_618] : memref<2048x1024xf32, #tpu.memory_space<hbm>> -> memref<1x1024xf32, #tpu.memory_space<hbm>>
    %dma_start3A_620 = tpu.memref_squeeze %dma_start3A_619 : memref<1x1024xf32, #tpu.memory_space<hbm>> -> memref<1024xf32, #tpu.memory_space<hbm>>
    %dma_start3A_621 = tpu.memref_slice %arg10[%mul3A_63] : memref<1048576xf32, #tpu.memory_space<vmem_shared>> -> memref<1024xf32, #tpu.memory_space<vmem_shared>>
    tpu.enqueue_dma source(%dma_start3A_621 : memref<1024xf32, #tpu.memory_space<vmem_shared>>) target(%dma_start3A_620 : memref<1024xf32, #tpu.memory_space<hbm>>) target_semaphore(%arg11 : memref<!tpu.dma_semaphore, #tpu.memory_space<semaphore_mem>>)
    %dma_start3A_622 = arith.constant 0 : i32
    %dma_start3A_623 = tpu.memref_slice %arg4[%add3A_75, %dma_start3A_622] : memref<2048x1024xf32, #tpu.memory_space<hbm>> -> memref<1x1024xf32, #tpu.memory_space<hbm>>
    %dma_start3A_624 = tpu.memref_squeeze %dma_start3A_623 : memref<1x1024xf32, #tpu.memory_space<hbm>> -> memref<1024xf32, #tpu.memory_space<hbm>>
    %dma_start3A_625 = tpu.memref_slice %arg10[%mul3A_72] : memref<1048576xf32, #tpu.memory_space<vmem_shared>> -> memref<1024xf32, #tpu.memory_space<vmem_shared>>
    tpu.enqueue_dma source(%dma_start3A_625 : memref<1024xf32, #tpu.memory_space<vmem_shared>>) target(%dma_start3A_624 : memref<1024xf32, #tpu.memory_space<hbm>>) target_semaphore(%arg11 : memref<!tpu.dma_semaphore, #tpu.memory_space<semaphore_mem>>)
    %dma_start3A_626 = arith.constant 0 : i32
    %dma_start3A_627 = tpu.memref_slice %arg4[%add3A_84, %dma_start3A_626] : memref<2048x1024xf32, #tpu.memory_space<hbm>> -> memref<1x1024xf32, #tpu.memory_space<hbm>>
    %dma_start3A_628 = tpu.memref_squeeze %dma_start3A_627 : memref<1x1024xf32, #tpu.memory_space<hbm>> -> memref<1024xf32, #tpu.memory_space<hbm>>
    %dma_start3A_629 = tpu.memref_slice %arg10[%mul3A_81] : memref<1048576xf32, #tpu.memory_space<vmem_shared>> -> memref<1024xf32, #tpu.memory_space<vmem_shared>>
    tpu.enqueue_dma source(%dma_start3A_629 : memref<1024xf32, #tpu.memory_space<vmem_shared>>) target(%dma_start3A_628 : memref<1024xf32, #tpu.memory_space<hbm>>) target_semaphore(%arg11 : memref<!tpu.dma_semaphore, #tpu.memory_space<semaphore_mem>>)
    %dma_start3A_630 = arith.constant 0 : i32
    %dma_start3A_631 = tpu.memref_slice %arg4[%add3A_93, %dma_start3A_630] : memref<2048x1024xf32, #tpu.memory_space<hbm>> -> memref<1x1024xf32, #tpu.memory_space<hbm>>
    %dma_start3A_632 = tpu.memref_squeeze %dma_start3A_631 : memref<1x1024xf32, #tpu.memory_space<hbm>> -> memref<1024xf32, #tpu.memory_space<hbm>>
    %dma_start3A_633 = tpu.memref_slice %arg10[%mul3A_90] : memref<1048576xf32, #tpu.memory_space<vmem_shared>> -> memref<1024xf32, #tpu.memory_space<vmem_shared>>
    tpu.enqueue_dma source(%dma_start3A_633 : memref<1024xf32, #tpu.memory_space<vmem_shared>>) target(%dma_start3A_632 : memref<1024xf32, #tpu.memory_space<hbm>>) target_semaphore(%arg11 : memref<!tpu.dma_semaphore, #tpu.memory_space<semaphore_mem>>)
    %dma_start3A_634 = arith.constant 0 : i32
    %dma_start3A_635 = tpu.memref_slice %arg4[%add3A_102, %dma_start3A_634] : memref<2048x1024xf32, #tpu.memory_space<hbm>> -> memref<1x1024xf32, #tpu.memory_space<hbm>>
    %dma_start3A_636 = tpu.memref_squeeze %dma_start3A_635 : memref<1x1024xf32, #tpu.memory_space<hbm>> -> memref<1024xf32, #tpu.memory_space<hbm>>
    %dma_start3A_637 = tpu.memref_slice %arg10[%mul3A_99] : memref<1048576xf32, #tpu.memory_space<vmem_shared>> -> memref<1024xf32, #tpu.memory_space<vmem_shared>>
    tpu.enqueue_dma source(%dma_start3A_637 : memref<1024xf32, #tpu.memory_space<vmem_shared>>) target(%dma_start3A_636 : memref<1024xf32, #tpu.memory_space<hbm>>) target_semaphore(%arg11 : memref<!tpu.dma_semaphore, #tpu.memory_space<semaphore_mem>>)
    %dma_start3A_638 = arith.constant 0 : i32
    %dma_start3A_639 = tpu.memref_slice %arg4[%add3A_111, %dma_start3A_638] : memref<2048x1024xf32, #tpu.memory_space<hbm>> -> memref<1x1024xf32, #tpu.memory_space<hbm>>
    %dma_start3A_640 = tpu.memref_squeeze %dma_start3A_639 : memref<1x1024xf32, #tpu.memory_space<hbm>> -> memref<1024xf32, #tpu.memory_space<hbm>>
    %dma_start3A_641 = tpu.memref_slice %arg10[%mul3A_108] : memref<1048576xf32, #tpu.memory_space<vmem_shared>> -> memref<1024xf32, #tpu.memory_space<vmem_shared>>
    tpu.enqueue_dma source(%dma_start3A_641 : memref<1024xf32, #tpu.memory_space<vmem_shared>>) target(%dma_start3A_640 : memref<1024xf32, #tpu.memory_space<hbm>>) target_semaphore(%arg11 : memref<!tpu.dma_semaphore, #tpu.memory_space<semaphore_mem>>)
    %dma_start3A_642 = arith.constant 0 : i32
    %dma_start3A_643 = tpu.memref_slice %arg4[%add3A_120, %dma_start3A_642] : memref<2048x1024xf32, #tpu.memory_space<hbm>> -> memref<1x1024xf32, #tpu.memory_space<hbm>>
    %dma_start3A_644 = tpu.memref_squeeze %dma_start3A_643 : memref<1x1024xf32, #tpu.memory_space<hbm>> -> memref<1024xf32, #tpu.memory_space<hbm>>
    %dma_start3A_645 = tpu.memref_slice %arg10[%mul3A_117] : memref<1048576xf32, #tpu.memory_space<vmem_shared>> -> memref<1024xf32, #tpu.memory_space<vmem_shared>>
    tpu.enqueue_dma source(%dma_start3A_645 : memref<1024xf32, #tpu.memory_space<vmem_shared>>) target(%dma_start3A_644 : memref<1024xf32, #tpu.memory_space<hbm>>) target_semaphore(%arg11 : memref<!tpu.dma_semaphore, #tpu.memory_space<semaphore_mem>>)
    %dma_start3A_646 = arith.constant 0 : i32
    %dma_start3A_647 = tpu.memref_slice %arg4[%add3A_129, %dma_start3A_646] : memref<2048x1024xf32, #tpu.memory_space<hbm>> -> memref<1x1024xf32, #tpu.memory_space<hbm>>
    %dma_start3A_648 = tpu.memref_squeeze %dma_start3A_647 : memref<1x1024xf32, #tpu.memory_space<hbm>> -> memref<1024xf32, #tpu.memory_space<hbm>>
    %dma_start3A_649 = tpu.memref_slice %arg10[%mul3A_126] : memref<1048576xf32, #tpu.memory_space<vmem_shared>> -> memref<1024xf32, #tpu.memory_space<vmem_shared>>
    tpu.enqueue_dma source(%dma_start3A_649 : memref<1024xf32, #tpu.memory_space<vmem_shared>>) target(%dma_start3A_648 : memref<1024xf32, #tpu.memory_space<hbm>>) target_semaphore(%arg11 : memref<!tpu.dma_semaphore, #tpu.memory_space<semaphore_mem>>)
    %dma_start3A_650 = arith.constant 0 : i32
    %dma_start3A_651 = tpu.memref_slice %arg4[%add3A_138, %dma_start3A_650] : memref<2048x1024xf32, #tpu.memory_space<hbm>> -> memref<1x1024xf32, #tpu.memory_space<hbm>>
    %dma_start3A_652 = tpu.memref_squeeze %dma_start3A_651 : memref<1x1024xf32, #tpu.memory_space<hbm>> -> memref<1024xf32, #tpu.memory_space<hbm>>
    %dma_start3A_653 = tpu.memref_slice %arg10[%mul3A_135] : memref<1048576xf32, #tpu.memory_space<vmem_shared>> -> memref<1024xf32, #tpu.memory_space<vmem_shared>>
    tpu.enqueue_dma source(%dma_start3A_653 : memref<1024xf32, #tpu.memory_space<vmem_shared>>) target(%dma_start3A_652 : memref<1024xf32, #tpu.memory_space<hbm>>) target_semaphore(%arg11 : memref<!tpu.dma_semaphore, #tpu.memory_space<semaphore_mem>>)
    %dma_start3A_654 = arith.constant 0 : i32
    %dma_start3A_655 = tpu.memref_slice %arg4[%add3A_147, %dma_start3A_654] : memref<2048x1024xf32, #tpu.memory_space<hbm>> -> memref<1x1024xf32, #tpu.memory_space<hbm>>
    %dma_start3A_656 = tpu.memref_squeeze %dma_start3A_655 : memref<1x1024xf32, #tpu.memory_space<hbm>> -> memref<1024xf32, #tpu.memory_space<hbm>>
    %dma_start3A_657 = tpu.memref_slice %arg10[%mul3A_144] : memref<1048576xf32, #tpu.memory_space<vmem_shared>> -> memref<1024xf32, #tpu.memory_space<vmem_shared>>
    tpu.enqueue_dma source(%dma_start3A_657 : memref<1024xf32, #tpu.memory_space<vmem_shared>>) target(%dma_start3A_656 : memref<1024xf32, #tpu.memory_space<hbm>>) target_semaphore(%arg11 : memref<!tpu.dma_semaphore, #tpu.memory_space<semaphore_mem>>)
    %dma_start3A_658 = arith.constant 0 : i32
    %dma_start3A_659 = tpu.memref_slice %arg4[%add3A_156, %dma_start3A_658] : memref<2048x1024xf32, #tpu.memory_space<hbm>> -> memref<1x1024xf32, #tpu.memory_space<hbm>>
    %dma_start3A_660 = tpu.memref_squeeze %dma_start3A_659 : memref<1x1024xf32, #tpu.memory_space<hbm>> -> memref<1024xf32, #tpu.memory_space<hbm>>
    %dma_start3A_661 = tpu.memref_slice %arg10[%mul3A_153] : memref<1048576xf32, #tpu.memory_space<vmem_shared>> -> memref<1024xf32, #tpu.memory_space<vmem_shared>>
    tpu.enqueue_dma source(%dma_start3A_661 : memref<1024xf32, #tpu.memory_space<vmem_shared>>) target(%dma_start3A_660 : memref<1024xf32, #tpu.memory_space<hbm>>) target_semaphore(%arg11 : memref<!tpu.dma_semaphore, #tpu.memory_space<semaphore_mem>>)
    %dma_start3A_662 = arith.constant 0 : i32
    %dma_start3A_663 = tpu.memref_slice %arg4[%add3A_165, %dma_start3A_662] : memref<2048x1024xf32, #tpu.memory_space<hbm>> -> memref<1x1024xf32, #tpu.memory_space<hbm>>
    %dma_start3A_664 = tpu.memref_squeeze %dma_start3A_663 : memref<1x1024xf32, #tpu.memory_space<hbm>> -> memref<1024xf32, #tpu.memory_space<hbm>>
    %dma_start3A_665 = tpu.memref_slice %arg10[%mul3A_162] : memref<1048576xf32, #tpu.memory_space<vmem_shared>> -> memref<1024xf32, #tpu.memory_space<vmem_shared>>
    tpu.enqueue_dma source(%dma_start3A_665 : memref<1024xf32, #tpu.memory_space<vmem_shared>>) target(%dma_start3A_664 : memref<1024xf32, #tpu.memory_space<hbm>>) target_semaphore(%arg11 : memref<!tpu.dma_semaphore, #tpu.memory_space<semaphore_mem>>)
    %dma_start3A_666 = arith.constant 0 : i32
    %dma_start3A_667 = tpu.memref_slice %arg4[%add3A_174, %dma_start3A_666] : memref<2048x1024xf32, #tpu.memory_space<hbm>> -> memref<1x1024xf32, #tpu.memory_space<hbm>>
    %dma_start3A_668 = tpu.memref_squeeze %dma_start3A_667 : memref<1x1024xf32, #tpu.memory_space<hbm>> -> memref<1024xf32, #tpu.memory_space<hbm>>
    %dma_start3A_669 = tpu.memref_slice %arg10[%mul3A_171] : memref<1048576xf32, #tpu.memory_space<vmem_shared>> -> memref<1024xf32, #tpu.memory_space<vmem_shared>>
    tpu.enqueue_dma source(%dma_start3A_669 : memref<1024xf32, #tpu.memory_space<vmem_shared>>) target(%dma_start3A_668 : memref<1024xf32, #tpu.memory_space<hbm>>) target_semaphore(%arg11 : memref<!tpu.dma_semaphore, #tpu.memory_space<semaphore_mem>>)
    %dma_start3A_670 = arith.constant 0 : i32
    %dma_start3A_671 = tpu.memref_slice %arg4[%add3A_183, %dma_start3A_670] : memref<2048x1024xf32, #tpu.memory_space<hbm>> -> memref<1x1024xf32, #tpu.memory_space<hbm>>
    %dma_start3A_672 = tpu.memref_squeeze %dma_start3A_671 : memref<1x1024xf32, #tpu.memory_space<hbm>> -> memref<1024xf32, #tpu.memory_space<hbm>>
    %dma_start3A_673 = tpu.memref_slice %arg10[%mul3A_180] : memref<1048576xf32, #tpu.memory_space<vmem_shared>> -> memref<1024xf32, #tpu.memory_space<vmem_shared>>
    tpu.enqueue_dma source(%dma_start3A_673 : memref<1024xf32, #tpu.memory_space<vmem_shared>>) target(%dma_start3A_672 : memref<1024xf32, #tpu.memory_space<hbm>>) target_semaphore(%arg11 : memref<!tpu.dma_semaphore, #tpu.memory_space<semaphore_mem>>)
    %dma_start3A_674 = arith.constant 0 : i32
    %dma_start3A_675 = tpu.memref_slice %arg4[%add3A_192, %dma_start3A_674] : memref<2048x1024xf32, #tpu.memory_space<hbm>> -> memref<1x1024xf32, #tpu.memory_space<hbm>>
    %dma_start3A_676 = tpu.memref_squeeze %dma_start3A_675 : memref<1x1024xf32, #tpu.memory_space<hbm>> -> memref<1024xf32, #tpu.memory_space<hbm>>
    %dma_start3A_677 = tpu.memref_slice %arg10[%mul3A_189] : memref<1048576xf32, #tpu.memory_space<vmem_shared>> -> memref<1024xf32, #tpu.memory_space<vmem_shared>>
    tpu.enqueue_dma source(%dma_start3A_677 : memref<1024xf32, #tpu.memory_space<vmem_shared>>) target(%dma_start3A_676 : memref<1024xf32, #tpu.memory_space<hbm>>) target_semaphore(%arg11 : memref<!tpu.dma_semaphore, #tpu.memory_space<semaphore_mem>>)
    %dma_start3A_678 = arith.constant 0 : i32
    %dma_start3A_679 = tpu.memref_slice %arg4[%add3A_201, %dma_start3A_678] : memref<2048x1024xf32, #tpu.memory_space<hbm>> -> memref<1x1024xf32, #tpu.memory_space<hbm>>
    %dma_start3A_680 = tpu.memref_squeeze %dma_start3A_679 : memref<1x1024xf32, #tpu.memory_space<hbm>> -> memref<1024xf32, #tpu.memory_space<hbm>>
    %dma_start3A_681 = tpu.memref_slice %arg10[%mul3A_198] : memref<1048576xf32, #tpu.memory_space<vmem_shared>> -> memref<1024xf32, #tpu.memory_space<vmem_shared>>
    tpu.enqueue_dma source(%dma_start3A_681 : memref<1024xf32, #tpu.memory_space<vmem_shared>>) target(%dma_start3A_680 : memref<1024xf32, #tpu.memory_space<hbm>>) target_semaphore(%arg11 : memref<!tpu.dma_semaphore, #tpu.memory_space<semaphore_mem>>)
    %dma_start3A_682 = arith.constant 0 : i32
    %dma_start3A_683 = tpu.memref_slice %arg4[%add3A_210, %dma_start3A_682] : memref<2048x1024xf32, #tpu.memory_space<hbm>> -> memref<1x1024xf32, #tpu.memory_space<hbm>>
    %dma_start3A_684 = tpu.memref_squeeze %dma_start3A_683 : memref<1x1024xf32, #tpu.memory_space<hbm>> -> memref<1024xf32, #tpu.memory_space<hbm>>
    %dma_start3A_685 = tpu.memref_slice %arg10[%mul3A_207] : memref<1048576xf32, #tpu.memory_space<vmem_shared>> -> memref<1024xf32, #tpu.memory_space<vmem_shared>>
    tpu.enqueue_dma source(%dma_start3A_685 : memref<1024xf32, #tpu.memory_space<vmem_shared>>) target(%dma_start3A_684 : memref<1024xf32, #tpu.memory_space<hbm>>) target_semaphore(%arg11 : memref<!tpu.dma_semaphore, #tpu.memory_space<semaphore_mem>>)
    %dma_start3A_686 = arith.constant 0 : i32
    %dma_start3A_687 = tpu.memref_slice %arg4[%add3A_219, %dma_start3A_686] : memref<2048x1024xf32, #tpu.memory_space<hbm>> -> memref<1x1024xf32, #tpu.memory_space<hbm>>
    %dma_start3A_688 = tpu.memref_squeeze %dma_start3A_687 : memref<1x1024xf32, #tpu.memory_space<hbm>> -> memref<1024xf32, #tpu.memory_space<hbm>>
    %dma_start3A_689 = tpu.memref_slice %arg10[%mul3A_216] : memref<1048576xf32, #tpu.memory_space<vmem_shared>> -> memref<1024xf32, #tpu.memory_space<vmem_shared>>
    tpu.enqueue_dma source(%dma_start3A_689 : memref<1024xf32, #tpu.memory_space<vmem_shared>>) target(%dma_start3A_688 : memref<1024xf32, #tpu.memory_space<hbm>>) target_semaphore(%arg11 : memref<!tpu.dma_semaphore, #tpu.memory_space<semaphore_mem>>)
    %dma_start3A_690 = arith.constant 0 : i32
    %dma_start3A_691 = tpu.memref_slice %arg4[%add3A_228, %dma_start3A_690] : memref<2048x1024xf32, #tpu.memory_space<hbm>> -> memref<1x1024xf32, #tpu.memory_space<hbm>>
    %dma_start3A_692 = tpu.memref_squeeze %dma_start3A_691 : memref<1x1024xf32, #tpu.memory_space<hbm>> -> memref<1024xf32, #tpu.memory_space<hbm>>
    %dma_start3A_693 = tpu.memref_slice %arg10[%mul3A_225] : memref<1048576xf32, #tpu.memory_space<vmem_shared>> -> memref<1024xf32, #tpu.memory_space<vmem_shared>>
    tpu.enqueue_dma source(%dma_start3A_693 : memref<1024xf32, #tpu.memory_space<vmem_shared>>) target(%dma_start3A_692 : memref<1024xf32, #tpu.memory_space<hbm>>) target_semaphore(%arg11 : memref<!tpu.dma_semaphore, #tpu.memory_space<semaphore_mem>>)
    %dma_start3A_694 = arith.constant 0 : i32
    %dma_start3A_695 = tpu.memref_slice %arg4[%add3A_237, %dma_start3A_694] : memref<2048x1024xf32, #tpu.memory_space<hbm>> -> memref<1x1024xf32, #tpu.memory_space<hbm>>
    %dma_start3A_696 = tpu.memref_squeeze %dma_start3A_695 : memref<1x1024xf32, #tpu.memory_space<hbm>> -> memref<1024xf32, #tpu.memory_space<hbm>>
    %dma_start3A_697 = tpu.memref_slice %arg10[%mul3A_234] : memref<1048576xf32, #tpu.memory_space<vmem_shared>> -> memref<1024xf32, #tpu.memory_space<vmem_shared>>
    tpu.enqueue_dma source(%dma_start3A_697 : memref<1024xf32, #tpu.memory_space<vmem_shared>>) target(%dma_start3A_696 : memref<1024xf32, #tpu.memory_space<hbm>>) target_semaphore(%arg11 : memref<!tpu.dma_semaphore, #tpu.memory_space<semaphore_mem>>)
    %dma_start3A_698 = arith.constant 0 : i32
    %dma_start3A_699 = tpu.memref_slice %arg4[%add3A_246, %dma_start3A_698] : memref<2048x1024xf32, #tpu.memory_space<hbm>> -> memref<1x1024xf32, #tpu.memory_space<hbm>>
    %dma_start3A_700 = tpu.memref_squeeze %dma_start3A_699 : memref<1x1024xf32, #tpu.memory_space<hbm>> -> memref<1024xf32, #tpu.memory_space<hbm>>
    %dma_start3A_701 = tpu.memref_slice %arg10[%mul3A_243] : memref<1048576xf32, #tpu.memory_space<vmem_shared>> -> memref<1024xf32, #tpu.memory_space<vmem_shared>>
    tpu.enqueue_dma source(%dma_start3A_701 : memref<1024xf32, #tpu.memory_space<vmem_shared>>) target(%dma_start3A_700 : memref<1024xf32, #tpu.memory_space<hbm>>) target_semaphore(%arg11 : memref<!tpu.dma_semaphore, #tpu.memory_space<semaphore_mem>>)
    %dma_start3A_702 = arith.constant 0 : i32
    %dma_start3A_703 = tpu.memref_slice %arg4[%add3A_255, %dma_start3A_702] : memref<2048x1024xf32, #tpu.memory_space<hbm>> -> memref<1x1024xf32, #tpu.memory_space<hbm>>
    %dma_start3A_704 = tpu.memref_squeeze %dma_start3A_703 : memref<1x1024xf32, #tpu.memory_space<hbm>> -> memref<1024xf32, #tpu.memory_space<hbm>>
    %dma_start3A_705 = tpu.memref_slice %arg10[%mul3A_252] : memref<1048576xf32, #tpu.memory_space<vmem_shared>> -> memref<1024xf32, #tpu.memory_space<vmem_shared>>
    tpu.enqueue_dma source(%dma_start3A_705 : memref<1024xf32, #tpu.memory_space<vmem_shared>>) target(%dma_start3A_704 : memref<1024xf32, #tpu.memory_space<hbm>>) target_semaphore(%arg11 : memref<!tpu.dma_semaphore, #tpu.memory_space<semaphore_mem>>)
    %dma_start3A_706 = arith.constant 0 : i32
    %dma_start3A_707 = tpu.memref_slice %arg4[%add3A_264, %dma_start3A_706] : memref<2048x1024xf32, #tpu.memory_space<hbm>> -> memref<1x1024xf32, #tpu.memory_space<hbm>>
    %dma_start3A_708 = tpu.memref_squeeze %dma_start3A_707 : memref<1x1024xf32, #tpu.memory_space<hbm>> -> memref<1024xf32, #tpu.memory_space<hbm>>
    %dma_start3A_709 = tpu.memref_slice %arg10[%mul3A_261] : memref<1048576xf32, #tpu.memory_space<vmem_shared>> -> memref<1024xf32, #tpu.memory_space<vmem_shared>>
    tpu.enqueue_dma source(%dma_start3A_709 : memref<1024xf32, #tpu.memory_space<vmem_shared>>) target(%dma_start3A_708 : memref<1024xf32, #tpu.memory_space<hbm>>) target_semaphore(%arg11 : memref<!tpu.dma_semaphore, #tpu.memory_space<semaphore_mem>>)
    %dma_start3A_710 = arith.constant 0 : i32
    %dma_start3A_711 = tpu.memref_slice %arg4[%add3A_273, %dma_start3A_710] : memref<2048x1024xf32, #tpu.memory_space<hbm>> -> memref<1x1024xf32, #tpu.memory_space<hbm>>
    %dma_start3A_712 = tpu.memref_squeeze %dma_start3A_711 : memref<1x1024xf32, #tpu.memory_space<hbm>> -> memref<1024xf32, #tpu.memory_space<hbm>>
    %dma_start3A_713 = tpu.memref_slice %arg10[%mul3A_270] : memref<1048576xf32, #tpu.memory_space<vmem_shared>> -> memref<1024xf32, #tpu.memory_space<vmem_shared>>
    tpu.enqueue_dma source(%dma_start3A_713 : memref<1024xf32, #tpu.memory_space<vmem_shared>>) target(%dma_start3A_712 : memref<1024xf32, #tpu.memory_space<hbm>>) target_semaphore(%arg11 : memref<!tpu.dma_semaphore, #tpu.memory_space<semaphore_mem>>)
    %dma_start3A_714 = arith.constant 0 : i32
    %dma_start3A_715 = tpu.memref_slice %arg4[%add3A_282, %dma_start3A_714] : memref<2048x1024xf32, #tpu.memory_space<hbm>> -> memref<1x1024xf32, #tpu.memory_space<hbm>>
    %dma_start3A_716 = tpu.memref_squeeze %dma_start3A_715 : memref<1x1024xf32, #tpu.memory_space<hbm>> -> memref<1024xf32, #tpu.memory_space<hbm>>
    %dma_start3A_717 = tpu.memref_slice %arg10[%mul3A_279] : memref<1048576xf32, #tpu.memory_space<vmem_shared>> -> memref<1024xf32, #tpu.memory_space<vmem_shared>>
    tpu.enqueue_dma source(%dma_start3A_717 : memref<1024xf32, #tpu.memory_space<vmem_shared>>) target(%dma_start3A_716 : memref<1024xf32, #tpu.memory_space<hbm>>) target_semaphore(%arg11 : memref<!tpu.dma_semaphore, #tpu.memory_space<semaphore_mem>>)
    %dma_start3A_718 = arith.constant 0 : i32
    %dma_start3A_719 = tpu.memref_slice %arg4[%add3A_291, %dma_start3A_718] : memref<2048x1024xf32, #tpu.memory_space<hbm>> -> memref<1x1024xf32, #tpu.memory_space<hbm>>
    %dma_start3A_720 = tpu.memref_squeeze %dma_start3A_719 : memref<1x1024xf32, #tpu.memory_space<hbm>> -> memref<1024xf32, #tpu.memory_space<hbm>>
    %dma_start3A_721 = tpu.memref_slice %arg10[%mul3A_288] : memref<1048576xf32, #tpu.memory_space<vmem_shared>> -> memref<1024xf32, #tpu.memory_space<vmem_shared>>
    tpu.enqueue_dma source(%dma_start3A_721 : memref<1024xf32, #tpu.memory_space<vmem_shared>>) target(%dma_start3A_720 : memref<1024xf32, #tpu.memory_space<hbm>>) target_semaphore(%arg11 : memref<!tpu.dma_semaphore, #tpu.memory_space<semaphore_mem>>)
    %dma_start3A_722 = arith.constant 0 : i32
    %dma_start3A_723 = tpu.memref_slice %arg4[%add3A_300, %dma_start3A_722] : memref<2048x1024xf32, #tpu.memory_space<hbm>> -> memref<1x1024xf32, #tpu.memory_space<hbm>>
    %dma_start3A_724 = tpu.memref_squeeze %dma_start3A_723 : memref<1x1024xf32, #tpu.memory_space<hbm>> -> memref<1024xf32, #tpu.memory_space<hbm>>
    %dma_start3A_725 = tpu.memref_slice %arg10[%mul3A_297] : memref<1048576xf32, #tpu.memory_space<vmem_shared>> -> memref<1024xf32, #tpu.memory_space<vmem_shared>>
    tpu.enqueue_dma source(%dma_start3A_725 : memref<1024xf32, #tpu.memory_space<vmem_shared>>) target(%dma_start3A_724 : memref<1024xf32, #tpu.memory_space<hbm>>) target_semaphore(%arg11 : memref<!tpu.dma_semaphore, #tpu.memory_space<semaphore_mem>>)
    %dma_start3A_726 = arith.constant 0 : i32
    %dma_start3A_727 = tpu.memref_slice %arg4[%add3A_309, %dma_start3A_726] : memref<2048x1024xf32, #tpu.memory_space<hbm>> -> memref<1x1024xf32, #tpu.memory_space<hbm>>
    %dma_start3A_728 = tpu.memref_squeeze %dma_start3A_727 : memref<1x1024xf32, #tpu.memory_space<hbm>> -> memref<1024xf32, #tpu.memory_space<hbm>>
    %dma_start3A_729 = tpu.memref_slice %arg10[%mul3A_306] : memref<1048576xf32, #tpu.memory_space<vmem_shared>> -> memref<1024xf32, #tpu.memory_space<vmem_shared>>
    tpu.enqueue_dma source(%dma_start3A_729 : memref<1024xf32, #tpu.memory_space<vmem_shared>>) target(%dma_start3A_728 : memref<1024xf32, #tpu.memory_space<hbm>>) target_semaphore(%arg11 : memref<!tpu.dma_semaphore, #tpu.memory_space<semaphore_mem>>)
    %dma_start3A_730 = arith.constant 0 : i32
    %dma_start3A_731 = tpu.memref_slice %arg4[%add3A_318, %dma_start3A_730] : memref<2048x1024xf32, #tpu.memory_space<hbm>> -> memref<1x1024xf32, #tpu.memory_space<hbm>>
    %dma_start3A_732 = tpu.memref_squeeze %dma_start3A_731 : memref<1x1024xf32, #tpu.memory_space<hbm>> -> memref<1024xf32, #tpu.memory_space<hbm>>
    %dma_start3A_733 = tpu.memref_slice %arg10[%mul3A_315] : memref<1048576xf32, #tpu.memory_space<vmem_shared>> -> memref<1024xf32, #tpu.memory_space<vmem_shared>>
    tpu.enqueue_dma source(%dma_start3A_733 : memref<1024xf32, #tpu.memory_space<vmem_shared>>) target(%dma_start3A_732 : memref<1024xf32, #tpu.memory_space<hbm>>) target_semaphore(%arg11 : memref<!tpu.dma_semaphore, #tpu.memory_space<semaphore_mem>>)
    %dma_start3A_734 = arith.constant 0 : i32
    %dma_start3A_735 = tpu.memref_slice %arg4[%add3A_327, %dma_start3A_734] : memref<2048x1024xf32, #tpu.memory_space<hbm>> -> memref<1x1024xf32, #tpu.memory_space<hbm>>
    %dma_start3A_736 = tpu.memref_squeeze %dma_start3A_735 : memref<1x1024xf32, #tpu.memory_space<hbm>> -> memref<1024xf32, #tpu.memory_space<hbm>>
    %dma_start3A_737 = tpu.memref_slice %arg10[%mul3A_324] : memref<1048576xf32, #tpu.memory_space<vmem_shared>> -> memref<1024xf32, #tpu.memory_space<vmem_shared>>
    tpu.enqueue_dma source(%dma_start3A_737 : memref<1024xf32, #tpu.memory_space<vmem_shared>>) target(%dma_start3A_736 : memref<1024xf32, #tpu.memory_space<hbm>>) target_semaphore(%arg11 : memref<!tpu.dma_semaphore, #tpu.memory_space<semaphore_mem>>)
    %dma_start3A_738 = arith.constant 0 : i32
    %dma_start3A_739 = tpu.memref_slice %arg4[%add3A_336, %dma_start3A_738] : memref<2048x1024xf32, #tpu.memory_space<hbm>> -> memref<1x1024xf32, #tpu.memory_space<hbm>>
    %dma_start3A_740 = tpu.memref_squeeze %dma_start3A_739 : memref<1x1024xf32, #tpu.memory_space<hbm>> -> memref<1024xf32, #tpu.memory_space<hbm>>
    %dma_start3A_741 = tpu.memref_slice %arg10[%mul3A_333] : memref<1048576xf32, #tpu.memory_space<vmem_shared>> -> memref<1024xf32, #tpu.memory_space<vmem_shared>>
    tpu.enqueue_dma source(%dma_start3A_741 : memref<1024xf32, #tpu.memory_space<vmem_shared>>) target(%dma_start3A_740 : memref<1024xf32, #tpu.memory_space<hbm>>) target_semaphore(%arg11 : memref<!tpu.dma_semaphore, #tpu.memory_space<semaphore_mem>>)
    %dma_start3A_742 = arith.constant 0 : i32
    %dma_start3A_743 = tpu.memref_slice %arg4[%add3A_345, %dma_start3A_742] : memref<2048x1024xf32, #tpu.memory_space<hbm>> -> memref<1x1024xf32, #tpu.memory_space<hbm>>
    %dma_start3A_744 = tpu.memref_squeeze %dma_start3A_743 : memref<1x1024xf32, #tpu.memory_space<hbm>> -> memref<1024xf32, #tpu.memory_space<hbm>>
    %dma_start3A_745 = tpu.memref_slice %arg10[%mul3A_342] : memref<1048576xf32, #tpu.memory_space<vmem_shared>> -> memref<1024xf32, #tpu.memory_space<vmem_shared>>
    tpu.enqueue_dma source(%dma_start3A_745 : memref<1024xf32, #tpu.memory_space<vmem_shared>>) target(%dma_start3A_744 : memref<1024xf32, #tpu.memory_space<hbm>>) target_semaphore(%arg11 : memref<!tpu.dma_semaphore, #tpu.memory_space<semaphore_mem>>)
    %dma_start3A_746 = arith.constant 0 : i32
    %dma_start3A_747 = tpu.memref_slice %arg4[%add3A_354, %dma_start3A_746] : memref<2048x1024xf32, #tpu.memory_space<hbm>> -> memref<1x1024xf32, #tpu.memory_space<hbm>>
    %dma_start3A_748 = tpu.memref_squeeze %dma_start3A_747 : memref<1x1024xf32, #tpu.memory_space<hbm>> -> memref<1024xf32, #tpu.memory_space<hbm>>
    %dma_start3A_749 = tpu.memref_slice %arg10[%mul3A_351] : memref<1048576xf32, #tpu.memory_space<vmem_shared>> -> memref<1024xf32, #tpu.memory_space<vmem_shared>>
    tpu.enqueue_dma source(%dma_start3A_749 : memref<1024xf32, #tpu.memory_space<vmem_shared>>) target(%dma_start3A_748 : memref<1024xf32, #tpu.memory_space<hbm>>) target_semaphore(%arg11 : memref<!tpu.dma_semaphore, #tpu.memory_space<semaphore_mem>>)
    %dma_start3A_750 = arith.constant 0 : i32
    %dma_start3A_751 = tpu.memref_slice %arg4[%add3A_363, %dma_start3A_750] : memref<2048x1024xf32, #tpu.memory_space<hbm>> -> memref<1x1024xf32, #tpu.memory_space<hbm>>
    %dma_start3A_752 = tpu.memref_squeeze %dma_start3A_751 : memref<1x1024xf32, #tpu.memory_space<hbm>> -> memref<1024xf32, #tpu.memory_space<hbm>>
    %dma_start3A_753 = tpu.memref_slice %arg10[%mul3A_360] : memref<1048576xf32, #tpu.memory_space<vmem_shared>> -> memref<1024xf32, #tpu.memory_space<vmem_shared>>
    tpu.enqueue_dma source(%dma_start3A_753 : memref<1024xf32, #tpu.memory_space<vmem_shared>>) target(%dma_start3A_752 : memref<1024xf32, #tpu.memory_space<hbm>>) target_semaphore(%arg11 : memref<!tpu.dma_semaphore, #tpu.memory_space<semaphore_mem>>)
    %dma_start3A_754 = arith.constant 0 : i32
    %dma_start3A_755 = tpu.memref_slice %arg4[%add3A_372, %dma_start3A_754] : memref<2048x1024xf32, #tpu.memory_space<hbm>> -> memref<1x1024xf32, #tpu.memory_space<hbm>>
    %dma_start3A_756 = tpu.memref_squeeze %dma_start3A_755 : memref<1x1024xf32, #tpu.memory_space<hbm>> -> memref<1024xf32, #tpu.memory_space<hbm>>
    %dma_start3A_757 = tpu.memref_slice %arg10[%mul3A_369] : memref<1048576xf32, #tpu.memory_space<vmem_shared>> -> memref<1024xf32, #tpu.memory_space<vmem_shared>>
    tpu.enqueue_dma source(%dma_start3A_757 : memref<1024xf32, #tpu.memory_space<vmem_shared>>) target(%dma_start3A_756 : memref<1024xf32, #tpu.memory_space<hbm>>) target_semaphore(%arg11 : memref<!tpu.dma_semaphore, #tpu.memory_space<semaphore_mem>>)
    %dma_start3A_758 = arith.constant 0 : i32
    %dma_start3A_759 = tpu.memref_slice %arg4[%add3A_381, %dma_start3A_758] : memref<2048x1024xf32, #tpu.memory_space<hbm>> -> memref<1x1024xf32, #tpu.memory_space<hbm>>
    %dma_start3A_760 = tpu.memref_squeeze %dma_start3A_759 : memref<1x1024xf32, #tpu.memory_space<hbm>> -> memref<1024xf32, #tpu.memory_space<hbm>>
    %dma_start3A_761 = tpu.memref_slice %arg10[%mul3A_378] : memref<1048576xf32, #tpu.memory_space<vmem_shared>> -> memref<1024xf32, #tpu.memory_space<vmem_shared>>
    tpu.enqueue_dma source(%dma_start3A_761 : memref<1024xf32, #tpu.memory_space<vmem_shared>>) target(%dma_start3A_760 : memref<1024xf32, #tpu.memory_space<hbm>>) target_semaphore(%arg11 : memref<!tpu.dma_semaphore, #tpu.memory_space<semaphore_mem>>)
    %dma_start3A_762 = arith.constant 0 : i32
    %dma_start3A_763 = tpu.memref_slice %arg4[%add3A_390, %dma_start3A_762] : memref<2048x1024xf32, #tpu.memory_space<hbm>> -> memref<1x1024xf32, #tpu.memory_space<hbm>>
    %dma_start3A_764 = tpu.memref_squeeze %dma_start3A_763 : memref<1x1024xf32, #tpu.memory_space<hbm>> -> memref<1024xf32, #tpu.memory_space<hbm>>
    %dma_start3A_765 = tpu.memref_slice %arg10[%mul3A_387] : memref<1048576xf32, #tpu.memory_space<vmem_shared>> -> memref<1024xf32, #tpu.memory_space<vmem_shared>>
    tpu.enqueue_dma source(%dma_start3A_765 : memref<1024xf32, #tpu.memory_space<vmem_shared>>) target(%dma_start3A_764 : memref<1024xf32, #tpu.memory_space<hbm>>) target_semaphore(%arg11 : memref<!tpu.dma_semaphore, #tpu.memory_space<semaphore_mem>>)
    %dma_start3A_766 = arith.constant 0 : i32
    %dma_start3A_767 = tpu.memref_slice %arg4[%add3A_399, %dma_start3A_766] : memref<2048x1024xf32, #tpu.memory_space<hbm>> -> memref<1x1024xf32, #tpu.memory_space<hbm>>
    %dma_start3A_768 = tpu.memref_squeeze %dma_start3A_767 : memref<1x1024xf32, #tpu.memory_space<hbm>> -> memref<1024xf32, #tpu.memory_space<hbm>>
    %dma_start3A_769 = tpu.memref_slice %arg10[%mul3A_396] : memref<1048576xf32, #tpu.memory_space<vmem_shared>> -> memref<1024xf32, #tpu.memory_space<vmem_shared>>
    tpu.enqueue_dma source(%dma_start3A_769 : memref<1024xf32, #tpu.memory_space<vmem_shared>>) target(%dma_start3A_768 : memref<1024xf32, #tpu.memory_space<hbm>>) target_semaphore(%arg11 : memref<!tpu.dma_semaphore, #tpu.memory_space<semaphore_mem>>)
    %dma_start3A_770 = arith.constant 0 : i32
    %dma_start3A_771 = tpu.memref_slice %arg4[%add3A_408, %dma_start3A_770] : memref<2048x1024xf32, #tpu.memory_space<hbm>> -> memref<1x1024xf32, #tpu.memory_space<hbm>>
    %dma_start3A_772 = tpu.memref_squeeze %dma_start3A_771 : memref<1x1024xf32, #tpu.memory_space<hbm>> -> memref<1024xf32, #tpu.memory_space<hbm>>
    %dma_start3A_773 = tpu.memref_slice %arg10[%mul3A_405] : memref<1048576xf32, #tpu.memory_space<vmem_shared>> -> memref<1024xf32, #tpu.memory_space<vmem_shared>>
    tpu.enqueue_dma source(%dma_start3A_773 : memref<1024xf32, #tpu.memory_space<vmem_shared>>) target(%dma_start3A_772 : memref<1024xf32, #tpu.memory_space<hbm>>) target_semaphore(%arg11 : memref<!tpu.dma_semaphore, #tpu.memory_space<semaphore_mem>>)
    %dma_start3A_774 = arith.constant 0 : i32
    %dma_start3A_775 = tpu.memref_slice %arg4[%add3A_417, %dma_start3A_774] : memref<2048x1024xf32, #tpu.memory_space<hbm>> -> memref<1x1024xf32, #tpu.memory_space<hbm>>
    %dma_start3A_776 = tpu.memref_squeeze %dma_start3A_775 : memref<1x1024xf32, #tpu.memory_space<hbm>> -> memref<1024xf32, #tpu.memory_space<hbm>>
    %dma_start3A_777 = tpu.memref_slice %arg10[%mul3A_414] : memref<1048576xf32, #tpu.memory_space<vmem_shared>> -> memref<1024xf32, #tpu.memory_space<vmem_shared>>
    tpu.enqueue_dma source(%dma_start3A_777 : memref<1024xf32, #tpu.memory_space<vmem_shared>>) target(%dma_start3A_776 : memref<1024xf32, #tpu.memory_space<hbm>>) target_semaphore(%arg11 : memref<!tpu.dma_semaphore, #tpu.memory_space<semaphore_mem>>)
    %dma_start3A_778 = arith.constant 0 : i32
    %dma_start3A_779 = tpu.memref_slice %arg4[%add3A_426, %dma_start3A_778] : memref<2048x1024xf32, #tpu.memory_space<hbm>> -> memref<1x1024xf32, #tpu.memory_space<hbm>>
    %dma_start3A_780 = tpu.memref_squeeze %dma_start3A_779 : memref<1x1024xf32, #tpu.memory_space<hbm>> -> memref<1024xf32, #tpu.memory_space<hbm>>
    %dma_start3A_781 = tpu.memref_slice %arg10[%mul3A_423] : memref<1048576xf32, #tpu.memory_space<vmem_shared>> -> memref<1024xf32, #tpu.memory_space<vmem_shared>>
    tpu.enqueue_dma source(%dma_start3A_781 : memref<1024xf32, #tpu.memory_space<vmem_shared>>) target(%dma_start3A_780 : memref<1024xf32, #tpu.memory_space<hbm>>) target_semaphore(%arg11 : memref<!tpu.dma_semaphore, #tpu.memory_space<semaphore_mem>>)
    %dma_start3A_782 = arith.constant 0 : i32
    %dma_start3A_783 = tpu.memref_slice %arg4[%add3A_435, %dma_start3A_782] : memref<2048x1024xf32, #tpu.memory_space<hbm>> -> memref<1x1024xf32, #tpu.memory_space<hbm>>
    %dma_start3A_784 = tpu.memref_squeeze %dma_start3A_783 : memref<1x1024xf32, #tpu.memory_space<hbm>> -> memref<1024xf32, #tpu.memory_space<hbm>>
    %dma_start3A_785 = tpu.memref_slice %arg10[%mul3A_432] : memref<1048576xf32, #tpu.memory_space<vmem_shared>> -> memref<1024xf32, #tpu.memory_space<vmem_shared>>
    tpu.enqueue_dma source(%dma_start3A_785 : memref<1024xf32, #tpu.memory_space<vmem_shared>>) target(%dma_start3A_784 : memref<1024xf32, #tpu.memory_space<hbm>>) target_semaphore(%arg11 : memref<!tpu.dma_semaphore, #tpu.memory_space<semaphore_mem>>)
    %dma_start3A_786 = arith.constant 0 : i32
    %dma_start3A_787 = tpu.memref_slice %arg4[%add3A_444, %dma_start3A_786] : memref<2048x1024xf32, #tpu.memory_space<hbm>> -> memref<1x1024xf32, #tpu.memory_space<hbm>>
    %dma_start3A_788 = tpu.memref_squeeze %dma_start3A_787 : memref<1x1024xf32, #tpu.memory_space<hbm>> -> memref<1024xf32, #tpu.memory_space<hbm>>
    %dma_start3A_789 = tpu.memref_slice %arg10[%mul3A_441] : memref<1048576xf32, #tpu.memory_space<vmem_shared>> -> memref<1024xf32, #tpu.memory_space<vmem_shared>>
    tpu.enqueue_dma source(%dma_start3A_789 : memref<1024xf32, #tpu.memory_space<vmem_shared>>) target(%dma_start3A_788 : memref<1024xf32, #tpu.memory_space<hbm>>) target_semaphore(%arg11 : memref<!tpu.dma_semaphore, #tpu.memory_space<semaphore_mem>>)
    %dma_start3A_790 = arith.constant 0 : i32
    %dma_start3A_791 = tpu.memref_slice %arg4[%add3A_453, %dma_start3A_790] : memref<2048x1024xf32, #tpu.memory_space<hbm>> -> memref<1x1024xf32, #tpu.memory_space<hbm>>
    %dma_start3A_792 = tpu.memref_squeeze %dma_start3A_791 : memref<1x1024xf32, #tpu.memory_space<hbm>> -> memref<1024xf32, #tpu.memory_space<hbm>>
    %dma_start3A_793 = tpu.memref_slice %arg10[%mul3A_450] : memref<1048576xf32, #tpu.memory_space<vmem_shared>> -> memref<1024xf32, #tpu.memory_space<vmem_shared>>
    tpu.enqueue_dma source(%dma_start3A_793 : memref<1024xf32, #tpu.memory_space<vmem_shared>>) target(%dma_start3A_792 : memref<1024xf32, #tpu.memory_space<hbm>>) target_semaphore(%arg11 : memref<!tpu.dma_semaphore, #tpu.memory_space<semaphore_mem>>)
    %dma_start3A_794 = arith.constant 0 : i32
    %dma_start3A_795 = tpu.memref_slice %arg4[%add3A_462, %dma_start3A_794] : memref<2048x1024xf32, #tpu.memory_space<hbm>> -> memref<1x1024xf32, #tpu.memory_space<hbm>>
    %dma_start3A_796 = tpu.memref_squeeze %dma_start3A_795 : memref<1x1024xf32, #tpu.memory_space<hbm>> -> memref<1024xf32, #tpu.memory_space<hbm>>
    %dma_start3A_797 = tpu.memref_slice %arg10[%mul3A_459] : memref<1048576xf32, #tpu.memory_space<vmem_shared>> -> memref<1024xf32, #tpu.memory_space<vmem_shared>>
    tpu.enqueue_dma source(%dma_start3A_797 : memref<1024xf32, #tpu.memory_space<vmem_shared>>) target(%dma_start3A_796 : memref<1024xf32, #tpu.memory_space<hbm>>) target_semaphore(%arg11 : memref<!tpu.dma_semaphore, #tpu.memory_space<semaphore_mem>>)
    %dma_start3A_798 = arith.constant 0 : i32
    %dma_start3A_799 = tpu.memref_slice %arg4[%add3A_471, %dma_start3A_798] : memref<2048x1024xf32, #tpu.memory_space<hbm>> -> memref<1x1024xf32, #tpu.memory_space<hbm>>
    %dma_start3A_800 = tpu.memref_squeeze %dma_start3A_799 : memref<1x1024xf32, #tpu.memory_space<hbm>> -> memref<1024xf32, #tpu.memory_space<hbm>>
    %dma_start3A_801 = tpu.memref_slice %arg10[%mul3A_468] : memref<1048576xf32, #tpu.memory_space<vmem_shared>> -> memref<1024xf32, #tpu.memory_space<vmem_shared>>
    tpu.enqueue_dma source(%dma_start3A_801 : memref<1024xf32, #tpu.memory_space<vmem_shared>>) target(%dma_start3A_800 : memref<1024xf32, #tpu.memory_space<hbm>>) target_semaphore(%arg11 : memref<!tpu.dma_semaphore, #tpu.memory_space<semaphore_mem>>)
    %dma_start3A_802 = arith.constant 0 : i32
    %dma_start3A_803 = tpu.memref_slice %arg4[%add3A_480, %dma_start3A_802] : memref<2048x1024xf32, #tpu.memory_space<hbm>> -> memref<1x1024xf32, #tpu.memory_space<hbm>>
    %dma_start3A_804 = tpu.memref_squeeze %dma_start3A_803 : memref<1x1024xf32, #tpu.memory_space<hbm>> -> memref<1024xf32, #tpu.memory_space<hbm>>
    %dma_start3A_805 = tpu.memref_slice %arg10[%mul3A_477] : memref<1048576xf32, #tpu.memory_space<vmem_shared>> -> memref<1024xf32, #tpu.memory_space<vmem_shared>>
    tpu.enqueue_dma source(%dma_start3A_805 : memref<1024xf32, #tpu.memory_space<vmem_shared>>) target(%dma_start3A_804 : memref<1024xf32, #tpu.memory_space<hbm>>) target_semaphore(%arg11 : memref<!tpu.dma_semaphore, #tpu.memory_space<semaphore_mem>>)
    %dma_start3A_806 = arith.constant 0 : i32
    %dma_start3A_807 = tpu.memref_slice %arg4[%add3A_489, %dma_start3A_806] : memref<2048x1024xf32, #tpu.memory_space<hbm>> -> memref<1x1024xf32, #tpu.memory_space<hbm>>
    %dma_start3A_808 = tpu.memref_squeeze %dma_start3A_807 : memref<1x1024xf32, #tpu.memory_space<hbm>> -> memref<1024xf32, #tpu.memory_space<hbm>>
    %dma_start3A_809 = tpu.memref_slice %arg10[%mul3A_486] : memref<1048576xf32, #tpu.memory_space<vmem_shared>> -> memref<1024xf32, #tpu.memory_space<vmem_shared>>
    tpu.enqueue_dma source(%dma_start3A_809 : memref<1024xf32, #tpu.memory_space<vmem_shared>>) target(%dma_start3A_808 : memref<1024xf32, #tpu.memory_space<hbm>>) target_semaphore(%arg11 : memref<!tpu.dma_semaphore, #tpu.memory_space<semaphore_mem>>)
    %dma_start3A_810 = arith.constant 0 : i32
    %dma_start3A_811 = tpu.memref_slice %arg4[%add3A_498, %dma_start3A_810] : memref<2048x1024xf32, #tpu.memory_space<hbm>> -> memref<1x1024xf32, #tpu.memory_space<hbm>>
    %dma_start3A_812 = tpu.memref_squeeze %dma_start3A_811 : memref<1x1024xf32, #tpu.memory_space<hbm>> -> memref<1024xf32, #tpu.memory_space<hbm>>
    %dma_start3A_813 = tpu.memref_slice %arg10[%mul3A_495] : memref<1048576xf32, #tpu.memory_space<vmem_shared>> -> memref<1024xf32, #tpu.memory_space<vmem_shared>>
    tpu.enqueue_dma source(%dma_start3A_813 : memref<1024xf32, #tpu.memory_space<vmem_shared>>) target(%dma_start3A_812 : memref<1024xf32, #tpu.memory_space<hbm>>) target_semaphore(%arg11 : memref<!tpu.dma_semaphore, #tpu.memory_space<semaphore_mem>>)
    %dma_start3A_814 = arith.constant 0 : i32
    %dma_start3A_815 = tpu.memref_slice %arg4[%add3A_507, %dma_start3A_814] : memref<2048x1024xf32, #tpu.memory_space<hbm>> -> memref<1x1024xf32, #tpu.memory_space<hbm>>
    %dma_start3A_816 = tpu.memref_squeeze %dma_start3A_815 : memref<1x1024xf32, #tpu.memory_space<hbm>> -> memref<1024xf32, #tpu.memory_space<hbm>>
    %dma_start3A_817 = tpu.memref_slice %arg10[%mul3A_504] : memref<1048576xf32, #tpu.memory_space<vmem_shared>> -> memref<1024xf32, #tpu.memory_space<vmem_shared>>
    tpu.enqueue_dma source(%dma_start3A_817 : memref<1024xf32, #tpu.memory_space<vmem_shared>>) target(%dma_start3A_816 : memref<1024xf32, #tpu.memory_space<hbm>>) target_semaphore(%arg11 : memref<!tpu.dma_semaphore, #tpu.memory_space<semaphore_mem>>)
    %dma_start3A_818 = arith.constant 0 : i32
    %dma_start3A_819 = tpu.memref_slice %arg4[%add3A_516, %dma_start3A_818] : memref<2048x1024xf32, #tpu.memory_space<hbm>> -> memref<1x1024xf32, #tpu.memory_space<hbm>>
    %dma_start3A_820 = tpu.memref_squeeze %dma_start3A_819 : memref<1x1024xf32, #tpu.memory_space<hbm>> -> memref<1024xf32, #tpu.memory_space<hbm>>
    %dma_start3A_821 = tpu.memref_slice %arg10[%mul3A_513] : memref<1048576xf32, #tpu.memory_space<vmem_shared>> -> memref<1024xf32, #tpu.memory_space<vmem_shared>>
    tpu.enqueue_dma source(%dma_start3A_821 : memref<1024xf32, #tpu.memory_space<vmem_shared>>) target(%dma_start3A_820 : memref<1024xf32, #tpu.memory_space<hbm>>) target_semaphore(%arg11 : memref<!tpu.dma_semaphore, #tpu.memory_space<semaphore_mem>>)
    %dma_start3A_822 = arith.constant 0 : i32
    %dma_start3A_823 = tpu.memref_slice %arg4[%add3A_525, %dma_start3A_822] : memref<2048x1024xf32, #tpu.memory_space<hbm>> -> memref<1x1024xf32, #tpu.memory_space<hbm>>
    %dma_start3A_824 = tpu.memref_squeeze %dma_start3A_823 : memref<1x1024xf32, #tpu.memory_space<hbm>> -> memref<1024xf32, #tpu.memory_space<hbm>>
    %dma_start3A_825 = tpu.memref_slice %arg10[%mul3A_522] : memref<1048576xf32, #tpu.memory_space<vmem_shared>> -> memref<1024xf32, #tpu.memory_space<vmem_shared>>
    tpu.enqueue_dma source(%dma_start3A_825 : memref<1024xf32, #tpu.memory_space<vmem_shared>>) target(%dma_start3A_824 : memref<1024xf32, #tpu.memory_space<hbm>>) target_semaphore(%arg11 : memref<!tpu.dma_semaphore, #tpu.memory_space<semaphore_mem>>)
    %dma_start3A_826 = arith.constant 0 : i32
    %dma_start3A_827 = tpu.memref_slice %arg4[%add3A_534, %dma_start3A_826] : memref<2048x1024xf32, #tpu.memory_space<hbm>> -> memref<1x1024xf32, #tpu.memory_space<hbm>>
    %dma_start3A_828 = tpu.memref_squeeze %dma_start3A_827 : memref<1x1024xf32, #tpu.memory_space<hbm>> -> memref<1024xf32, #tpu.memory_space<hbm>>
    %dma_start3A_829 = tpu.memref_slice %arg10[%mul3A_531] : memref<1048576xf32, #tpu.memory_space<vmem_shared>> -> memref<1024xf32, #tpu.memory_space<vmem_shared>>
    tpu.enqueue_dma source(%dma_start3A_829 : memref<1024xf32, #tpu.memory_space<vmem_shared>>) target(%dma_start3A_828 : memref<1024xf32, #tpu.memory_space<hbm>>) target_semaphore(%arg11 : memref<!tpu.dma_semaphore, #tpu.memory_space<semaphore_mem>>)
    %dma_start3A_830 = arith.constant 0 : i32
    %dma_start3A_831 = tpu.memref_slice %arg4[%add3A_543, %dma_start3A_830] : memref<2048x1024xf32, #tpu.memory_space<hbm>> -> memref<1x1024xf32, #tpu.memory_space<hbm>>
    %dma_start3A_832 = tpu.memref_squeeze %dma_start3A_831 : memref<1x1024xf32, #tpu.memory_space<hbm>> -> memref<1024xf32, #tpu.memory_space<hbm>>
    %dma_start3A_833 = tpu.memref_slice %arg10[%mul3A_540] : memref<1048576xf32, #tpu.memory_space<vmem_shared>> -> memref<1024xf32, #tpu.memory_space<vmem_shared>>
    tpu.enqueue_dma source(%dma_start3A_833 : memref<1024xf32, #tpu.memory_space<vmem_shared>>) target(%dma_start3A_832 : memref<1024xf32, #tpu.memory_space<hbm>>) target_semaphore(%arg11 : memref<!tpu.dma_semaphore, #tpu.memory_space<semaphore_mem>>)
    %dma_start3A_834 = arith.constant 0 : i32
    %dma_start3A_835 = tpu.memref_slice %arg4[%add3A_552, %dma_start3A_834] : memref<2048x1024xf32, #tpu.memory_space<hbm>> -> memref<1x1024xf32, #tpu.memory_space<hbm>>
    %dma_start3A_836 = tpu.memref_squeeze %dma_start3A_835 : memref<1x1024xf32, #tpu.memory_space<hbm>> -> memref<1024xf32, #tpu.memory_space<hbm>>
    %dma_start3A_837 = tpu.memref_slice %arg10[%mul3A_549] : memref<1048576xf32, #tpu.memory_space<vmem_shared>> -> memref<1024xf32, #tpu.memory_space<vmem_shared>>
    tpu.enqueue_dma source(%dma_start3A_837 : memref<1024xf32, #tpu.memory_space<vmem_shared>>) target(%dma_start3A_836 : memref<1024xf32, #tpu.memory_space<hbm>>) target_semaphore(%arg11 : memref<!tpu.dma_semaphore, #tpu.memory_space<semaphore_mem>>)
    %dma_start3A_838 = arith.constant 0 : i32
    %dma_start3A_839 = tpu.memref_slice %arg4[%add3A_561, %dma_start3A_838] : memref<2048x1024xf32, #tpu.memory_space<hbm>> -> memref<1x1024xf32, #tpu.memory_space<hbm>>
    %dma_start3A_840 = tpu.memref_squeeze %dma_start3A_839 : memref<1x1024xf32, #tpu.memory_space<hbm>> -> memref<1024xf32, #tpu.memory_space<hbm>>
    %dma_start3A_841 = tpu.memref_slice %arg10[%mul3A_558] : memref<1048576xf32, #tpu.memory_space<vmem_shared>> -> memref<1024xf32, #tpu.memory_space<vmem_shared>>
    tpu.enqueue_dma source(%dma_start3A_841 : memref<1024xf32, #tpu.memory_space<vmem_shared>>) target(%dma_start3A_840 : memref<1024xf32, #tpu.memory_space<hbm>>) target_semaphore(%arg11 : memref<!tpu.dma_semaphore, #tpu.memory_space<semaphore_mem>>)
    %dma_start3A_842 = arith.constant 0 : i32
    %dma_start3A_843 = tpu.memref_slice %arg4[%add3A_570, %dma_start3A_842] : memref<2048x1024xf32, #tpu.memory_space<hbm>> -> memref<1x1024xf32, #tpu.memory_space<hbm>>
    %dma_start3A_844 = tpu.memref_squeeze %dma_start3A_843 : memref<1x1024xf32, #tpu.memory_space<hbm>> -> memref<1024xf32, #tpu.memory_space<hbm>>
    %dma_start3A_845 = tpu.memref_slice %arg10[%mul3A_567] : memref<1048576xf32, #tpu.memory_space<vmem_shared>> -> memref<1024xf32, #tpu.memory_space<vmem_shared>>
    tpu.enqueue_dma source(%dma_start3A_845 : memref<1024xf32, #tpu.memory_space<vmem_shared>>) target(%dma_start3A_844 : memref<1024xf32, #tpu.memory_space<hbm>>) target_semaphore(%arg11 : memref<!tpu.dma_semaphore, #tpu.memory_space<semaphore_mem>>)
    %dma_start3A_846 = arith.constant 0 : i32
    %dma_start3A_847 = tpu.memref_slice %arg4[%add3A_579, %dma_start3A_846] : memref<2048x1024xf32, #tpu.memory_space<hbm>> -> memref<1x1024xf32, #tpu.memory_space<hbm>>
    %dma_start3A_848 = tpu.memref_squeeze %dma_start3A_847 : memref<1x1024xf32, #tpu.memory_space<hbm>> -> memref<1024xf32, #tpu.memory_space<hbm>>
    %dma_start3A_849 = tpu.memref_slice %arg10[%mul3A_576] : memref<1048576xf32, #tpu.memory_space<vmem_shared>> -> memref<1024xf32, #tpu.memory_space<vmem_shared>>
    tpu.enqueue_dma source(%dma_start3A_849 : memref<1024xf32, #tpu.memory_space<vmem_shared>>) target(%dma_start3A_848 : memref<1024xf32, #tpu.memory_space<hbm>>) target_semaphore(%arg11 : memref<!tpu.dma_semaphore, #tpu.memory_space<semaphore_mem>>)
    %dma_start3A_850 = arith.constant 0 : i32
    %dma_start3A_851 = tpu.memref_slice %arg4[%add3A_588, %dma_start3A_850] : memref<2048x1024xf32, #tpu.memory_space<hbm>> -> memref<1x1024xf32, #tpu.memory_space<hbm>>
    %dma_start3A_852 = tpu.memref_squeeze %dma_start3A_851 : memref<1x1024xf32, #tpu.memory_space<hbm>> -> memref<1024xf32, #tpu.memory_space<hbm>>
    %dma_start3A_853 = tpu.memref_slice %arg10[%mul3A_585] : memref<1048576xf32, #tpu.memory_space<vmem_shared>> -> memref<1024xf32, #tpu.memory_space<vmem_shared>>
    tpu.enqueue_dma source(%dma_start3A_853 : memref<1024xf32, #tpu.memory_space<vmem_shared>>) target(%dma_start3A_852 : memref<1024xf32, #tpu.memory_space<hbm>>) target_semaphore(%arg11 : memref<!tpu.dma_semaphore, #tpu.memory_space<semaphore_mem>>)
    %dma_start3A_854 = arith.constant 0 : i32
    %dma_start3A_855 = tpu.memref_slice %arg4[%add3A_597, %dma_start3A_854] : memref<2048x1024xf32, #tpu.memory_space<hbm>> -> memref<1x1024xf32, #tpu.memory_space<hbm>>
    %dma_start3A_856 = tpu.memref_squeeze %dma_start3A_855 : memref<1x1024xf32, #tpu.memory_space<hbm>> -> memref<1024xf32, #tpu.memory_space<hbm>>
    %dma_start3A_857 = tpu.memref_slice %arg10[%mul3A_594] : memref<1048576xf32, #tpu.memory_space<vmem_shared>> -> memref<1024xf32, #tpu.memory_space<vmem_shared>>
    tpu.enqueue_dma source(%dma_start3A_857 : memref<1024xf32, #tpu.memory_space<vmem_shared>>) target(%dma_start3A_856 : memref<1024xf32, #tpu.memory_space<hbm>>) target_semaphore(%arg11 : memref<!tpu.dma_semaphore, #tpu.memory_space<semaphore_mem>>)
    %dma_start3A_858 = arith.constant 0 : i32
    %dma_start3A_859 = tpu.memref_slice %arg4[%add3A_606, %dma_start3A_858] : memref<2048x1024xf32, #tpu.memory_space<hbm>> -> memref<1x1024xf32, #tpu.memory_space<hbm>>
    %dma_start3A_860 = tpu.memref_squeeze %dma_start3A_859 : memref<1x1024xf32, #tpu.memory_space<hbm>> -> memref<1024xf32, #tpu.memory_space<hbm>>
    %dma_start3A_861 = tpu.memref_slice %arg10[%mul3A_603] : memref<1048576xf32, #tpu.memory_space<vmem_shared>> -> memref<1024xf32, #tpu.memory_space<vmem_shared>>
    tpu.enqueue_dma source(%dma_start3A_861 : memref<1024xf32, #tpu.memory_space<vmem_shared>>) target(%dma_start3A_860 : memref<1024xf32, #tpu.memory_space<hbm>>) target_semaphore(%arg11 : memref<!tpu.dma_semaphore, #tpu.memory_space<semaphore_mem>>)
    %dma_wait3A = arith.constant 0 : i32
    %dma_wait3A_862 = tpu.memref_slice %arg4[%add3A_39, %dma_wait3A] : memref<2048x1024xf32, #tpu.memory_space<hbm>> -> memref<1x1024xf32, #tpu.memory_space<hbm>>
    %dma_wait3A_863 = tpu.memref_squeeze %dma_wait3A_862 : memref<1x1024xf32, #tpu.memory_space<hbm>> -> memref<1024xf32, #tpu.memory_space<hbm>>
    %dma_wait3A_864 = tpu.memref_slice %arg10[%mul3A_36] : memref<1048576xf32, #tpu.memory_space<vmem_shared>> -> memref<1024xf32, #tpu.memory_space<vmem_shared>>
    tpu.wait_dma2 semaphore(%arg11 : memref<!tpu.dma_semaphore, #tpu.memory_space<semaphore_mem>>) src(%dma_wait3A_864 : memref<1024xf32, #tpu.memory_space<vmem_shared>>) dst(%dma_wait3A_863 : memref<1024xf32, #tpu.memory_space<hbm>>)
    %dma_wait3A_865 = arith.constant 0 : i32
    %dma_wait3A_866 = tpu.memref_slice %arg4[%add3A_48, %dma_wait3A_865] : memref<2048x1024xf32, #tpu.memory_space<hbm>> -> memref<1x1024xf32, #tpu.memory_space<hbm>>
    %dma_wait3A_867 = tpu.memref_squeeze %dma_wait3A_866 : memref<1x1024xf32, #tpu.memory_space<hbm>> -> memref<1024xf32, #tpu.memory_space<hbm>>
    %dma_wait3A_868 = tpu.memref_slice %arg10[%mul3A_45] : memref<1048576xf32, #tpu.memory_space<vmem_shared>> -> memref<1024xf32, #tpu.memory_space<vmem_shared>>
    tpu.wait_dma2 semaphore(%arg11 : memref<!tpu.dma_semaphore, #tpu.memory_space<semaphore_mem>>) src(%dma_wait3A_868 : memref<1024xf32, #tpu.memory_space<vmem_shared>>) dst(%dma_wait3A_867 : memref<1024xf32, #tpu.memory_space<hbm>>)
    %dma_wait3A_869 = arith.constant 0 : i32
    %dma_wait3A_870 = tpu.memref_slice %arg4[%add3A_57, %dma_wait3A_869] : memref<2048x1024xf32, #tpu.memory_space<hbm>> -> memref<1x1024xf32, #tpu.memory_space<hbm>>
    %dma_wait3A_871 = tpu.memref_squeeze %dma_wait3A_870 : memref<1x1024xf32, #tpu.memory_space<hbm>> -> memref<1024xf32, #tpu.memory_space<hbm>>
    %dma_wait3A_872 = tpu.memref_slice %arg10[%mul3A_54] : memref<1048576xf32, #tpu.memory_space<vmem_shared>> -> memref<1024xf32, #tpu.memory_space<vmem_shared>>
    tpu.wait_dma2 semaphore(%arg11 : memref<!tpu.dma_semaphore, #tpu.memory_space<semaphore_mem>>) src(%dma_wait3A_872 : memref<1024xf32, #tpu.memory_space<vmem_shared>>) dst(%dma_wait3A_871 : memref<1024xf32, #tpu.memory_space<hbm>>)
    %dma_wait3A_873 = arith.constant 0 : i32
    %dma_wait3A_874 = tpu.memref_slice %arg4[%add3A_66, %dma_wait3A_873] : memref<2048x1024xf32, #tpu.memory_space<hbm>> -> memref<1x1024xf32, #tpu.memory_space<hbm>>
    %dma_wait3A_875 = tpu.memref_squeeze %dma_wait3A_874 : memref<1x1024xf32, #tpu.memory_space<hbm>> -> memref<1024xf32, #tpu.memory_space<hbm>>
    %dma_wait3A_876 = tpu.memref_slice %arg10[%mul3A_63] : memref<1048576xf32, #tpu.memory_space<vmem_shared>> -> memref<1024xf32, #tpu.memory_space<vmem_shared>>
    tpu.wait_dma2 semaphore(%arg11 : memref<!tpu.dma_semaphore, #tpu.memory_space<semaphore_mem>>) src(%dma_wait3A_876 : memref<1024xf32, #tpu.memory_space<vmem_shared>>) dst(%dma_wait3A_875 : memref<1024xf32, #tpu.memory_space<hbm>>)
    %dma_wait3A_877 = arith.constant 0 : i32
    %dma_wait3A_878 = tpu.memref_slice %arg4[%add3A_75, %dma_wait3A_877] : memref<2048x1024xf32, #tpu.memory_space<hbm>> -> memref<1x1024xf32, #tpu.memory_space<hbm>>
    %dma_wait3A_879 = tpu.memref_squeeze %dma_wait3A_878 : memref<1x1024xf32, #tpu.memory_space<hbm>> -> memref<1024xf32, #tpu.memory_space<hbm>>
    %dma_wait3A_880 = tpu.memref_slice %arg10[%mul3A_72] : memref<1048576xf32, #tpu.memory_space<vmem_shared>> -> memref<1024xf32, #tpu.memory_space<vmem_shared>>
    tpu.wait_dma2 semaphore(%arg11 : memref<!tpu.dma_semaphore, #tpu.memory_space<semaphore_mem>>) src(%dma_wait3A_880 : memref<1024xf32, #tpu.memory_space<vmem_shared>>) dst(%dma_wait3A_879 : memref<1024xf32, #tpu.memory_space<hbm>>)
    %dma_wait3A_881 = arith.constant 0 : i32
    %dma_wait3A_882 = tpu.memref_slice %arg4[%add3A_84, %dma_wait3A_881] : memref<2048x1024xf32, #tpu.memory_space<hbm>> -> memref<1x1024xf32, #tpu.memory_space<hbm>>
    %dma_wait3A_883 = tpu.memref_squeeze %dma_wait3A_882 : memref<1x1024xf32, #tpu.memory_space<hbm>> -> memref<1024xf32, #tpu.memory_space<hbm>>
    %dma_wait3A_884 = tpu.memref_slice %arg10[%mul3A_81] : memref<1048576xf32, #tpu.memory_space<vmem_shared>> -> memref<1024xf32, #tpu.memory_space<vmem_shared>>
    tpu.wait_dma2 semaphore(%arg11 : memref<!tpu.dma_semaphore, #tpu.memory_space<semaphore_mem>>) src(%dma_wait3A_884 : memref<1024xf32, #tpu.memory_space<vmem_shared>>) dst(%dma_wait3A_883 : memref<1024xf32, #tpu.memory_space<hbm>>)
    %dma_wait3A_885 = arith.constant 0 : i32
    %dma_wait3A_886 = tpu.memref_slice %arg4[%add3A_93, %dma_wait3A_885] : memref<2048x1024xf32, #tpu.memory_space<hbm>> -> memref<1x1024xf32, #tpu.memory_space<hbm>>
    %dma_wait3A_887 = tpu.memref_squeeze %dma_wait3A_886 : memref<1x1024xf32, #tpu.memory_space<hbm>> -> memref<1024xf32, #tpu.memory_space<hbm>>
    %dma_wait3A_888 = tpu.memref_slice %arg10[%mul3A_90] : memref<1048576xf32, #tpu.memory_space<vmem_shared>> -> memref<1024xf32, #tpu.memory_space<vmem_shared>>
    tpu.wait_dma2 semaphore(%arg11 : memref<!tpu.dma_semaphore, #tpu.memory_space<semaphore_mem>>) src(%dma_wait3A_888 : memref<1024xf32, #tpu.memory_space<vmem_shared>>) dst(%dma_wait3A_887 : memref<1024xf32, #tpu.memory_space<hbm>>)
    %dma_wait3A_889 = arith.constant 0 : i32
    %dma_wait3A_890 = tpu.memref_slice %arg4[%add3A_102, %dma_wait3A_889] : memref<2048x1024xf32, #tpu.memory_space<hbm>> -> memref<1x1024xf32, #tpu.memory_space<hbm>>
    %dma_wait3A_891 = tpu.memref_squeeze %dma_wait3A_890 : memref<1x1024xf32, #tpu.memory_space<hbm>> -> memref<1024xf32, #tpu.memory_space<hbm>>
    %dma_wait3A_892 = tpu.memref_slice %arg10[%mul3A_99] : memref<1048576xf32, #tpu.memory_space<vmem_shared>> -> memref<1024xf32, #tpu.memory_space<vmem_shared>>
    tpu.wait_dma2 semaphore(%arg11 : memref<!tpu.dma_semaphore, #tpu.memory_space<semaphore_mem>>) src(%dma_wait3A_892 : memref<1024xf32, #tpu.memory_space<vmem_shared>>) dst(%dma_wait3A_891 : memref<1024xf32, #tpu.memory_space<hbm>>)
    %dma_wait3A_893 = arith.constant 0 : i32
    %dma_wait3A_894 = tpu.memref_slice %arg4[%add3A_111, %dma_wait3A_893] : memref<2048x1024xf32, #tpu.memory_space<hbm>> -> memref<1x1024xf32, #tpu.memory_space<hbm>>
    %dma_wait3A_895 = tpu.memref_squeeze %dma_wait3A_894 : memref<1x1024xf32, #tpu.memory_space<hbm>> -> memref<1024xf32, #tpu.memory_space<hbm>>
    %dma_wait3A_896 = tpu.memref_slice %arg10[%mul3A_108] : memref<1048576xf32, #tpu.memory_space<vmem_shared>> -> memref<1024xf32, #tpu.memory_space<vmem_shared>>
    tpu.wait_dma2 semaphore(%arg11 : memref<!tpu.dma_semaphore, #tpu.memory_space<semaphore_mem>>) src(%dma_wait3A_896 : memref<1024xf32, #tpu.memory_space<vmem_shared>>) dst(%dma_wait3A_895 : memref<1024xf32, #tpu.memory_space<hbm>>)
    %dma_wait3A_897 = arith.constant 0 : i32
    %dma_wait3A_898 = tpu.memref_slice %arg4[%add3A_120, %dma_wait3A_897] : memref<2048x1024xf32, #tpu.memory_space<hbm>> -> memref<1x1024xf32, #tpu.memory_space<hbm>>
    %dma_wait3A_899 = tpu.memref_squeeze %dma_wait3A_898 : memref<1x1024xf32, #tpu.memory_space<hbm>> -> memref<1024xf32, #tpu.memory_space<hbm>>
    %dma_wait3A_900 = tpu.memref_slice %arg10[%mul3A_117] : memref<1048576xf32, #tpu.memory_space<vmem_shared>> -> memref<1024xf32, #tpu.memory_space<vmem_shared>>
    tpu.wait_dma2 semaphore(%arg11 : memref<!tpu.dma_semaphore, #tpu.memory_space<semaphore_mem>>) src(%dma_wait3A_900 : memref<1024xf32, #tpu.memory_space<vmem_shared>>) dst(%dma_wait3A_899 : memref<1024xf32, #tpu.memory_space<hbm>>)
    %dma_wait3A_901 = arith.constant 0 : i32
    %dma_wait3A_902 = tpu.memref_slice %arg4[%add3A_129, %dma_wait3A_901] : memref<2048x1024xf32, #tpu.memory_space<hbm>> -> memref<1x1024xf32, #tpu.memory_space<hbm>>
    %dma_wait3A_903 = tpu.memref_squeeze %dma_wait3A_902 : memref<1x1024xf32, #tpu.memory_space<hbm>> -> memref<1024xf32, #tpu.memory_space<hbm>>
    %dma_wait3A_904 = tpu.memref_slice %arg10[%mul3A_126] : memref<1048576xf32, #tpu.memory_space<vmem_shared>> -> memref<1024xf32, #tpu.memory_space<vmem_shared>>
    tpu.wait_dma2 semaphore(%arg11 : memref<!tpu.dma_semaphore, #tpu.memory_space<semaphore_mem>>) src(%dma_wait3A_904 : memref<1024xf32, #tpu.memory_space<vmem_shared>>) dst(%dma_wait3A_903 : memref<1024xf32, #tpu.memory_space<hbm>>)
    %dma_wait3A_905 = arith.constant 0 : i32
    %dma_wait3A_906 = tpu.memref_slice %arg4[%add3A_138, %dma_wait3A_905] : memref<2048x1024xf32, #tpu.memory_space<hbm>> -> memref<1x1024xf32, #tpu.memory_space<hbm>>
    %dma_wait3A_907 = tpu.memref_squeeze %dma_wait3A_906 : memref<1x1024xf32, #tpu.memory_space<hbm>> -> memref<1024xf32, #tpu.memory_space<hbm>>
    %dma_wait3A_908 = tpu.memref_slice %arg10[%mul3A_135] : memref<1048576xf32, #tpu.memory_space<vmem_shared>> -> memref<1024xf32, #tpu.memory_space<vmem_shared>>
    tpu.wait_dma2 semaphore(%arg11 : memref<!tpu.dma_semaphore, #tpu.memory_space<semaphore_mem>>) src(%dma_wait3A_908 : memref<1024xf32, #tpu.memory_space<vmem_shared>>) dst(%dma_wait3A_907 : memref<1024xf32, #tpu.memory_space<hbm>>)
    %dma_wait3A_909 = arith.constant 0 : i32
    %dma_wait3A_910 = tpu.memref_slice %arg4[%add3A_147, %dma_wait3A_909] : memref<2048x1024xf32, #tpu.memory_space<hbm>> -> memref<1x1024xf32, #tpu.memory_space<hbm>>
    %dma_wait3A_911 = tpu.memref_squeeze %dma_wait3A_910 : memref<1x1024xf32, #tpu.memory_space<hbm>> -> memref<1024xf32, #tpu.memory_space<hbm>>
    %dma_wait3A_912 = tpu.memref_slice %arg10[%mul3A_144] : memref<1048576xf32, #tpu.memory_space<vmem_shared>> -> memref<1024xf32, #tpu.memory_space<vmem_shared>>
    tpu.wait_dma2 semaphore(%arg11 : memref<!tpu.dma_semaphore, #tpu.memory_space<semaphore_mem>>) src(%dma_wait3A_912 : memref<1024xf32, #tpu.memory_space<vmem_shared>>) dst(%dma_wait3A_911 : memref<1024xf32, #tpu.memory_space<hbm>>)
    %dma_wait3A_913 = arith.constant 0 : i32
    %dma_wait3A_914 = tpu.memref_slice %arg4[%add3A_156, %dma_wait3A_913] : memref<2048x1024xf32, #tpu.memory_space<hbm>> -> memref<1x1024xf32, #tpu.memory_space<hbm>>
    %dma_wait3A_915 = tpu.memref_squeeze %dma_wait3A_914 : memref<1x1024xf32, #tpu.memory_space<hbm>> -> memref<1024xf32, #tpu.memory_space<hbm>>
    %dma_wait3A_916 = tpu.memref_slice %arg10[%mul3A_153] : memref<1048576xf32, #tpu.memory_space<vmem_shared>> -> memref<1024xf32, #tpu.memory_space<vmem_shared>>
    tpu.wait_dma2 semaphore(%arg11 : memref<!tpu.dma_semaphore, #tpu.memory_space<semaphore_mem>>) src(%dma_wait3A_916 : memref<1024xf32, #tpu.memory_space<vmem_shared>>) dst(%dma_wait3A_915 : memref<1024xf32, #tpu.memory_space<hbm>>)
    %dma_wait3A_917 = arith.constant 0 : i32
    %dma_wait3A_918 = tpu.memref_slice %arg4[%add3A_165, %dma_wait3A_917] : memref<2048x1024xf32, #tpu.memory_space<hbm>> -> memref<1x1024xf32, #tpu.memory_space<hbm>>
    %dma_wait3A_919 = tpu.memref_squeeze %dma_wait3A_918 : memref<1x1024xf32, #tpu.memory_space<hbm>> -> memref<1024xf32, #tpu.memory_space<hbm>>
    %dma_wait3A_920 = tpu.memref_slice %arg10[%mul3A_162] : memref<1048576xf32, #tpu.memory_space<vmem_shared>> -> memref<1024xf32, #tpu.memory_space<vmem_shared>>
    tpu.wait_dma2 semaphore(%arg11 : memref<!tpu.dma_semaphore, #tpu.memory_space<semaphore_mem>>) src(%dma_wait3A_920 : memref<1024xf32, #tpu.memory_space<vmem_shared>>) dst(%dma_wait3A_919 : memref<1024xf32, #tpu.memory_space<hbm>>)
    %dma_wait3A_921 = arith.constant 0 : i32
    %dma_wait3A_922 = tpu.memref_slice %arg4[%add3A_174, %dma_wait3A_921] : memref<2048x1024xf32, #tpu.memory_space<hbm>> -> memref<1x1024xf32, #tpu.memory_space<hbm>>
    %dma_wait3A_923 = tpu.memref_squeeze %dma_wait3A_922 : memref<1x1024xf32, #tpu.memory_space<hbm>> -> memref<1024xf32, #tpu.memory_space<hbm>>
    %dma_wait3A_924 = tpu.memref_slice %arg10[%mul3A_171] : memref<1048576xf32, #tpu.memory_space<vmem_shared>> -> memref<1024xf32, #tpu.memory_space<vmem_shared>>
    tpu.wait_dma2 semaphore(%arg11 : memref<!tpu.dma_semaphore, #tpu.memory_space<semaphore_mem>>) src(%dma_wait3A_924 : memref<1024xf32, #tpu.memory_space<vmem_shared>>) dst(%dma_wait3A_923 : memref<1024xf32, #tpu.memory_space<hbm>>)
    %dma_wait3A_925 = arith.constant 0 : i32
    %dma_wait3A_926 = tpu.memref_slice %arg4[%add3A_183, %dma_wait3A_925] : memref<2048x1024xf32, #tpu.memory_space<hbm>> -> memref<1x1024xf32, #tpu.memory_space<hbm>>
    %dma_wait3A_927 = tpu.memref_squeeze %dma_wait3A_926 : memref<1x1024xf32, #tpu.memory_space<hbm>> -> memref<1024xf32, #tpu.memory_space<hbm>>
    %dma_wait3A_928 = tpu.memref_slice %arg10[%mul3A_180] : memref<1048576xf32, #tpu.memory_space<vmem_shared>> -> memref<1024xf32, #tpu.memory_space<vmem_shared>>
    tpu.wait_dma2 semaphore(%arg11 : memref<!tpu.dma_semaphore, #tpu.memory_space<semaphore_mem>>) src(%dma_wait3A_928 : memref<1024xf32, #tpu.memory_space<vmem_shared>>) dst(%dma_wait3A_927 : memref<1024xf32, #tpu.memory_space<hbm>>)
    %dma_wait3A_929 = arith.constant 0 : i32
    %dma_wait3A_930 = tpu.memref_slice %arg4[%add3A_192, %dma_wait3A_929] : memref<2048x1024xf32, #tpu.memory_space<hbm>> -> memref<1x1024xf32, #tpu.memory_space<hbm>>
    %dma_wait3A_931 = tpu.memref_squeeze %dma_wait3A_930 : memref<1x1024xf32, #tpu.memory_space<hbm>> -> memref<1024xf32, #tpu.memory_space<hbm>>
    %dma_wait3A_932 = tpu.memref_slice %arg10[%mul3A_189] : memref<1048576xf32, #tpu.memory_space<vmem_shared>> -> memref<1024xf32, #tpu.memory_space<vmem_shared>>
    tpu.wait_dma2 semaphore(%arg11 : memref<!tpu.dma_semaphore, #tpu.memory_space<semaphore_mem>>) src(%dma_wait3A_932 : memref<1024xf32, #tpu.memory_space<vmem_shared>>) dst(%dma_wait3A_931 : memref<1024xf32, #tpu.memory_space<hbm>>)
    %dma_wait3A_933 = arith.constant 0 : i32
    %dma_wait3A_934 = tpu.memref_slice %arg4[%add3A_201, %dma_wait3A_933] : memref<2048x1024xf32, #tpu.memory_space<hbm>> -> memref<1x1024xf32, #tpu.memory_space<hbm>>
    %dma_wait3A_935 = tpu.memref_squeeze %dma_wait3A_934 : memref<1x1024xf32, #tpu.memory_space<hbm>> -> memref<1024xf32, #tpu.memory_space<hbm>>
    %dma_wait3A_936 = tpu.memref_slice %arg10[%mul3A_198] : memref<1048576xf32, #tpu.memory_space<vmem_shared>> -> memref<1024xf32, #tpu.memory_space<vmem_shared>>
    tpu.wait_dma2 semaphore(%arg11 : memref<!tpu.dma_semaphore, #tpu.memory_space<semaphore_mem>>) src(%dma_wait3A_936 : memref<1024xf32, #tpu.memory_space<vmem_shared>>) dst(%dma_wait3A_935 : memref<1024xf32, #tpu.memory_space<hbm>>)
    %dma_wait3A_937 = arith.constant 0 : i32
    %dma_wait3A_938 = tpu.memref_slice %arg4[%add3A_210, %dma_wait3A_937] : memref<2048x1024xf32, #tpu.memory_space<hbm>> -> memref<1x1024xf32, #tpu.memory_space<hbm>>
    %dma_wait3A_939 = tpu.memref_squeeze %dma_wait3A_938 : memref<1x1024xf32, #tpu.memory_space<hbm>> -> memref<1024xf32, #tpu.memory_space<hbm>>
    %dma_wait3A_940 = tpu.memref_slice %arg10[%mul3A_207] : memref<1048576xf32, #tpu.memory_space<vmem_shared>> -> memref<1024xf32, #tpu.memory_space<vmem_shared>>
    tpu.wait_dma2 semaphore(%arg11 : memref<!tpu.dma_semaphore, #tpu.memory_space<semaphore_mem>>) src(%dma_wait3A_940 : memref<1024xf32, #tpu.memory_space<vmem_shared>>) dst(%dma_wait3A_939 : memref<1024xf32, #tpu.memory_space<hbm>>)
    %dma_wait3A_941 = arith.constant 0 : i32
    %dma_wait3A_942 = tpu.memref_slice %arg4[%add3A_219, %dma_wait3A_941] : memref<2048x1024xf32, #tpu.memory_space<hbm>> -> memref<1x1024xf32, #tpu.memory_space<hbm>>
    %dma_wait3A_943 = tpu.memref_squeeze %dma_wait3A_942 : memref<1x1024xf32, #tpu.memory_space<hbm>> -> memref<1024xf32, #tpu.memory_space<hbm>>
    %dma_wait3A_944 = tpu.memref_slice %arg10[%mul3A_216] : memref<1048576xf32, #tpu.memory_space<vmem_shared>> -> memref<1024xf32, #tpu.memory_space<vmem_shared>>
    tpu.wait_dma2 semaphore(%arg11 : memref<!tpu.dma_semaphore, #tpu.memory_space<semaphore_mem>>) src(%dma_wait3A_944 : memref<1024xf32, #tpu.memory_space<vmem_shared>>) dst(%dma_wait3A_943 : memref<1024xf32, #tpu.memory_space<hbm>>)
    %dma_wait3A_945 = arith.constant 0 : i32
    %dma_wait3A_946 = tpu.memref_slice %arg4[%add3A_228, %dma_wait3A_945] : memref<2048x1024xf32, #tpu.memory_space<hbm>> -> memref<1x1024xf32, #tpu.memory_space<hbm>>
    %dma_wait3A_947 = tpu.memref_squeeze %dma_wait3A_946 : memref<1x1024xf32, #tpu.memory_space<hbm>> -> memref<1024xf32, #tpu.memory_space<hbm>>
    %dma_wait3A_948 = tpu.memref_slice %arg10[%mul3A_225] : memref<1048576xf32, #tpu.memory_space<vmem_shared>> -> memref<1024xf32, #tpu.memory_space<vmem_shared>>
    tpu.wait_dma2 semaphore(%arg11 : memref<!tpu.dma_semaphore, #tpu.memory_space<semaphore_mem>>) src(%dma_wait3A_948 : memref<1024xf32, #tpu.memory_space<vmem_shared>>) dst(%dma_wait3A_947 : memref<1024xf32, #tpu.memory_space<hbm>>)
    %dma_wait3A_949 = arith.constant 0 : i32
    %dma_wait3A_950 = tpu.memref_slice %arg4[%add3A_237, %dma_wait3A_949] : memref<2048x1024xf32, #tpu.memory_space<hbm>> -> memref<1x1024xf32, #tpu.memory_space<hbm>>
    %dma_wait3A_951 = tpu.memref_squeeze %dma_wait3A_950 : memref<1x1024xf32, #tpu.memory_space<hbm>> -> memref<1024xf32, #tpu.memory_space<hbm>>
    %dma_wait3A_952 = tpu.memref_slice %arg10[%mul3A_234] : memref<1048576xf32, #tpu.memory_space<vmem_shared>> -> memref<1024xf32, #tpu.memory_space<vmem_shared>>
    tpu.wait_dma2 semaphore(%arg11 : memref<!tpu.dma_semaphore, #tpu.memory_space<semaphore_mem>>) src(%dma_wait3A_952 : memref<1024xf32, #tpu.memory_space<vmem_shared>>) dst(%dma_wait3A_951 : memref<1024xf32, #tpu.memory_space<hbm>>)
    %dma_wait3A_953 = arith.constant 0 : i32
    %dma_wait3A_954 = tpu.memref_slice %arg4[%add3A_246, %dma_wait3A_953] : memref<2048x1024xf32, #tpu.memory_space<hbm>> -> memref<1x1024xf32, #tpu.memory_space<hbm>>
    %dma_wait3A_955 = tpu.memref_squeeze %dma_wait3A_954 : memref<1x1024xf32, #tpu.memory_space<hbm>> -> memref<1024xf32, #tpu.memory_space<hbm>>
    %dma_wait3A_956 = tpu.memref_slice %arg10[%mul3A_243] : memref<1048576xf32, #tpu.memory_space<vmem_shared>> -> memref<1024xf32, #tpu.memory_space<vmem_shared>>
    tpu.wait_dma2 semaphore(%arg11 : memref<!tpu.dma_semaphore, #tpu.memory_space<semaphore_mem>>) src(%dma_wait3A_956 : memref<1024xf32, #tpu.memory_space<vmem_shared>>) dst(%dma_wait3A_955 : memref<1024xf32, #tpu.memory_space<hbm>>)
    %dma_wait3A_957 = arith.constant 0 : i32
    %dma_wait3A_958 = tpu.memref_slice %arg4[%add3A_255, %dma_wait3A_957] : memref<2048x1024xf32, #tpu.memory_space<hbm>> -> memref<1x1024xf32, #tpu.memory_space<hbm>>
    %dma_wait3A_959 = tpu.memref_squeeze %dma_wait3A_958 : memref<1x1024xf32, #tpu.memory_space<hbm>> -> memref<1024xf32, #tpu.memory_space<hbm>>
    %dma_wait3A_960 = tpu.memref_slice %arg10[%mul3A_252] : memref<1048576xf32, #tpu.memory_space<vmem_shared>> -> memref<1024xf32, #tpu.memory_space<vmem_shared>>
    tpu.wait_dma2 semaphore(%arg11 : memref<!tpu.dma_semaphore, #tpu.memory_space<semaphore_mem>>) src(%dma_wait3A_960 : memref<1024xf32, #tpu.memory_space<vmem_shared>>) dst(%dma_wait3A_959 : memref<1024xf32, #tpu.memory_space<hbm>>)
    %dma_wait3A_961 = arith.constant 0 : i32
    %dma_wait3A_962 = tpu.memref_slice %arg4[%add3A_264, %dma_wait3A_961] : memref<2048x1024xf32, #tpu.memory_space<hbm>> -> memref<1x1024xf32, #tpu.memory_space<hbm>>
    %dma_wait3A_963 = tpu.memref_squeeze %dma_wait3A_962 : memref<1x1024xf32, #tpu.memory_space<hbm>> -> memref<1024xf32, #tpu.memory_space<hbm>>
    %dma_wait3A_964 = tpu.memref_slice %arg10[%mul3A_261] : memref<1048576xf32, #tpu.memory_space<vmem_shared>> -> memref<1024xf32, #tpu.memory_space<vmem_shared>>
    tpu.wait_dma2 semaphore(%arg11 : memref<!tpu.dma_semaphore, #tpu.memory_space<semaphore_mem>>) src(%dma_wait3A_964 : memref<1024xf32, #tpu.memory_space<vmem_shared>>) dst(%dma_wait3A_963 : memref<1024xf32, #tpu.memory_space<hbm>>)
    %dma_wait3A_965 = arith.constant 0 : i32
    %dma_wait3A_966 = tpu.memref_slice %arg4[%add3A_273, %dma_wait3A_965] : memref<2048x1024xf32, #tpu.memory_space<hbm>> -> memref<1x1024xf32, #tpu.memory_space<hbm>>
    %dma_wait3A_967 = tpu.memref_squeeze %dma_wait3A_966 : memref<1x1024xf32, #tpu.memory_space<hbm>> -> memref<1024xf32, #tpu.memory_space<hbm>>
    %dma_wait3A_968 = tpu.memref_slice %arg10[%mul3A_270] : memref<1048576xf32, #tpu.memory_space<vmem_shared>> -> memref<1024xf32, #tpu.memory_space<vmem_shared>>
    tpu.wait_dma2 semaphore(%arg11 : memref<!tpu.dma_semaphore, #tpu.memory_space<semaphore_mem>>) src(%dma_wait3A_968 : memref<1024xf32, #tpu.memory_space<vmem_shared>>) dst(%dma_wait3A_967 : memref<1024xf32, #tpu.memory_space<hbm>>)
    %dma_wait3A_969 = arith.constant 0 : i32
    %dma_wait3A_970 = tpu.memref_slice %arg4[%add3A_282, %dma_wait3A_969] : memref<2048x1024xf32, #tpu.memory_space<hbm>> -> memref<1x1024xf32, #tpu.memory_space<hbm>>
    %dma_wait3A_971 = tpu.memref_squeeze %dma_wait3A_970 : memref<1x1024xf32, #tpu.memory_space<hbm>> -> memref<1024xf32, #tpu.memory_space<hbm>>
    %dma_wait3A_972 = tpu.memref_slice %arg10[%mul3A_279] : memref<1048576xf32, #tpu.memory_space<vmem_shared>> -> memref<1024xf32, #tpu.memory_space<vmem_shared>>
    tpu.wait_dma2 semaphore(%arg11 : memref<!tpu.dma_semaphore, #tpu.memory_space<semaphore_mem>>) src(%dma_wait3A_972 : memref<1024xf32, #tpu.memory_space<vmem_shared>>) dst(%dma_wait3A_971 : memref<1024xf32, #tpu.memory_space<hbm>>)
    %dma_wait3A_973 = arith.constant 0 : i32
    %dma_wait3A_974 = tpu.memref_slice %arg4[%add3A_291, %dma_wait3A_973] : memref<2048x1024xf32, #tpu.memory_space<hbm>> -> memref<1x1024xf32, #tpu.memory_space<hbm>>
    %dma_wait3A_975 = tpu.memref_squeeze %dma_wait3A_974 : memref<1x1024xf32, #tpu.memory_space<hbm>> -> memref<1024xf32, #tpu.memory_space<hbm>>
    %dma_wait3A_976 = tpu.memref_slice %arg10[%mul3A_288] : memref<1048576xf32, #tpu.memory_space<vmem_shared>> -> memref<1024xf32, #tpu.memory_space<vmem_shared>>
    tpu.wait_dma2 semaphore(%arg11 : memref<!tpu.dma_semaphore, #tpu.memory_space<semaphore_mem>>) src(%dma_wait3A_976 : memref<1024xf32, #tpu.memory_space<vmem_shared>>) dst(%dma_wait3A_975 : memref<1024xf32, #tpu.memory_space<hbm>>)
    %dma_wait3A_977 = arith.constant 0 : i32
    %dma_wait3A_978 = tpu.memref_slice %arg4[%add3A_300, %dma_wait3A_977] : memref<2048x1024xf32, #tpu.memory_space<hbm>> -> memref<1x1024xf32, #tpu.memory_space<hbm>>
    %dma_wait3A_979 = tpu.memref_squeeze %dma_wait3A_978 : memref<1x1024xf32, #tpu.memory_space<hbm>> -> memref<1024xf32, #tpu.memory_space<hbm>>
    %dma_wait3A_980 = tpu.memref_slice %arg10[%mul3A_297] : memref<1048576xf32, #tpu.memory_space<vmem_shared>> -> memref<1024xf32, #tpu.memory_space<vmem_shared>>
    tpu.wait_dma2 semaphore(%arg11 : memref<!tpu.dma_semaphore, #tpu.memory_space<semaphore_mem>>) src(%dma_wait3A_980 : memref<1024xf32, #tpu.memory_space<vmem_shared>>) dst(%dma_wait3A_979 : memref<1024xf32, #tpu.memory_space<hbm>>)
    %dma_wait3A_981 = arith.constant 0 : i32
    %dma_wait3A_982 = tpu.memref_slice %arg4[%add3A_309, %dma_wait3A_981] : memref<2048x1024xf32, #tpu.memory_space<hbm>> -> memref<1x1024xf32, #tpu.memory_space<hbm>>
    %dma_wait3A_983 = tpu.memref_squeeze %dma_wait3A_982 : memref<1x1024xf32, #tpu.memory_space<hbm>> -> memref<1024xf32, #tpu.memory_space<hbm>>
    %dma_wait3A_984 = tpu.memref_slice %arg10[%mul3A_306] : memref<1048576xf32, #tpu.memory_space<vmem_shared>> -> memref<1024xf32, #tpu.memory_space<vmem_shared>>
    tpu.wait_dma2 semaphore(%arg11 : memref<!tpu.dma_semaphore, #tpu.memory_space<semaphore_mem>>) src(%dma_wait3A_984 : memref<1024xf32, #tpu.memory_space<vmem_shared>>) dst(%dma_wait3A_983 : memref<1024xf32, #tpu.memory_space<hbm>>)
    %dma_wait3A_985 = arith.constant 0 : i32
    %dma_wait3A_986 = tpu.memref_slice %arg4[%add3A_318, %dma_wait3A_985] : memref<2048x1024xf32, #tpu.memory_space<hbm>> -> memref<1x1024xf32, #tpu.memory_space<hbm>>
    %dma_wait3A_987 = tpu.memref_squeeze %dma_wait3A_986 : memref<1x1024xf32, #tpu.memory_space<hbm>> -> memref<1024xf32, #tpu.memory_space<hbm>>
    %dma_wait3A_988 = tpu.memref_slice %arg10[%mul3A_315] : memref<1048576xf32, #tpu.memory_space<vmem_shared>> -> memref<1024xf32, #tpu.memory_space<vmem_shared>>
    tpu.wait_dma2 semaphore(%arg11 : memref<!tpu.dma_semaphore, #tpu.memory_space<semaphore_mem>>) src(%dma_wait3A_988 : memref<1024xf32, #tpu.memory_space<vmem_shared>>) dst(%dma_wait3A_987 : memref<1024xf32, #tpu.memory_space<hbm>>)
    %dma_wait3A_989 = arith.constant 0 : i32
    %dma_wait3A_990 = tpu.memref_slice %arg4[%add3A_327, %dma_wait3A_989] : memref<2048x1024xf32, #tpu.memory_space<hbm>> -> memref<1x1024xf32, #tpu.memory_space<hbm>>
    %dma_wait3A_991 = tpu.memref_squeeze %dma_wait3A_990 : memref<1x1024xf32, #tpu.memory_space<hbm>> -> memref<1024xf32, #tpu.memory_space<hbm>>
    %dma_wait3A_992 = tpu.memref_slice %arg10[%mul3A_324] : memref<1048576xf32, #tpu.memory_space<vmem_shared>> -> memref<1024xf32, #tpu.memory_space<vmem_shared>>
    tpu.wait_dma2 semaphore(%arg11 : memref<!tpu.dma_semaphore, #tpu.memory_space<semaphore_mem>>) src(%dma_wait3A_992 : memref<1024xf32, #tpu.memory_space<vmem_shared>>) dst(%dma_wait3A_991 : memref<1024xf32, #tpu.memory_space<hbm>>)
    %dma_wait3A_993 = arith.constant 0 : i32
    %dma_wait3A_994 = tpu.memref_slice %arg4[%add3A_336, %dma_wait3A_993] : memref<2048x1024xf32, #tpu.memory_space<hbm>> -> memref<1x1024xf32, #tpu.memory_space<hbm>>
    %dma_wait3A_995 = tpu.memref_squeeze %dma_wait3A_994 : memref<1x1024xf32, #tpu.memory_space<hbm>> -> memref<1024xf32, #tpu.memory_space<hbm>>
    %dma_wait3A_996 = tpu.memref_slice %arg10[%mul3A_333] : memref<1048576xf32, #tpu.memory_space<vmem_shared>> -> memref<1024xf32, #tpu.memory_space<vmem_shared>>
    tpu.wait_dma2 semaphore(%arg11 : memref<!tpu.dma_semaphore, #tpu.memory_space<semaphore_mem>>) src(%dma_wait3A_996 : memref<1024xf32, #tpu.memory_space<vmem_shared>>) dst(%dma_wait3A_995 : memref<1024xf32, #tpu.memory_space<hbm>>)
    %dma_wait3A_997 = arith.constant 0 : i32
    %dma_wait3A_998 = tpu.memref_slice %arg4[%add3A_345, %dma_wait3A_997] : memref<2048x1024xf32, #tpu.memory_space<hbm>> -> memref<1x1024xf32, #tpu.memory_space<hbm>>
    %dma_wait3A_999 = tpu.memref_squeeze %dma_wait3A_998 : memref<1x1024xf32, #tpu.memory_space<hbm>> -> memref<1024xf32, #tpu.memory_space<hbm>>
    %dma_wait3A_1000 = tpu.memref_slice %arg10[%mul3A_342] : memref<1048576xf32, #tpu.memory_space<vmem_shared>> -> memref<1024xf32, #tpu.memory_space<vmem_shared>>
    tpu.wait_dma2 semaphore(%arg11 : memref<!tpu.dma_semaphore, #tpu.memory_space<semaphore_mem>>) src(%dma_wait3A_1000 : memref<1024xf32, #tpu.memory_space<vmem_shared>>) dst(%dma_wait3A_999 : memref<1024xf32, #tpu.memory_space<hbm>>)
    %dma_wait3A_1001 = arith.constant 0 : i32
    %dma_wait3A_1002 = tpu.memref_slice %arg4[%add3A_354, %dma_wait3A_1001] : memref<2048x1024xf32, #tpu.memory_space<hbm>> -> memref<1x1024xf32, #tpu.memory_space<hbm>>
    %dma_wait3A_1003 = tpu.memref_squeeze %dma_wait3A_1002 : memref<1x1024xf32, #tpu.memory_space<hbm>> -> memref<1024xf32, #tpu.memory_space<hbm>>
    %dma_wait3A_1004 = tpu.memref_slice %arg10[%mul3A_351] : memref<1048576xf32, #tpu.memory_space<vmem_shared>> -> memref<1024xf32, #tpu.memory_space<vmem_shared>>
    tpu.wait_dma2 semaphore(%arg11 : memref<!tpu.dma_semaphore, #tpu.memory_space<semaphore_mem>>) src(%dma_wait3A_1004 : memref<1024xf32, #tpu.memory_space<vmem_shared>>) dst(%dma_wait3A_1003 : memref<1024xf32, #tpu.memory_space<hbm>>)
    %dma_wait3A_1005 = arith.constant 0 : i32
    %dma_wait3A_1006 = tpu.memref_slice %arg4[%add3A_363, %dma_wait3A_1005] : memref<2048x1024xf32, #tpu.memory_space<hbm>> -> memref<1x1024xf32, #tpu.memory_space<hbm>>
    %dma_wait3A_1007 = tpu.memref_squeeze %dma_wait3A_1006 : memref<1x1024xf32, #tpu.memory_space<hbm>> -> memref<1024xf32, #tpu.memory_space<hbm>>
    %dma_wait3A_1008 = tpu.memref_slice %arg10[%mul3A_360] : memref<1048576xf32, #tpu.memory_space<vmem_shared>> -> memref<1024xf32, #tpu.memory_space<vmem_shared>>
    tpu.wait_dma2 semaphore(%arg11 : memref<!tpu.dma_semaphore, #tpu.memory_space<semaphore_mem>>) src(%dma_wait3A_1008 : memref<1024xf32, #tpu.memory_space<vmem_shared>>) dst(%dma_wait3A_1007 : memref<1024xf32, #tpu.memory_space<hbm>>)
    %dma_wait3A_1009 = arith.constant 0 : i32
    %dma_wait3A_1010 = tpu.memref_slice %arg4[%add3A_372, %dma_wait3A_1009] : memref<2048x1024xf32, #tpu.memory_space<hbm>> -> memref<1x1024xf32, #tpu.memory_space<hbm>>
    %dma_wait3A_1011 = tpu.memref_squeeze %dma_wait3A_1010 : memref<1x1024xf32, #tpu.memory_space<hbm>> -> memref<1024xf32, #tpu.memory_space<hbm>>
    %dma_wait3A_1012 = tpu.memref_slice %arg10[%mul3A_369] : memref<1048576xf32, #tpu.memory_space<vmem_shared>> -> memref<1024xf32, #tpu.memory_space<vmem_shared>>
    tpu.wait_dma2 semaphore(%arg11 : memref<!tpu.dma_semaphore, #tpu.memory_space<semaphore_mem>>) src(%dma_wait3A_1012 : memref<1024xf32, #tpu.memory_space<vmem_shared>>) dst(%dma_wait3A_1011 : memref<1024xf32, #tpu.memory_space<hbm>>)
    %dma_wait3A_1013 = arith.constant 0 : i32
    %dma_wait3A_1014 = tpu.memref_slice %arg4[%add3A_381, %dma_wait3A_1013] : memref<2048x1024xf32, #tpu.memory_space<hbm>> -> memref<1x1024xf32, #tpu.memory_space<hbm>>
    %dma_wait3A_1015 = tpu.memref_squeeze %dma_wait3A_1014 : memref<1x1024xf32, #tpu.memory_space<hbm>> -> memref<1024xf32, #tpu.memory_space<hbm>>
    %dma_wait3A_1016 = tpu.memref_slice %arg10[%mul3A_378] : memref<1048576xf32, #tpu.memory_space<vmem_shared>> -> memref<1024xf32, #tpu.memory_space<vmem_shared>>
    tpu.wait_dma2 semaphore(%arg11 : memref<!tpu.dma_semaphore, #tpu.memory_space<semaphore_mem>>) src(%dma_wait3A_1016 : memref<1024xf32, #tpu.memory_space<vmem_shared>>) dst(%dma_wait3A_1015 : memref<1024xf32, #tpu.memory_space<hbm>>)
    %dma_wait3A_1017 = arith.constant 0 : i32
    %dma_wait3A_1018 = tpu.memref_slice %arg4[%add3A_390, %dma_wait3A_1017] : memref<2048x1024xf32, #tpu.memory_space<hbm>> -> memref<1x1024xf32, #tpu.memory_space<hbm>>
    %dma_wait3A_1019 = tpu.memref_squeeze %dma_wait3A_1018 : memref<1x1024xf32, #tpu.memory_space<hbm>> -> memref<1024xf32, #tpu.memory_space<hbm>>
    %dma_wait3A_1020 = tpu.memref_slice %arg10[%mul3A_387] : memref<1048576xf32, #tpu.memory_space<vmem_shared>> -> memref<1024xf32, #tpu.memory_space<vmem_shared>>
    tpu.wait_dma2 semaphore(%arg11 : memref<!tpu.dma_semaphore, #tpu.memory_space<semaphore_mem>>) src(%dma_wait3A_1020 : memref<1024xf32, #tpu.memory_space<vmem_shared>>) dst(%dma_wait3A_1019 : memref<1024xf32, #tpu.memory_space<hbm>>)
    %dma_wait3A_1021 = arith.constant 0 : i32
    %dma_wait3A_1022 = tpu.memref_slice %arg4[%add3A_399, %dma_wait3A_1021] : memref<2048x1024xf32, #tpu.memory_space<hbm>> -> memref<1x1024xf32, #tpu.memory_space<hbm>>
    %dma_wait3A_1023 = tpu.memref_squeeze %dma_wait3A_1022 : memref<1x1024xf32, #tpu.memory_space<hbm>> -> memref<1024xf32, #tpu.memory_space<hbm>>
    %dma_wait3A_1024 = tpu.memref_slice %arg10[%mul3A_396] : memref<1048576xf32, #tpu.memory_space<vmem_shared>> -> memref<1024xf32, #tpu.memory_space<vmem_shared>>
    tpu.wait_dma2 semaphore(%arg11 : memref<!tpu.dma_semaphore, #tpu.memory_space<semaphore_mem>>) src(%dma_wait3A_1024 : memref<1024xf32, #tpu.memory_space<vmem_shared>>) dst(%dma_wait3A_1023 : memref<1024xf32, #tpu.memory_space<hbm>>)
    %dma_wait3A_1025 = arith.constant 0 : i32
    %dma_wait3A_1026 = tpu.memref_slice %arg4[%add3A_408, %dma_wait3A_1025] : memref<2048x1024xf32, #tpu.memory_space<hbm>> -> memref<1x1024xf32, #tpu.memory_space<hbm>>
    %dma_wait3A_1027 = tpu.memref_squeeze %dma_wait3A_1026 : memref<1x1024xf32, #tpu.memory_space<hbm>> -> memref<1024xf32, #tpu.memory_space<hbm>>
    %dma_wait3A_1028 = tpu.memref_slice %arg10[%mul3A_405] : memref<1048576xf32, #tpu.memory_space<vmem_shared>> -> memref<1024xf32, #tpu.memory_space<vmem_shared>>
    tpu.wait_dma2 semaphore(%arg11 : memref<!tpu.dma_semaphore, #tpu.memory_space<semaphore_mem>>) src(%dma_wait3A_1028 : memref<1024xf32, #tpu.memory_space<vmem_shared>>) dst(%dma_wait3A_1027 : memref<1024xf32, #tpu.memory_space<hbm>>)
    %dma_wait3A_1029 = arith.constant 0 : i32
    %dma_wait3A_1030 = tpu.memref_slice %arg4[%add3A_417, %dma_wait3A_1029] : memref<2048x1024xf32, #tpu.memory_space<hbm>> -> memref<1x1024xf32, #tpu.memory_space<hbm>>
    %dma_wait3A_1031 = tpu.memref_squeeze %dma_wait3A_1030 : memref<1x1024xf32, #tpu.memory_space<hbm>> -> memref<1024xf32, #tpu.memory_space<hbm>>
    %dma_wait3A_1032 = tpu.memref_slice %arg10[%mul3A_414] : memref<1048576xf32, #tpu.memory_space<vmem_shared>> -> memref<1024xf32, #tpu.memory_space<vmem_shared>>
    tpu.wait_dma2 semaphore(%arg11 : memref<!tpu.dma_semaphore, #tpu.memory_space<semaphore_mem>>) src(%dma_wait3A_1032 : memref<1024xf32, #tpu.memory_space<vmem_shared>>) dst(%dma_wait3A_1031 : memref<1024xf32, #tpu.memory_space<hbm>>)
    %dma_wait3A_1033 = arith.constant 0 : i32
    %dma_wait3A_1034 = tpu.memref_slice %arg4[%add3A_426, %dma_wait3A_1033] : memref<2048x1024xf32, #tpu.memory_space<hbm>> -> memref<1x1024xf32, #tpu.memory_space<hbm>>
    %dma_wait3A_1035 = tpu.memref_squeeze %dma_wait3A_1034 : memref<1x1024xf32, #tpu.memory_space<hbm>> -> memref<1024xf32, #tpu.memory_space<hbm>>
    %dma_wait3A_1036 = tpu.memref_slice %arg10[%mul3A_423] : memref<1048576xf32, #tpu.memory_space<vmem_shared>> -> memref<1024xf32, #tpu.memory_space<vmem_shared>>
    tpu.wait_dma2 semaphore(%arg11 : memref<!tpu.dma_semaphore, #tpu.memory_space<semaphore_mem>>) src(%dma_wait3A_1036 : memref<1024xf32, #tpu.memory_space<vmem_shared>>) dst(%dma_wait3A_1035 : memref<1024xf32, #tpu.memory_space<hbm>>)
    %dma_wait3A_1037 = arith.constant 0 : i32
    %dma_wait3A_1038 = tpu.memref_slice %arg4[%add3A_435, %dma_wait3A_1037] : memref<2048x1024xf32, #tpu.memory_space<hbm>> -> memref<1x1024xf32, #tpu.memory_space<hbm>>
    %dma_wait3A_1039 = tpu.memref_squeeze %dma_wait3A_1038 : memref<1x1024xf32, #tpu.memory_space<hbm>> -> memref<1024xf32, #tpu.memory_space<hbm>>
    %dma_wait3A_1040 = tpu.memref_slice %arg10[%mul3A_432] : memref<1048576xf32, #tpu.memory_space<vmem_shared>> -> memref<1024xf32, #tpu.memory_space<vmem_shared>>
    tpu.wait_dma2 semaphore(%arg11 : memref<!tpu.dma_semaphore, #tpu.memory_space<semaphore_mem>>) src(%dma_wait3A_1040 : memref<1024xf32, #tpu.memory_space<vmem_shared>>) dst(%dma_wait3A_1039 : memref<1024xf32, #tpu.memory_space<hbm>>)
    %dma_wait3A_1041 = arith.constant 0 : i32
    %dma_wait3A_1042 = tpu.memref_slice %arg4[%add3A_444, %dma_wait3A_1041] : memref<2048x1024xf32, #tpu.memory_space<hbm>> -> memref<1x1024xf32, #tpu.memory_space<hbm>>
    %dma_wait3A_1043 = tpu.memref_squeeze %dma_wait3A_1042 : memref<1x1024xf32, #tpu.memory_space<hbm>> -> memref<1024xf32, #tpu.memory_space<hbm>>
    %dma_wait3A_1044 = tpu.memref_slice %arg10[%mul3A_441] : memref<1048576xf32, #tpu.memory_space<vmem_shared>> -> memref<1024xf32, #tpu.memory_space<vmem_shared>>
    tpu.wait_dma2 semaphore(%arg11 : memref<!tpu.dma_semaphore, #tpu.memory_space<semaphore_mem>>) src(%dma_wait3A_1044 : memref<1024xf32, #tpu.memory_space<vmem_shared>>) dst(%dma_wait3A_1043 : memref<1024xf32, #tpu.memory_space<hbm>>)
    %dma_wait3A_1045 = arith.constant 0 : i32
    %dma_wait3A_1046 = tpu.memref_slice %arg4[%add3A_453, %dma_wait3A_1045] : memref<2048x1024xf32, #tpu.memory_space<hbm>> -> memref<1x1024xf32, #tpu.memory_space<hbm>>
    %dma_wait3A_1047 = tpu.memref_squeeze %dma_wait3A_1046 : memref<1x1024xf32, #tpu.memory_space<hbm>> -> memref<1024xf32, #tpu.memory_space<hbm>>
    %dma_wait3A_1048 = tpu.memref_slice %arg10[%mul3A_450] : memref<1048576xf32, #tpu.memory_space<vmem_shared>> -> memref<1024xf32, #tpu.memory_space<vmem_shared>>
    tpu.wait_dma2 semaphore(%arg11 : memref<!tpu.dma_semaphore, #tpu.memory_space<semaphore_mem>>) src(%dma_wait3A_1048 : memref<1024xf32, #tpu.memory_space<vmem_shared>>) dst(%dma_wait3A_1047 : memref<1024xf32, #tpu.memory_space<hbm>>)
    %dma_wait3A_1049 = arith.constant 0 : i32
    %dma_wait3A_1050 = tpu.memref_slice %arg4[%add3A_462, %dma_wait3A_1049] : memref<2048x1024xf32, #tpu.memory_space<hbm>> -> memref<1x1024xf32, #tpu.memory_space<hbm>>
    %dma_wait3A_1051 = tpu.memref_squeeze %dma_wait3A_1050 : memref<1x1024xf32, #tpu.memory_space<hbm>> -> memref<1024xf32, #tpu.memory_space<hbm>>
    %dma_wait3A_1052 = tpu.memref_slice %arg10[%mul3A_459] : memref<1048576xf32, #tpu.memory_space<vmem_shared>> -> memref<1024xf32, #tpu.memory_space<vmem_shared>>
    tpu.wait_dma2 semaphore(%arg11 : memref<!tpu.dma_semaphore, #tpu.memory_space<semaphore_mem>>) src(%dma_wait3A_1052 : memref<1024xf32, #tpu.memory_space<vmem_shared>>) dst(%dma_wait3A_1051 : memref<1024xf32, #tpu.memory_space<hbm>>)
    %dma_wait3A_1053 = arith.constant 0 : i32
    %dma_wait3A_1054 = tpu.memref_slice %arg4[%add3A_471, %dma_wait3A_1053] : memref<2048x1024xf32, #tpu.memory_space<hbm>> -> memref<1x1024xf32, #tpu.memory_space<hbm>>
    %dma_wait3A_1055 = tpu.memref_squeeze %dma_wait3A_1054 : memref<1x1024xf32, #tpu.memory_space<hbm>> -> memref<1024xf32, #tpu.memory_space<hbm>>
    %dma_wait3A_1056 = tpu.memref_slice %arg10[%mul3A_468] : memref<1048576xf32, #tpu.memory_space<vmem_shared>> -> memref<1024xf32, #tpu.memory_space<vmem_shared>>
    tpu.wait_dma2 semaphore(%arg11 : memref<!tpu.dma_semaphore, #tpu.memory_space<semaphore_mem>>) src(%dma_wait3A_1056 : memref<1024xf32, #tpu.memory_space<vmem_shared>>) dst(%dma_wait3A_1055 : memref<1024xf32, #tpu.memory_space<hbm>>)
    %dma_wait3A_1057 = arith.constant 0 : i32
    %dma_wait3A_1058 = tpu.memref_slice %arg4[%add3A_480, %dma_wait3A_1057] : memref<2048x1024xf32, #tpu.memory_space<hbm>> -> memref<1x1024xf32, #tpu.memory_space<hbm>>
    %dma_wait3A_1059 = tpu.memref_squeeze %dma_wait3A_1058 : memref<1x1024xf32, #tpu.memory_space<hbm>> -> memref<1024xf32, #tpu.memory_space<hbm>>
    %dma_wait3A_1060 = tpu.memref_slice %arg10[%mul3A_477] : memref<1048576xf32, #tpu.memory_space<vmem_shared>> -> memref<1024xf32, #tpu.memory_space<vmem_shared>>
    tpu.wait_dma2 semaphore(%arg11 : memref<!tpu.dma_semaphore, #tpu.memory_space<semaphore_mem>>) src(%dma_wait3A_1060 : memref<1024xf32, #tpu.memory_space<vmem_shared>>) dst(%dma_wait3A_1059 : memref<1024xf32, #tpu.memory_space<hbm>>)
    %dma_wait3A_1061 = arith.constant 0 : i32
    %dma_wait3A_1062 = tpu.memref_slice %arg4[%add3A_489, %dma_wait3A_1061] : memref<2048x1024xf32, #tpu.memory_space<hbm>> -> memref<1x1024xf32, #tpu.memory_space<hbm>>
    %dma_wait3A_1063 = tpu.memref_squeeze %dma_wait3A_1062 : memref<1x1024xf32, #tpu.memory_space<hbm>> -> memref<1024xf32, #tpu.memory_space<hbm>>
    %dma_wait3A_1064 = tpu.memref_slice %arg10[%mul3A_486] : memref<1048576xf32, #tpu.memory_space<vmem_shared>> -> memref<1024xf32, #tpu.memory_space<vmem_shared>>
    tpu.wait_dma2 semaphore(%arg11 : memref<!tpu.dma_semaphore, #tpu.memory_space<semaphore_mem>>) src(%dma_wait3A_1064 : memref<1024xf32, #tpu.memory_space<vmem_shared>>) dst(%dma_wait3A_1063 : memref<1024xf32, #tpu.memory_space<hbm>>)
    %dma_wait3A_1065 = arith.constant 0 : i32
    %dma_wait3A_1066 = tpu.memref_slice %arg4[%add3A_498, %dma_wait3A_1065] : memref<2048x1024xf32, #tpu.memory_space<hbm>> -> memref<1x1024xf32, #tpu.memory_space<hbm>>
    %dma_wait3A_1067 = tpu.memref_squeeze %dma_wait3A_1066 : memref<1x1024xf32, #tpu.memory_space<hbm>> -> memref<1024xf32, #tpu.memory_space<hbm>>
    %dma_wait3A_1068 = tpu.memref_slice %arg10[%mul3A_495] : memref<1048576xf32, #tpu.memory_space<vmem_shared>> -> memref<1024xf32, #tpu.memory_space<vmem_shared>>
    tpu.wait_dma2 semaphore(%arg11 : memref<!tpu.dma_semaphore, #tpu.memory_space<semaphore_mem>>) src(%dma_wait3A_1068 : memref<1024xf32, #tpu.memory_space<vmem_shared>>) dst(%dma_wait3A_1067 : memref<1024xf32, #tpu.memory_space<hbm>>)
    %dma_wait3A_1069 = arith.constant 0 : i32
    %dma_wait3A_1070 = tpu.memref_slice %arg4[%add3A_507, %dma_wait3A_1069] : memref<2048x1024xf32, #tpu.memory_space<hbm>> -> memref<1x1024xf32, #tpu.memory_space<hbm>>
    %dma_wait3A_1071 = tpu.memref_squeeze %dma_wait3A_1070 : memref<1x1024xf32, #tpu.memory_space<hbm>> -> memref<1024xf32, #tpu.memory_space<hbm>>
    %dma_wait3A_1072 = tpu.memref_slice %arg10[%mul3A_504] : memref<1048576xf32, #tpu.memory_space<vmem_shared>> -> memref<1024xf32, #tpu.memory_space<vmem_shared>>
    tpu.wait_dma2 semaphore(%arg11 : memref<!tpu.dma_semaphore, #tpu.memory_space<semaphore_mem>>) src(%dma_wait3A_1072 : memref<1024xf32, #tpu.memory_space<vmem_shared>>) dst(%dma_wait3A_1071 : memref<1024xf32, #tpu.memory_space<hbm>>)
    %dma_wait3A_1073 = arith.constant 0 : i32
    %dma_wait3A_1074 = tpu.memref_slice %arg4[%add3A_516, %dma_wait3A_1073] : memref<2048x1024xf32, #tpu.memory_space<hbm>> -> memref<1x1024xf32, #tpu.memory_space<hbm>>
    %dma_wait3A_1075 = tpu.memref_squeeze %dma_wait3A_1074 : memref<1x1024xf32, #tpu.memory_space<hbm>> -> memref<1024xf32, #tpu.memory_space<hbm>>
    %dma_wait3A_1076 = tpu.memref_slice %arg10[%mul3A_513] : memref<1048576xf32, #tpu.memory_space<vmem_shared>> -> memref<1024xf32, #tpu.memory_space<vmem_shared>>
    tpu.wait_dma2 semaphore(%arg11 : memref<!tpu.dma_semaphore, #tpu.memory_space<semaphore_mem>>) src(%dma_wait3A_1076 : memref<1024xf32, #tpu.memory_space<vmem_shared>>) dst(%dma_wait3A_1075 : memref<1024xf32, #tpu.memory_space<hbm>>)
    %dma_wait3A_1077 = arith.constant 0 : i32
    %dma_wait3A_1078 = tpu.memref_slice %arg4[%add3A_525, %dma_wait3A_1077] : memref<2048x1024xf32, #tpu.memory_space<hbm>> -> memref<1x1024xf32, #tpu.memory_space<hbm>>
    %dma_wait3A_1079 = tpu.memref_squeeze %dma_wait3A_1078 : memref<1x1024xf32, #tpu.memory_space<hbm>> -> memref<1024xf32, #tpu.memory_space<hbm>>
    %dma_wait3A_1080 = tpu.memref_slice %arg10[%mul3A_522] : memref<1048576xf32, #tpu.memory_space<vmem_shared>> -> memref<1024xf32, #tpu.memory_space<vmem_shared>>
    tpu.wait_dma2 semaphore(%arg11 : memref<!tpu.dma_semaphore, #tpu.memory_space<semaphore_mem>>) src(%dma_wait3A_1080 : memref<1024xf32, #tpu.memory_space<vmem_shared>>) dst(%dma_wait3A_1079 : memref<1024xf32, #tpu.memory_space<hbm>>)
    %dma_wait3A_1081 = arith.constant 0 : i32
    %dma_wait3A_1082 = tpu.memref_slice %arg4[%add3A_534, %dma_wait3A_1081] : memref<2048x1024xf32, #tpu.memory_space<hbm>> -> memref<1x1024xf32, #tpu.memory_space<hbm>>
    %dma_wait3A_1083 = tpu.memref_squeeze %dma_wait3A_1082 : memref<1x1024xf32, #tpu.memory_space<hbm>> -> memref<1024xf32, #tpu.memory_space<hbm>>
    %dma_wait3A_1084 = tpu.memref_slice %arg10[%mul3A_531] : memref<1048576xf32, #tpu.memory_space<vmem_shared>> -> memref<1024xf32, #tpu.memory_space<vmem_shared>>
    tpu.wait_dma2 semaphore(%arg11 : memref<!tpu.dma_semaphore, #tpu.memory_space<semaphore_mem>>) src(%dma_wait3A_1084 : memref<1024xf32, #tpu.memory_space<vmem_shared>>) dst(%dma_wait3A_1083 : memref<1024xf32, #tpu.memory_space<hbm>>)
    %dma_wait3A_1085 = arith.constant 0 : i32
    %dma_wait3A_1086 = tpu.memref_slice %arg4[%add3A_543, %dma_wait3A_1085] : memref<2048x1024xf32, #tpu.memory_space<hbm>> -> memref<1x1024xf32, #tpu.memory_space<hbm>>
    %dma_wait3A_1087 = tpu.memref_squeeze %dma_wait3A_1086 : memref<1x1024xf32, #tpu.memory_space<hbm>> -> memref<1024xf32, #tpu.memory_space<hbm>>
    %dma_wait3A_1088 = tpu.memref_slice %arg10[%mul3A_540] : memref<1048576xf32, #tpu.memory_space<vmem_shared>> -> memref<1024xf32, #tpu.memory_space<vmem_shared>>
    tpu.wait_dma2 semaphore(%arg11 : memref<!tpu.dma_semaphore, #tpu.memory_space<semaphore_mem>>) src(%dma_wait3A_1088 : memref<1024xf32, #tpu.memory_space<vmem_shared>>) dst(%dma_wait3A_1087 : memref<1024xf32, #tpu.memory_space<hbm>>)
    %dma_wait3A_1089 = arith.constant 0 : i32
    %dma_wait3A_1090 = tpu.memref_slice %arg4[%add3A_552, %dma_wait3A_1089] : memref<2048x1024xf32, #tpu.memory_space<hbm>> -> memref<1x1024xf32, #tpu.memory_space<hbm>>
    %dma_wait3A_1091 = tpu.memref_squeeze %dma_wait3A_1090 : memref<1x1024xf32, #tpu.memory_space<hbm>> -> memref<1024xf32, #tpu.memory_space<hbm>>
    %dma_wait3A_1092 = tpu.memref_slice %arg10[%mul3A_549] : memref<1048576xf32, #tpu.memory_space<vmem_shared>> -> memref<1024xf32, #tpu.memory_space<vmem_shared>>
    tpu.wait_dma2 semaphore(%arg11 : memref<!tpu.dma_semaphore, #tpu.memory_space<semaphore_mem>>) src(%dma_wait3A_1092 : memref<1024xf32, #tpu.memory_space<vmem_shared>>) dst(%dma_wait3A_1091 : memref<1024xf32, #tpu.memory_space<hbm>>)
    %dma_wait3A_1093 = arith.constant 0 : i32
    %dma_wait3A_1094 = tpu.memref_slice %arg4[%add3A_561, %dma_wait3A_1093] : memref<2048x1024xf32, #tpu.memory_space<hbm>> -> memref<1x1024xf32, #tpu.memory_space<hbm>>
    %dma_wait3A_1095 = tpu.memref_squeeze %dma_wait3A_1094 : memref<1x1024xf32, #tpu.memory_space<hbm>> -> memref<1024xf32, #tpu.memory_space<hbm>>
    %dma_wait3A_1096 = tpu.memref_slice %arg10[%mul3A_558] : memref<1048576xf32, #tpu.memory_space<vmem_shared>> -> memref<1024xf32, #tpu.memory_space<vmem_shared>>
    tpu.wait_dma2 semaphore(%arg11 : memref<!tpu.dma_semaphore, #tpu.memory_space<semaphore_mem>>) src(%dma_wait3A_1096 : memref<1024xf32, #tpu.memory_space<vmem_shared>>) dst(%dma_wait3A_1095 : memref<1024xf32, #tpu.memory_space<hbm>>)
    %dma_wait3A_1097 = arith.constant 0 : i32
    %dma_wait3A_1098 = tpu.memref_slice %arg4[%add3A_570, %dma_wait3A_1097] : memref<2048x1024xf32, #tpu.memory_space<hbm>> -> memref<1x1024xf32, #tpu.memory_space<hbm>>
    %dma_wait3A_1099 = tpu.memref_squeeze %dma_wait3A_1098 : memref<1x1024xf32, #tpu.memory_space<hbm>> -> memref<1024xf32, #tpu.memory_space<hbm>>
    %dma_wait3A_1100 = tpu.memref_slice %arg10[%mul3A_567] : memref<1048576xf32, #tpu.memory_space<vmem_shared>> -> memref<1024xf32, #tpu.memory_space<vmem_shared>>
    tpu.wait_dma2 semaphore(%arg11 : memref<!tpu.dma_semaphore, #tpu.memory_space<semaphore_mem>>) src(%dma_wait3A_1100 : memref<1024xf32, #tpu.memory_space<vmem_shared>>) dst(%dma_wait3A_1099 : memref<1024xf32, #tpu.memory_space<hbm>>)
    %dma_wait3A_1101 = arith.constant 0 : i32
    %dma_wait3A_1102 = tpu.memref_slice %arg4[%add3A_579, %dma_wait3A_1101] : memref<2048x1024xf32, #tpu.memory_space<hbm>> -> memref<1x1024xf32, #tpu.memory_space<hbm>>
    %dma_wait3A_1103 = tpu.memref_squeeze %dma_wait3A_1102 : memref<1x1024xf32, #tpu.memory_space<hbm>> -> memref<1024xf32, #tpu.memory_space<hbm>>
    %dma_wait3A_1104 = tpu.memref_slice %arg10[%mul3A_576] : memref<1048576xf32, #tpu.memory_space<vmem_shared>> -> memref<1024xf32, #tpu.memory_space<vmem_shared>>
    tpu.wait_dma2 semaphore(%arg11 : memref<!tpu.dma_semaphore, #tpu.memory_space<semaphore_mem>>) src(%dma_wait3A_1104 : memref<1024xf32, #tpu.memory_space<vmem_shared>>) dst(%dma_wait3A_1103 : memref<1024xf32, #tpu.memory_space<hbm>>)
    %dma_wait3A_1105 = arith.constant 0 : i32
    %dma_wait3A_1106 = tpu.memref_slice %arg4[%add3A_588, %dma_wait3A_1105] : memref<2048x1024xf32, #tpu.memory_space<hbm>> -> memref<1x1024xf32, #tpu.memory_space<hbm>>
    %dma_wait3A_1107 = tpu.memref_squeeze %dma_wait3A_1106 : memref<1x1024xf32, #tpu.memory_space<hbm>> -> memref<1024xf32, #tpu.memory_space<hbm>>
    %dma_wait3A_1108 = tpu.memref_slice %arg10[%mul3A_585] : memref<1048576xf32, #tpu.memory_space<vmem_shared>> -> memref<1024xf32, #tpu.memory_space<vmem_shared>>
    tpu.wait_dma2 semaphore(%arg11 : memref<!tpu.dma_semaphore, #tpu.memory_space<semaphore_mem>>) src(%dma_wait3A_1108 : memref<1024xf32, #tpu.memory_space<vmem_shared>>) dst(%dma_wait3A_1107 : memref<1024xf32, #tpu.memory_space<hbm>>)
    %dma_wait3A_1109 = arith.constant 0 : i32
    %dma_wait3A_1110 = tpu.memref_slice %arg4[%add3A_597, %dma_wait3A_1109] : memref<2048x1024xf32, #tpu.memory_space<hbm>> -> memref<1x1024xf32, #tpu.memory_space<hbm>>
    %dma_wait3A_1111 = tpu.memref_squeeze %dma_wait3A_1110 : memref<1x1024xf32, #tpu.memory_space<hbm>> -> memref<1024xf32, #tpu.memory_space<hbm>>
    %dma_wait3A_1112 = tpu.memref_slice %arg10[%mul3A_594] : memref<1048576xf32, #tpu.memory_space<vmem_shared>> -> memref<1024xf32, #tpu.memory_space<vmem_shared>>
    tpu.wait_dma2 semaphore(%arg11 : memref<!tpu.dma_semaphore, #tpu.memory_space<semaphore_mem>>) src(%dma_wait3A_1112 : memref<1024xf32, #tpu.memory_space<vmem_shared>>) dst(%dma_wait3A_1111 : memref<1024xf32, #tpu.memory_space<hbm>>)
    %dma_wait3A_1113 = arith.constant 0 : i32
    %dma_wait3A_1114 = tpu.memref_slice %arg4[%add3A_606, %dma_wait3A_1113] : memref<2048x1024xf32, #tpu.memory_space<hbm>> -> memref<1x1024xf32, #tpu.memory_space<hbm>>
    %dma_wait3A_1115 = tpu.memref_squeeze %dma_wait3A_1114 : memref<1x1024xf32, #tpu.memory_space<hbm>> -> memref<1024xf32, #tpu.memory_space<hbm>>
    %dma_wait3A_1116 = tpu.memref_slice %arg10[%mul3A_603] : memref<1048576xf32, #tpu.memory_space<vmem_shared>> -> memref<1024xf32, #tpu.memory_space<vmem_shared>>
    tpu.wait_dma2 semaphore(%arg11 : memref<!tpu.dma_semaphore, #tpu.memory_space<semaphore_mem>>) src(%dma_wait3A_1116 : memref<1024xf32, #tpu.memory_space<vmem_shared>>) dst(%dma_wait3A_1115 : memref<1024xf32, #tpu.memory_space<hbm>>)
    return
  }
}

module attributes {stable_mosaic.version = 14 : i64} {
  func.func @_convs_body(%arg0: i32, %arg1: memref<8192x128xf32, #tpu.memory_space<vmem>>, %arg2: memref<1024x1024xf32, #tpu.memory_space<vmem>>, %arg3: memref<1024x1024xf32, #tpu.memory_space<vmem>>, %arg4: memref<1024x1024xf32, #tpu.memory_space<vmem>>, %arg5: memref<1x1024xf32, #tpu.memory_space<vmem>>, %arg6: memref<512x1024xf32, #tpu.memory_space<vmem>>, %arg7: memref<512x1024xf32, #tpu.memory_space<vmem>>, %arg8: memref<1x1024xf32, #tpu.memory_space<vmem>>, %arg9: memref<1024x1024xf32, #tpu.memory_space<vmem>>, %arg10: memref<1024x1024xf32, #tpu.memory_space<vmem>>, %arg11: memref<512x1024xf32, #tpu.memory_space<vmem>>, %arg12: memref<512x1024xf32, #tpu.memory_space<vmem>>) attributes {dimension_semantics = [#tpu.dimension_semantics<arbitrary>], iteration_bounds = array<i64: 2>, scalar_prefetch = 0 : i64, scratch_operands = 3 : i64, tpu.core_type = #tpu.core_type<tc>, window_params = [{pipeline_mode = #tpu.pipeline_mode<synchronous>, transform_indices = @transform_0, window_bounds = array<i64: 8192, 128>}, {transform_indices = @transform_1, window_bounds = array<i64: 1024, 1024>}, {pipeline_mode = #tpu.pipeline_mode<synchronous>, transform_indices = @transform_2, window_bounds = array<i64: 1024, 1024>}, {pipeline_mode = #tpu.pipeline_mode<synchronous>, transform_indices = @transform_3, window_bounds = array<i64: 1024, 1024>}, {pipeline_mode = #tpu.pipeline_mode<synchronous>, transform_indices = @transform_4, window_bounds = array<i64: 1, 1024>}, {transform_indices = @transform_5, window_bounds = array<i64: 512, 1024>}, {transform_indices = @transform_6, window_bounds = array<i64: 512, 1024>}, {pipeline_mode = #tpu.pipeline_mode<synchronous>, transform_indices = @transform_7, window_bounds = array<i64: 1, 1024>}, {pipeline_mode = #tpu.pipeline_mode<synchronous>, transform_indices = @transform_8, window_bounds = array<i64: 1024, 1024>}]} {
    %eq3A = arith.constant 0 : i32
    %eq3A_0 = arith.cmpi eq, %arg0, %eq3A : i32
    %convert_element_type3A = arith.extui %eq3A_0 : i1 to i32
    %cond3A = arith.constant 0 : i32
    %cond3A_1 = arith.cmpi ne, %convert_element_type3A, %cond3A : i32
    scf.if %cond3A_1 {
      %get3A = arith.constant 0 : index
      %get3A_7 = arith.constant 0 : index
      %get3A_8 = vector.load %arg1[%get3A, %get3A_7] : memref<8192x128xf32, #tpu.memory_space<vmem>>, vector<8192x128xf32>
      %reshape3A = vector.shape_cast %get3A_8 : vector<8192x128xf32> to vector<1024x1024xf32>
      %get3A_9 = arith.constant 0 : index
      %get3A_10 = arith.constant 0 : index
      %get3A_11 = vector.load %arg3[%get3A_9, %get3A_10] : memref<1024x1024xf32, #tpu.memory_space<vmem>>, vector<1024x1024xf32>
      %dot_general3A = arith.constant dense<0.000000e+00> : vector<1024x1024xf32>
      %dot_general3A_12 = tpu.matmul %reshape3A, %get3A_11, %dot_general3A {dimension_numbers = #tpu.dot_dimension_numbers<[1], [0], [0], [1], [0, 0, 1, 1], [], []>, transpose_lhs_hint = false} : vector<1024x1024xf32>, vector<1024x1024xf32>, vector<1024x1024xf32> -> vector<1024x1024xf32>
      %get3A_13 = arith.constant 0 : index
      %get3A_14 = arith.constant 0 : index
      %get3A_15 = vector.load %arg4[%get3A_13, %get3A_14] : memref<1024x1024xf32, #tpu.memory_space<vmem>>, vector<1024x1024xf32>
      %dot_general3A_16 = arith.constant dense<0.000000e+00> : vector<1024x1024xf32>
      %dot_general3A_17 = tpu.matmul %reshape3A, %get3A_15, %dot_general3A_16 {dimension_numbers = #tpu.dot_dimension_numbers<[1], [0], [0], [1], [0, 0, 1, 1], [], []>, transpose_lhs_hint = false} : vector<1024x1024xf32>, vector<1024x1024xf32>, vector<1024x1024xf32> -> vector<1024x1024xf32>
      %get3A_18 = arith.constant 0 : index
      %get3A_19 = arith.constant 0 : index
      %get3A_20 = vector.load %arg2[%get3A_18, %get3A_19] : memref<1024x1024xf32, #tpu.memory_space<vmem>>, vector<1024x1024xf32>
      %dot_general3A_21 = arith.constant dense<0.000000e+00> : vector<1024x1024xf32>
      %dot_general3A_22 = tpu.matmul %get3A_20, %dot_general3A_12, %dot_general3A_21 {dimension_numbers = #tpu.dot_dimension_numbers<[1], [0], [0], [1], [0, 0, 1, 1], [], []>, transpose_lhs_hint = false} : vector<1024x1024xf32>, vector<1024x1024xf32>, vector<1024x1024xf32> -> vector<1024x1024xf32>
      %add3A = arith.addf %dot_general3A_17, %dot_general3A_22 : vector<1024x1024xf32>
      %get3A_23 = arith.constant 0 : index
      %get3A_24 = arith.constant 0 : index
      %get3A_25 = vector.load %arg5[%get3A_23, %get3A_24] : memref<1x1024xf32, #tpu.memory_space<vmem>>, vector<1x1024xf32>
      %add3A_26 = vector.broadcast %get3A_25 : vector<1x1024xf32> to vector<1024x1024xf32>
      %add3A_27 = arith.addf %add3A, %add3A_26 : vector<1024x1024xf32>
      %max3A = arith.constant 0.000000e+00 : f32
      %max3A_28 = vector.broadcast %max3A : f32 to vector<1024x1024xf32>
      %max3A_29 = arith.maximumf %add3A_27, %max3A_28 : vector<1024x1024xf32>
      %swap3A = arith.constant 0 : index
      %swap3A_30 = arith.constant 0 : index
      %swap3A_31 = vector.load %arg10[%swap3A, %swap3A_30] : memref<1024x1024xf32, #tpu.memory_space<vmem>>, vector<1024x1024xf32>
      tpu.vector_store %arg10[%swap3A, %swap3A_30], %max3A_29 {strides = array<i32>} : memref<1024x1024xf32, #tpu.memory_space<vmem>>, vector<1024x1024xf32>,
      %get3A_32 = arith.constant 0 : index
      %get3A_33 = arith.constant 0 : index
      %get3A_34 = vector.load %arg6[%get3A_32, %get3A_33] : memref<512x1024xf32, #tpu.memory_space<vmem>>, vector<512x1024xf32>
      %swap3A_35 = arith.constant 0 : index
      %swap3A_36 = arith.constant 0 : index
      %swap3A_37 = vector.load %arg11[%swap3A_35, %swap3A_36] : memref<512x1024xf32, #tpu.memory_space<vmem>>, vector<512x1024xf32>
      tpu.vector_store %arg11[%swap3A_35, %swap3A_36], %get3A_34 {strides = array<i32>} : memref<512x1024xf32, #tpu.memory_space<vmem>>, vector<512x1024xf32>,
      %get3A_38 = arith.constant 0 : index
      %get3A_39 = arith.constant 0 : index
      %get3A_40 = vector.load %arg7[%get3A_38, %get3A_39] : memref<512x1024xf32, #tpu.memory_space<vmem>>, vector<512x1024xf32>
      %swap3A_41 = arith.constant 0 : index
      %swap3A_42 = arith.constant 0 : index
      %swap3A_43 = vector.load %arg12[%swap3A_41, %swap3A_42] : memref<512x1024xf32, #tpu.memory_space<vmem>>, vector<512x1024xf32>
      tpu.vector_store %arg12[%swap3A_41, %swap3A_42], %get3A_40 {strides = array<i32>} : memref<512x1024xf32, #tpu.memory_space<vmem>>, vector<512x1024xf32>,
    } else {
    }
    %eq3A_2 = arith.constant 1 : i32
    %eq3A_3 = arith.cmpi eq, %arg0, %eq3A_2 : i32
    %convert_element_type3A_4 = arith.extui %eq3A_3 : i1 to i32
    %cond3A_5 = arith.constant 0 : i32
    %cond3A_6 = arith.cmpi ne, %convert_element_type3A_4, %cond3A_5 : i32
    scf.if %cond3A_6 {
      %get3A = arith.constant 0 : index
      %get3A_7 = arith.constant 0 : index
      %get3A_8 = vector.load %arg10[%get3A, %get3A_7] : memref<1024x1024xf32, #tpu.memory_space<vmem>>, vector<1024x1024xf32>
      %slice3A = vector.extract_strided_slice %get3A_8 {offsets = [0, 0], sizes = [1024, 512], strides = [1, 1]} : vector<1024x1024xf32> to vector<1024x512xf32>
      %slice3A_9 = vector.extract_strided_slice %get3A_8 {offsets = [0, 512], sizes = [1024, 512], strides = [1, 1]} : vector<1024x1024xf32> to vector<1024x512xf32>
      %get3A_10 = arith.constant 0 : index
      %get3A_11 = arith.constant 0 : index
      %get3A_12 = vector.load %arg11[%get3A_10, %get3A_11] : memref<512x1024xf32, #tpu.memory_space<vmem>>, vector<512x1024xf32>
      %dot_general3A = arith.constant dense<0.000000e+00> : vector<1024x1024xf32>
      %dot_general3A_13 = tpu.matmul %slice3A, %get3A_12, %dot_general3A {dimension_numbers = #tpu.dot_dimension_numbers<[1], [0], [0], [1], [0, 0, 1, 1], [], []>, transpose_lhs_hint = false} : vector<1024x512xf32>, vector<512x1024xf32>, vector<1024x1024xf32> -> vector<1024x1024xf32>
      %get3A_14 = arith.constant 0 : index
      %get3A_15 = arith.constant 0 : index
      %get3A_16 = vector.load %arg6[%get3A_14, %get3A_15] : memref<512x1024xf32, #tpu.memory_space<vmem>>, vector<512x1024xf32>
      %dot_general3A_17 = arith.constant dense<0.000000e+00> : vector<1024x1024xf32>
      %dot_general3A_18 = tpu.matmul %slice3A_9, %get3A_16, %dot_general3A_17 {dimension_numbers = #tpu.dot_dimension_numbers<[1], [0], [0], [1], [0, 0, 1, 1], [], []>, transpose_lhs_hint = false} : vector<1024x512xf32>, vector<512x1024xf32>, vector<1024x1024xf32> -> vector<1024x1024xf32>
      %add3A = arith.addf %dot_general3A_13, %dot_general3A_18 : vector<1024x1024xf32>
      %get3A_19 = arith.constant 0 : index
      %get3A_20 = arith.constant 0 : index
      %get3A_21 = vector.load %arg2[%get3A_19, %get3A_20] : memref<1024x1024xf32, #tpu.memory_space<vmem>>, vector<1024x1024xf32>
      %dot_general3A_22 = arith.constant dense<0.000000e+00> : vector<1024x1024xf32>
      %dot_general3A_23 = tpu.matmul %get3A_21, %add3A, %dot_general3A_22 {dimension_numbers = #tpu.dot_dimension_numbers<[1], [0], [0], [1], [0, 0, 1, 1], [], []>, transpose_lhs_hint = false} : vector<1024x1024xf32>, vector<1024x1024xf32>, vector<1024x1024xf32> -> vector<1024x1024xf32>
      %get3A_24 = arith.constant 0 : index
      %get3A_25 = arith.constant 0 : index
      %get3A_26 = vector.load %arg12[%get3A_24, %get3A_25] : memref<512x1024xf32, #tpu.memory_space<vmem>>, vector<512x1024xf32>
      %dot_general3A_27 = arith.constant dense<0.000000e+00> : vector<1024x1024xf32>
      %dot_general3A_28 = tpu.matmul %slice3A, %get3A_26, %dot_general3A_27 {dimension_numbers = #tpu.dot_dimension_numbers<[1], [0], [0], [1], [0, 0, 1, 1], [], []>, transpose_lhs_hint = false} : vector<1024x512xf32>, vector<512x1024xf32>, vector<1024x1024xf32> -> vector<1024x1024xf32>
      %get3A_29 = arith.constant 0 : index
      %get3A_30 = arith.constant 0 : index
      %get3A_31 = vector.load %arg7[%get3A_29, %get3A_30] : memref<512x1024xf32, #tpu.memory_space<vmem>>, vector<512x1024xf32>
      %dot_general3A_32 = arith.constant dense<0.000000e+00> : vector<1024x1024xf32>
      %dot_general3A_33 = tpu.matmul %slice3A_9, %get3A_31, %dot_general3A_32 {dimension_numbers = #tpu.dot_dimension_numbers<[1], [0], [0], [1], [0, 0, 1, 1], [], []>, transpose_lhs_hint = false} : vector<1024x512xf32>, vector<512x1024xf32>, vector<1024x1024xf32> -> vector<1024x1024xf32>
      %add3A_34 = arith.addf %dot_general3A_28, %dot_general3A_33 : vector<1024x1024xf32>
      %add3A_35 = arith.addf %add3A_34, %dot_general3A_23 : vector<1024x1024xf32>
      %get3A_36 = arith.constant 0 : index
      %get3A_37 = arith.constant 0 : index
      %get3A_38 = vector.load %arg8[%get3A_36, %get3A_37] : memref<1x1024xf32, #tpu.memory_space<vmem>>, vector<1x1024xf32>
      %add3A_39 = vector.broadcast %get3A_38 : vector<1x1024xf32> to vector<1024x1024xf32>
      %add3A_40 = arith.addf %add3A_35, %add3A_39 : vector<1024x1024xf32>
      %max3A = arith.constant 0.000000e+00 : f32
      %max3A_41 = vector.broadcast %max3A : f32 to vector<1024x1024xf32>
      %max3A_42 = arith.maximumf %add3A_40, %max3A_41 : vector<1024x1024xf32>
      %swap3A = arith.constant 0 : index
      %swap3A_43 = arith.constant 0 : index
      %swap3A_44 = vector.load %arg9[%swap3A, %swap3A_43] : memref<1024x1024xf32, #tpu.memory_space<vmem>>, vector<1024x1024xf32>
      tpu.vector_store %arg9[%swap3A, %swap3A_43], %max3A_42 {strides = array<i32>} : memref<1024x1024xf32, #tpu.memory_space<vmem>>, vector<1024x1024xf32>,
    } else {
    }
    return
  }
  func.func @transform_0(%arg0: i32) -> (i32, i32) {
    %c0_i32 = arith.constant 0 : i32
    %c0_i32_0 = arith.constant 0 : i32
    %c0_i32_1 = arith.constant 0 : i32
    return %c0_i32, %c0_i32_0 : i32, i32
  }
  func.func @transform_1(%arg0: i32) -> (i32, i32) {
    %c0_i32 = arith.constant 0 : i32
    %c0_i32_0 = arith.constant 0 : i32
    return %arg0, %c0_i32 : i32, i32
  }
  func.func @transform_2(%arg0: i32) -> (i32, i32) {
    %c0_i32 = arith.constant 0 : i32
    %c0_i32_0 = arith.constant 0 : i32
    %c0_i32_1 = arith.constant 0 : i32
    return %c0_i32, %c0_i32_0 : i32, i32
  }
  func.func @transform_3(%arg0: i32) -> (i32, i32) {
    %c0_i32 = arith.constant 0 : i32
    %c0_i32_0 = arith.constant 0 : i32
    %c0_i32_1 = arith.constant 0 : i32
    return %c0_i32, %c0_i32_0 : i32, i32
  }
  func.func @transform_4(%arg0: i32) -> (i32, i32) {
    %c0_i32 = arith.constant 0 : i32
    %c0_i32_0 = arith.constant 0 : i32
    %c0_i32_1 = arith.constant 0 : i32
    return %c0_i32, %c0_i32_0 : i32, i32
  }
  func.func @transform_5(%arg0: i32) -> (i32, i32) {
    %c0_i32 = arith.constant 0 : i32
    %c0_i32_0 = arith.constant 0 : i32
    return %arg0, %c0_i32 : i32, i32
  }
  func.func @transform_6(%arg0: i32) -> (i32, i32) {
    %c0_i32 = arith.constant 0 : i32
    %c0_i32_0 = arith.constant 0 : i32
    return %arg0, %c0_i32 : i32, i32
  }
  func.func @transform_7(%arg0: i32) -> (i32, i32) {
    %c0_i32 = arith.constant 0 : i32
    %c0_i32_0 = arith.constant 0 : i32
    %c0_i32_1 = arith.constant 0 : i32
    return %c0_i32, %c0_i32_0 : i32, i32
  }
  func.func @transform_8(%arg0: i32) -> (i32, i32) {
    %c0_i32 = arith.constant 0 : i32
    %c0_i32_0 = arith.constant 0 : i32
    %c0_i32_1 = arith.constant 0 : i32
    return %c0_i32, %c0_i32_0 : i32, i32
  }
}

module attributes {stable_mosaic.version = 14 : i64} {
  func.func @_fc_body(%arg0: i32, %arg1: memref<16384x128xf32, #tpu.memory_space<vmem>>, %arg2: memref<16x128x128xf32, #tpu.memory_space<vmem>>, %arg3: memref<1x128xf32, #tpu.memory_space<vmem>>, %arg4: memref<1024x128xf32, #tpu.memory_space<vmem>>) attributes {dimension_semantics = [#tpu.dimension_semantics<arbitrary>], iteration_bounds = array<i64: 8>, scalar_prefetch = 0 : i64, scratch_operands = 0 : i64, tpu.core_type = #tpu.core_type<tc>, window_params = [{transform_indices = @transform_0, window_bounds = array<i64: 16384, 128>}, {pipeline_mode = #tpu.pipeline_mode<synchronous>, transform_indices = @transform_1, window_bounds = array<i64: 16, 128, 128>}, {pipeline_mode = #tpu.pipeline_mode<synchronous>, transform_indices = @transform_2, window_bounds = array<i64: 1, 128>}, {transform_indices = @transform_3, window_bounds = array<i64: 1024, 128>}]} {
    %get3A = arith.constant 0 : index
    %get3A_0 = arith.constant 0 : index
    %get3A_1 = vector.load %arg1[%get3A, %get3A_0] : memref<16384x128xf32, #tpu.memory_space<vmem>>, vector<16384x128xf32>
    %reshape3A = vector.shape_cast %get3A_1 : vector<16384x128xf32> to vector<1024x2048xf32>
    %get3A_2 = arith.constant 0 : index
    %get3A_3 = arith.constant 0 : index
    %get3A_4 = arith.constant 0 : index
    %get3A_5 = vector.load %arg2[%get3A_2, %get3A_3, %get3A_4] : memref<16x128x128xf32, #tpu.memory_space<vmem>>, vector<16x128x128xf32>
    %reshape3A_6 = vector.shape_cast %get3A_5 : vector<16x128x128xf32> to vector<2048x128xf32>
    %dot_general3A = arith.constant dense<0.000000e+00> : vector<1024x128xf32>
    %dot_general3A_7 = tpu.matmul %reshape3A, %reshape3A_6, %dot_general3A {dimension_numbers = #tpu.dot_dimension_numbers<[1], [0], [0], [1], [0, 0, 1, 1], [], []>, transpose_lhs_hint = false} : vector<1024x2048xf32>, vector<2048x128xf32>, vector<1024x128xf32> -> vector<1024x128xf32>
    %get3A_8 = arith.constant 0 : index
    %get3A_9 = arith.constant 0 : index
    %get3A_10 = vector.load %arg3[%get3A_8, %get3A_9] : memref<1x128xf32, #tpu.memory_space<vmem>>, vector<1x128xf32>
    %add3A = vector.broadcast %get3A_10 : vector<1x128xf32> to vector<1024x128xf32>
    %add3A_11 = arith.addf %dot_general3A_7, %add3A : vector<1024x128xf32>
    %max3A = arith.constant 0.000000e+00 : f32
    %max3A_12 = vector.broadcast %max3A : f32 to vector<1024x128xf32>
    %max3A_13 = arith.maximumf %add3A_11, %max3A_12 : vector<1024x128xf32>
    %swap3A = arith.constant 0 : index
    %swap3A_14 = arith.constant 0 : index
    %swap3A_15 = vector.load %arg4[%swap3A, %swap3A_14] : memref<1024x128xf32, #tpu.memory_space<vmem>>, vector<1024x128xf32>
    tpu.vector_store %arg4[%swap3A, %swap3A_14], %max3A_13 {strides = array<i32>} : memref<1024x128xf32, #tpu.memory_space<vmem>>, vector<1024x128xf32>,
    return
  }
  func.func @transform_0(%arg0: i32) -> (i32, i32) {
    %c0_i32 = arith.constant 0 : i32
    %c0_i32_0 = arith.constant 0 : i32
    return %arg0, %c0_i32 : i32, i32
  }
  func.func @transform_1(%arg0: i32) -> (i32, i32, i32) {
    %c0_i32 = arith.constant 0 : i32
    %c0_i32_0 = arith.constant 0 : i32
    %c0_i32_1 = arith.constant 0 : i32
    %c0_i32_2 = arith.constant 0 : i32
    return %c0_i32, %c0_i32_0, %c0_i32_1 : i32, i32, i32
  }
  func.func @transform_2(%arg0: i32) -> (i32, i32) {
    %c0_i32 = arith.constant 0 : i32
    %c0_i32_0 = arith.constant 0 : i32
    %c0_i32_1 = arith.constant 0 : i32
    return %c0_i32, %c0_i32_0 : i32, i32
  }
  func.func @transform_3(%arg0: i32) -> (i32, i32) {
    %c0_i32 = arith.constant 0 : i32
    %c0_i32_0 = arith.constant 0 : i32
    return %arg0, %c0_i32 : i32, i32
  }
}

module attributes {stable_mosaic.version = 14 : i64} {
  func.func @_gates_body(%arg0: memref<4x16384xf32, #tpu.memory_space<vmem>>, %arg1: memref<2x4xf32, #tpu.memory_space<vmem>>, %arg2: memref<128x128xf32, #tpu.memory_space<vmem>>, %arg3: memref<1x128xf32, #tpu.memory_space<vmem>>, %arg4: memref<128x128xf32, #tpu.memory_space<vmem>>, %arg5: memref<1x128xf32, #tpu.memory_space<vmem>>, %arg6: memref<2x16384xf32, #tpu.memory_space<vmem>>, %arg7: memref<16x128x128xf32, #tpu.memory_space<vmem>>, %arg8: memref<1x128xf32, #tpu.memory_space<vmem>>) attributes {dimension_semantics = [], scalar_prefetch = 0 : i64, scratch_operands = 0 : i64, tpu.core_type = #tpu.core_type<tc>} {
    %get3A = arith.constant 0 : index
    %get3A_0 = arith.constant 0 : index
    %get3A_1 = vector.load %arg1[%get3A, %get3A_0] : memref<2x4xf32, #tpu.memory_space<vmem>>, vector<2x4xf32>
    %get3A_2 = arith.constant 0 : index
    %get3A_3 = arith.constant 0 : index
    %get3A_4 = vector.load %arg0[%get3A_2, %get3A_3] : memref<4x16384xf32, #tpu.memory_space<vmem>>, vector<4x16384xf32>
    %dot_general3A = arith.constant dense<0.000000e+00> : vector<2x16384xf32>
    %dot_general3A_5 = tpu.matmul %get3A_1, %get3A_4, %dot_general3A {dimension_numbers = #tpu.dot_dimension_numbers<[1], [0], [0], [1], [0, 0, 1, 1], [], []>, transpose_lhs_hint = false} : vector<2x4xf32>, vector<4x16384xf32>, vector<2x16384xf32> -> vector<2x16384xf32>
    %logistic3A = arith.negf %dot_general3A_5 : vector<2x16384xf32>
    %logistic3A_6 = math.exp %logistic3A : vector<2x16384xf32>
    %logistic3A_7 = arith.constant 1.000000e+00 : f32
    %logistic3A_8 = vector.broadcast %logistic3A_7 : f32 to vector<2x16384xf32>
    %logistic3A_9 = arith.addf %logistic3A_8, %logistic3A_6 : vector<2x16384xf32>
    %logistic3A_10 = arith.divf %logistic3A_8, %logistic3A_9 : vector<2x16384xf32>
    %swap3A = arith.constant 0 : index
    %swap3A_11 = arith.constant 0 : index
    %swap3A_12 = vector.load %arg6[%swap3A, %swap3A_11] : memref<2x16384xf32, #tpu.memory_space<vmem>>, vector<2x16384xf32>
    tpu.vector_store %arg6[%swap3A, %swap3A_11], %logistic3A_10 {strides = array<i32>} : memref<2x16384xf32, #tpu.memory_space<vmem>>, vector<2x16384xf32>,
    %iota3A = tpu.iota {dimensions = array<i32: 1>} : vector<1x128xi32>
    %jit3A = arith.constant 8 : i32
    %div3A = vector.broadcast %jit3A : i32 to vector<1x128xi32>
    %div3A_13 = arith.divsi %iota3A, %div3A : vector<1x128xi32>
    %sign3A = arith.constant 0 : i32
    %sign3A_14 = vector.broadcast %sign3A : i32 to vector<1x128xi32>
    %sign3A_15 = arith.cmpi sgt, %iota3A, %sign3A_14 : vector<1x128xi32>
    %sign3A_16 = arith.extui %sign3A_15 : vector<1x128xi1> to vector<1x128xi32>
    %sign3A_17 = arith.constant 0 : i32
    %sign3A_18 = vector.broadcast %sign3A_17 : i32 to vector<1x128xi32>
    %sign3A_19 = arith.cmpi slt, %iota3A, %sign3A_18 : vector<1x128xi32>
    %sign3A_20 = arith.extui %sign3A_19 : vector<1x128xi1> to vector<1x128xi32>
    %sign3A_21 = arith.subi %sign3A_16, %sign3A_20 : vector<1x128xi32>
    %sign3A_22 = arith.constant 0 : i32
    %sign3A_23 = arith.cmpi sgt, %jit3A, %sign3A_22 : i32
    %sign3A_24 = arith.extui %sign3A_23 : i1 to i32
    %sign3A_25 = arith.constant 0 : i32
    %sign3A_26 = arith.cmpi slt, %jit3A, %sign3A_25 : i32
    %sign3A_27 = arith.extui %sign3A_26 : i1 to i32
    %sign3A_28 = arith.subi %sign3A_24, %sign3A_27 : i32
    %ne3A = vector.broadcast %sign3A_28 : i32 to vector<1x128xi32>
    %ne3A_29 = arith.cmpi ne, %sign3A_21, %ne3A : vector<1x128xi32>
    %rem3A = vector.broadcast %jit3A : i32 to vector<1x128xi32>
    %rem3A_30 = arith.remsi %iota3A, %rem3A : vector<1x128xi32>
    %ne3A_31 = arith.constant 0 : i32
    %ne3A_32 = vector.broadcast %ne3A_31 : i32 to vector<1x128xi32>
    %ne3A_33 = arith.cmpi ne, %rem3A_30, %ne3A_32 : vector<1x128xi32>
    %and3A = arith.andi %ne3A_29, %ne3A_33 : vector<1x128xi1>
    %sub3A = arith.constant 1 : i32
    %sub3A_34 = vector.broadcast %sub3A : i32 to vector<1x128xi32>
    %sub3A_35 = arith.subi %div3A_13, %sub3A_34 : vector<1x128xi32>
    %select_n3A = arith.select %and3A, %sub3A_35, %div3A_13 : vector<1x128xi1>, vector<1x128xi32>
    %get3A_36 = arith.constant 0 : index
    %get3A_37 = arith.constant 0 : index
    %get3A_38 = vector.load %arg4[%get3A_36, %get3A_37] : memref<128x128xf32, #tpu.memory_space<vmem>>, vector<128x128xf32>
    %eq3A = arith.constant 0 : i32
    %eq3A_39 = vector.broadcast %eq3A : i32 to vector<1x128xi32>
    %eq3A_40 = arith.cmpi eq, %select_n3A, %eq3A_39 : vector<1x128xi32>
    %jit3A_41 = arith.constant 0.000000e+00 : f32
    %broadcast_in_dim3A = vector.shape_cast %eq3A_40 : vector<1x128xi1> to vector<1x128xi1>
    %broadcast_in_dim3A_42 = vector.broadcast %broadcast_in_dim3A : vector<1x128xi1> to vector<128x128xi1>
    %broadcast_in_dim3A_43 = vector.broadcast %jit3A_41 : f32 to vector<128x128xf32>
    %select_n3A_44 = arith.select %broadcast_in_dim3A_42, %get3A_38, %broadcast_in_dim3A_43 : vector<128x128xi1>, vector<128x128xf32>
    %get3A_45 = arith.constant 0 : index
    %get3A_46 = arith.constant 0 : index
    %get3A_47 = vector.load %arg2[%get3A_45, %get3A_46] : memref<128x128xf32, #tpu.memory_space<vmem>>, vector<128x128xf32>
    %dot_general3A_48 = arith.constant dense<0.000000e+00> : vector<128x128xf32>
    %dot_general3A_49 = tpu.matmul %get3A_47, %select_n3A_44, %dot_general3A_48 {dimension_numbers = #tpu.dot_dimension_numbers<[1], [0], [0], [1], [0, 0, 1, 1], [], []>, transpose_lhs_hint = false} : vector<128x128xf32>, vector<128x128xf32>, vector<128x128xf32> -> vector<128x128xf32>
    %swap3A_50 = arith.constant 0 : index
    %swap3A_51 = arith.constant 0 : index
    %swap3A_52 = arith.constant 0 : index
    %swap3A_53 = vector.load %arg7[%swap3A_50, %swap3A_51, %swap3A_52] : memref<16x128x128xf32, #tpu.memory_space<vmem>>, vector<1x128x128xf32>
    %swap3A_54 = vector.shape_cast %swap3A_53 : vector<1x128x128xf32> to vector<128x128xf32>
    %swap3A_55 = vector.shape_cast %dot_general3A_49 : vector<128x128xf32> to vector<1x128x128xf32>
    tpu.vector_store %arg7[%swap3A_50, %swap3A_51, %swap3A_52], %swap3A_55 {strides = array<i32>} : memref<16x128x128xf32, #tpu.memory_space<vmem>>, vector<1x128x128xf32>,
    %eq3A_56 = arith.constant 1 : i32
    %eq3A_57 = vector.broadcast %eq3A_56 : i32 to vector<1x128xi32>
    %eq3A_58 = arith.cmpi eq, %select_n3A, %eq3A_57 : vector<1x128xi32>
    %jit3A_59 = arith.constant 0.000000e+00 : f32
    %broadcast_in_dim3A_60 = vector.shape_cast %eq3A_58 : vector<1x128xi1> to vector<1x128xi1>
    %broadcast_in_dim3A_61 = vector.broadcast %broadcast_in_dim3A_60 : vector<1x128xi1> to vector<128x128xi1>
    %broadcast_in_dim3A_62 = vector.broadcast %jit3A_59 : f32 to vector<128x128xf32>
    %select_n3A_63 = arith.select %broadcast_in_dim3A_61, %get3A_38, %broadcast_in_dim3A_62 : vector<128x128xi1>, vector<128x128xf32>
    %get3A_64 = arith.constant 0 : index
    %get3A_65 = arith.constant 0 : index
    %get3A_66 = vector.load %arg2[%get3A_64, %get3A_65] : memref<128x128xf32, #tpu.memory_space<vmem>>, vector<128x128xf32>
    %dot_general3A_67 = arith.constant dense<0.000000e+00> : vector<128x128xf32>
    %dot_general3A_68 = tpu.matmul %get3A_66, %select_n3A_63, %dot_general3A_67 {dimension_numbers = #tpu.dot_dimension_numbers<[1], [0], [0], [1], [0, 0, 1, 1], [], []>, transpose_lhs_hint = false} : vector<128x128xf32>, vector<128x128xf32>, vector<128x128xf32> -> vector<128x128xf32>
    %swap3A_69 = arith.constant 1 : index
    %swap3A_70 = arith.constant 0 : index
    %swap3A_71 = arith.constant 0 : index
    %swap3A_72 = vector.load %arg7[%swap3A_69, %swap3A_70, %swap3A_71] : memref<16x128x128xf32, #tpu.memory_space<vmem>>, vector<1x128x128xf32>
    %swap3A_73 = vector.shape_cast %swap3A_72 : vector<1x128x128xf32> to vector<128x128xf32>
    %swap3A_74 = vector.shape_cast %dot_general3A_68 : vector<128x128xf32> to vector<1x128x128xf32>
    tpu.vector_store %arg7[%swap3A_69, %swap3A_70, %swap3A_71], %swap3A_74 {strides = array<i32>} : memref<16x128x128xf32, #tpu.memory_space<vmem>>, vector<1x128x128xf32>,
    %eq3A_75 = arith.constant 2 : i32
    %eq3A_76 = vector.broadcast %eq3A_75 : i32 to vector<1x128xi32>
    %eq3A_77 = arith.cmpi eq, %select_n3A, %eq3A_76 : vector<1x128xi32>
    %jit3A_78 = arith.constant 0.000000e+00 : f32
    %broadcast_in_dim3A_79 = vector.shape_cast %eq3A_77 : vector<1x128xi1> to vector<1x128xi1>
    %broadcast_in_dim3A_80 = vector.broadcast %broadcast_in_dim3A_79 : vector<1x128xi1> to vector<128x128xi1>
    %broadcast_in_dim3A_81 = vector.broadcast %jit3A_78 : f32 to vector<128x128xf32>
    %select_n3A_82 = arith.select %broadcast_in_dim3A_80, %get3A_38, %broadcast_in_dim3A_81 : vector<128x128xi1>, vector<128x128xf32>
    %get3A_83 = arith.constant 0 : index
    %get3A_84 = arith.constant 0 : index
    %get3A_85 = vector.load %arg2[%get3A_83, %get3A_84] : memref<128x128xf32, #tpu.memory_space<vmem>>, vector<128x128xf32>
    %dot_general3A_86 = arith.constant dense<0.000000e+00> : vector<128x128xf32>
    %dot_general3A_87 = tpu.matmul %get3A_85, %select_n3A_82, %dot_general3A_86 {dimension_numbers = #tpu.dot_dimension_numbers<[1], [0], [0], [1], [0, 0, 1, 1], [], []>, transpose_lhs_hint = false} : vector<128x128xf32>, vector<128x128xf32>, vector<128x128xf32> -> vector<128x128xf32>
    %swap3A_88 = arith.constant 2 : index
    %swap3A_89 = arith.constant 0 : index
    %swap3A_90 = arith.constant 0 : index
    %swap3A_91 = vector.load %arg7[%swap3A_88, %swap3A_89, %swap3A_90] : memref<16x128x128xf32, #tpu.memory_space<vmem>>, vector<1x128x128xf32>
    %swap3A_92 = vector.shape_cast %swap3A_91 : vector<1x128x128xf32> to vector<128x128xf32>
    %swap3A_93 = vector.shape_cast %dot_general3A_87 : vector<128x128xf32> to vector<1x128x128xf32>
    tpu.vector_store %arg7[%swap3A_88, %swap3A_89, %swap3A_90], %swap3A_93 {strides = array<i32>} : memref<16x128x128xf32, #tpu.memory_space<vmem>>, vector<1x128x128xf32>,
    %eq3A_94 = arith.constant 3 : i32
    %eq3A_95 = vector.broadcast %eq3A_94 : i32 to vector<1x128xi32>
    %eq3A_96 = arith.cmpi eq, %select_n3A, %eq3A_95 : vector<1x128xi32>
    %jit3A_97 = arith.constant 0.000000e+00 : f32
    %broadcast_in_dim3A_98 = vector.shape_cast %eq3A_96 : vector<1x128xi1> to vector<1x128xi1>
    %broadcast_in_dim3A_99 = vector.broadcast %broadcast_in_dim3A_98 : vector<1x128xi1> to vector<128x128xi1>
    %broadcast_in_dim3A_100 = vector.broadcast %jit3A_97 : f32 to vector<128x128xf32>
    %select_n3A_101 = arith.select %broadcast_in_dim3A_99, %get3A_38, %broadcast_in_dim3A_100 : vector<128x128xi1>, vector<128x128xf32>
    %get3A_102 = arith.constant 0 : index
    %get3A_103 = arith.constant 0 : index
    %get3A_104 = vector.load %arg2[%get3A_102, %get3A_103] : memref<128x128xf32, #tpu.memory_space<vmem>>, vector<128x128xf32>
    %dot_general3A_105 = arith.constant dense<0.000000e+00> : vector<128x128xf32>
    %dot_general3A_106 = tpu.matmul %get3A_104, %select_n3A_101, %dot_general3A_105 {dimension_numbers = #tpu.dot_dimension_numbers<[1], [0], [0], [1], [0, 0, 1, 1], [], []>, transpose_lhs_hint = false} : vector<128x128xf32>, vector<128x128xf32>, vector<128x128xf32> -> vector<128x128xf32>
    %swap3A_107 = arith.constant 3 : index
    %swap3A_108 = arith.constant 0 : index
    %swap3A_109 = arith.constant 0 : index
    %swap3A_110 = vector.load %arg7[%swap3A_107, %swap3A_108, %swap3A_109] : memref<16x128x128xf32, #tpu.memory_space<vmem>>, vector<1x128x128xf32>
    %swap3A_111 = vector.shape_cast %swap3A_110 : vector<1x128x128xf32> to vector<128x128xf32>
    %swap3A_112 = vector.shape_cast %dot_general3A_106 : vector<128x128xf32> to vector<1x128x128xf32>
    tpu.vector_store %arg7[%swap3A_107, %swap3A_108, %swap3A_109], %swap3A_112 {strides = array<i32>} : memref<16x128x128xf32, #tpu.memory_space<vmem>>, vector<1x128x128xf32>,
    %eq3A_113 = arith.constant 4 : i32
    %eq3A_114 = vector.broadcast %eq3A_113 : i32 to vector<1x128xi32>
    %eq3A_115 = arith.cmpi eq, %select_n3A, %eq3A_114 : vector<1x128xi32>
    %jit3A_116 = arith.constant 0.000000e+00 : f32
    %broadcast_in_dim3A_117 = vector.shape_cast %eq3A_115 : vector<1x128xi1> to vector<1x128xi1>
    %broadcast_in_dim3A_118 = vector.broadcast %broadcast_in_dim3A_117 : vector<1x128xi1> to vector<128x128xi1>
    %broadcast_in_dim3A_119 = vector.broadcast %jit3A_116 : f32 to vector<128x128xf32>
    %select_n3A_120 = arith.select %broadcast_in_dim3A_118, %get3A_38, %broadcast_in_dim3A_119 : vector<128x128xi1>, vector<128x128xf32>
    %get3A_121 = arith.constant 0 : index
    %get3A_122 = arith.constant 0 : index
    %get3A_123 = vector.load %arg2[%get3A_121, %get3A_122] : memref<128x128xf32, #tpu.memory_space<vmem>>, vector<128x128xf32>
    %dot_general3A_124 = arith.constant dense<0.000000e+00> : vector<128x128xf32>
    %dot_general3A_125 = tpu.matmul %get3A_123, %select_n3A_120, %dot_general3A_124 {dimension_numbers = #tpu.dot_dimension_numbers<[1], [0], [0], [1], [0, 0, 1, 1], [], []>, transpose_lhs_hint = false} : vector<128x128xf32>, vector<128x128xf32>, vector<128x128xf32> -> vector<128x128xf32>
    %swap3A_126 = arith.constant 4 : index
    %swap3A_127 = arith.constant 0 : index
    %swap3A_128 = arith.constant 0 : index
    %swap3A_129 = vector.load %arg7[%swap3A_126, %swap3A_127, %swap3A_128] : memref<16x128x128xf32, #tpu.memory_space<vmem>>, vector<1x128x128xf32>
    %swap3A_130 = vector.shape_cast %swap3A_129 : vector<1x128x128xf32> to vector<128x128xf32>
    %swap3A_131 = vector.shape_cast %dot_general3A_125 : vector<128x128xf32> to vector<1x128x128xf32>
    tpu.vector_store %arg7[%swap3A_126, %swap3A_127, %swap3A_128], %swap3A_131 {strides = array<i32>} : memref<16x128x128xf32, #tpu.memory_space<vmem>>, vector<1x128x128xf32>,
    %eq3A_132 = arith.constant 5 : i32
    %eq3A_133 = vector.broadcast %eq3A_132 : i32 to vector<1x128xi32>
    %eq3A_134 = arith.cmpi eq, %select_n3A, %eq3A_133 : vector<1x128xi32>
    %jit3A_135 = arith.constant 0.000000e+00 : f32
    %broadcast_in_dim3A_136 = vector.shape_cast %eq3A_134 : vector<1x128xi1> to vector<1x128xi1>
    %broadcast_in_dim3A_137 = vector.broadcast %broadcast_in_dim3A_136 : vector<1x128xi1> to vector<128x128xi1>
    %broadcast_in_dim3A_138 = vector.broadcast %jit3A_135 : f32 to vector<128x128xf32>
    %select_n3A_139 = arith.select %broadcast_in_dim3A_137, %get3A_38, %broadcast_in_dim3A_138 : vector<128x128xi1>, vector<128x128xf32>
    %get3A_140 = arith.constant 0 : index
    %get3A_141 = arith.constant 0 : index
    %get3A_142 = vector.load %arg2[%get3A_140, %get3A_141] : memref<128x128xf32, #tpu.memory_space<vmem>>, vector<128x128xf32>
    %dot_general3A_143 = arith.constant dense<0.000000e+00> : vector<128x128xf32>
    %dot_general3A_144 = tpu.matmul %get3A_142, %select_n3A_139, %dot_general3A_143 {dimension_numbers = #tpu.dot_dimension_numbers<[1], [0], [0], [1], [0, 0, 1, 1], [], []>, transpose_lhs_hint = false} : vector<128x128xf32>, vector<128x128xf32>, vector<128x128xf32> -> vector<128x128xf32>
    %swap3A_145 = arith.constant 5 : index
    %swap3A_146 = arith.constant 0 : index
    %swap3A_147 = arith.constant 0 : index
    %swap3A_148 = vector.load %arg7[%swap3A_145, %swap3A_146, %swap3A_147] : memref<16x128x128xf32, #tpu.memory_space<vmem>>, vector<1x128x128xf32>
    %swap3A_149 = vector.shape_cast %swap3A_148 : vector<1x128x128xf32> to vector<128x128xf32>
    %swap3A_150 = vector.shape_cast %dot_general3A_144 : vector<128x128xf32> to vector<1x128x128xf32>
    tpu.vector_store %arg7[%swap3A_145, %swap3A_146, %swap3A_147], %swap3A_150 {strides = array<i32>} : memref<16x128x128xf32, #tpu.memory_space<vmem>>, vector<1x128x128xf32>,
    %eq3A_151 = arith.constant 6 : i32
    %eq3A_152 = vector.broadcast %eq3A_151 : i32 to vector<1x128xi32>
    %eq3A_153 = arith.cmpi eq, %select_n3A, %eq3A_152 : vector<1x128xi32>
    %jit3A_154 = arith.constant 0.000000e+00 : f32
    %broadcast_in_dim3A_155 = vector.shape_cast %eq3A_153 : vector<1x128xi1> to vector<1x128xi1>
    %broadcast_in_dim3A_156 = vector.broadcast %broadcast_in_dim3A_155 : vector<1x128xi1> to vector<128x128xi1>
    %broadcast_in_dim3A_157 = vector.broadcast %jit3A_154 : f32 to vector<128x128xf32>
    %select_n3A_158 = arith.select %broadcast_in_dim3A_156, %get3A_38, %broadcast_in_dim3A_157 : vector<128x128xi1>, vector<128x128xf32>
    %get3A_159 = arith.constant 0 : index
    %get3A_160 = arith.constant 0 : index
    %get3A_161 = vector.load %arg2[%get3A_159, %get3A_160] : memref<128x128xf32, #tpu.memory_space<vmem>>, vector<128x128xf32>
    %dot_general3A_162 = arith.constant dense<0.000000e+00> : vector<128x128xf32>
    %dot_general3A_163 = tpu.matmul %get3A_161, %select_n3A_158, %dot_general3A_162 {dimension_numbers = #tpu.dot_dimension_numbers<[1], [0], [0], [1], [0, 0, 1, 1], [], []>, transpose_lhs_hint = false} : vector<128x128xf32>, vector<128x128xf32>, vector<128x128xf32> -> vector<128x128xf32>
    %swap3A_164 = arith.constant 6 : index
    %swap3A_165 = arith.constant 0 : index
    %swap3A_166 = arith.constant 0 : index
    %swap3A_167 = vector.load %arg7[%swap3A_164, %swap3A_165, %swap3A_166] : memref<16x128x128xf32, #tpu.memory_space<vmem>>, vector<1x128x128xf32>
    %swap3A_168 = vector.shape_cast %swap3A_167 : vector<1x128x128xf32> to vector<128x128xf32>
    %swap3A_169 = vector.shape_cast %dot_general3A_163 : vector<128x128xf32> to vector<1x128x128xf32>
    tpu.vector_store %arg7[%swap3A_164, %swap3A_165, %swap3A_166], %swap3A_169 {strides = array<i32>} : memref<16x128x128xf32, #tpu.memory_space<vmem>>, vector<1x128x128xf32>,
    %eq3A_170 = arith.constant 7 : i32
    %eq3A_171 = vector.broadcast %eq3A_170 : i32 to vector<1x128xi32>
    %eq3A_172 = arith.cmpi eq, %select_n3A, %eq3A_171 : vector<1x128xi32>
    %jit3A_173 = arith.constant 0.000000e+00 : f32
    %broadcast_in_dim3A_174 = vector.shape_cast %eq3A_172 : vector<1x128xi1> to vector<1x128xi1>
    %broadcast_in_dim3A_175 = vector.broadcast %broadcast_in_dim3A_174 : vector<1x128xi1> to vector<128x128xi1>
    %broadcast_in_dim3A_176 = vector.broadcast %jit3A_173 : f32 to vector<128x128xf32>
    %select_n3A_177 = arith.select %broadcast_in_dim3A_175, %get3A_38, %broadcast_in_dim3A_176 : vector<128x128xi1>, vector<128x128xf32>
    %get3A_178 = arith.constant 0 : index
    %get3A_179 = arith.constant 0 : index
    %get3A_180 = vector.load %arg2[%get3A_178, %get3A_179] : memref<128x128xf32, #tpu.memory_space<vmem>>, vector<128x128xf32>
    %dot_general3A_181 = arith.constant dense<0.000000e+00> : vector<128x128xf32>
    %dot_general3A_182 = tpu.matmul %get3A_180, %select_n3A_177, %dot_general3A_181 {dimension_numbers = #tpu.dot_dimension_numbers<[1], [0], [0], [1], [0, 0, 1, 1], [], []>, transpose_lhs_hint = false} : vector<128x128xf32>, vector<128x128xf32>, vector<128x128xf32> -> vector<128x128xf32>
    %swap3A_183 = arith.constant 7 : index
    %swap3A_184 = arith.constant 0 : index
    %swap3A_185 = arith.constant 0 : index
    %swap3A_186 = vector.load %arg7[%swap3A_183, %swap3A_184, %swap3A_185] : memref<16x128x128xf32, #tpu.memory_space<vmem>>, vector<1x128x128xf32>
    %swap3A_187 = vector.shape_cast %swap3A_186 : vector<1x128x128xf32> to vector<128x128xf32>
    %swap3A_188 = vector.shape_cast %dot_general3A_182 : vector<128x128xf32> to vector<1x128x128xf32>
    tpu.vector_store %arg7[%swap3A_183, %swap3A_184, %swap3A_185], %swap3A_188 {strides = array<i32>} : memref<16x128x128xf32, #tpu.memory_space<vmem>>, vector<1x128x128xf32>,
    %eq3A_189 = arith.constant 8 : i32
    %eq3A_190 = vector.broadcast %eq3A_189 : i32 to vector<1x128xi32>
    %eq3A_191 = arith.cmpi eq, %select_n3A, %eq3A_190 : vector<1x128xi32>
    %jit3A_192 = arith.constant 0.000000e+00 : f32
    %broadcast_in_dim3A_193 = vector.shape_cast %eq3A_191 : vector<1x128xi1> to vector<1x128xi1>
    %broadcast_in_dim3A_194 = vector.broadcast %broadcast_in_dim3A_193 : vector<1x128xi1> to vector<128x128xi1>
    %broadcast_in_dim3A_195 = vector.broadcast %jit3A_192 : f32 to vector<128x128xf32>
    %select_n3A_196 = arith.select %broadcast_in_dim3A_194, %get3A_38, %broadcast_in_dim3A_195 : vector<128x128xi1>, vector<128x128xf32>
    %get3A_197 = arith.constant 0 : index
    %get3A_198 = arith.constant 0 : index
    %get3A_199 = vector.load %arg2[%get3A_197, %get3A_198] : memref<128x128xf32, #tpu.memory_space<vmem>>, vector<128x128xf32>
    %dot_general3A_200 = arith.constant dense<0.000000e+00> : vector<128x128xf32>
    %dot_general3A_201 = tpu.matmul %get3A_199, %select_n3A_196, %dot_general3A_200 {dimension_numbers = #tpu.dot_dimension_numbers<[1], [0], [0], [1], [0, 0, 1, 1], [], []>, transpose_lhs_hint = false} : vector<128x128xf32>, vector<128x128xf32>, vector<128x128xf32> -> vector<128x128xf32>
    %swap3A_202 = arith.constant 8 : index
    %swap3A_203 = arith.constant 0 : index
    %swap3A_204 = arith.constant 0 : index
    %swap3A_205 = vector.load %arg7[%swap3A_202, %swap3A_203, %swap3A_204] : memref<16x128x128xf32, #tpu.memory_space<vmem>>, vector<1x128x128xf32>
    %swap3A_206 = vector.shape_cast %swap3A_205 : vector<1x128x128xf32> to vector<128x128xf32>
    %swap3A_207 = vector.shape_cast %dot_general3A_201 : vector<128x128xf32> to vector<1x128x128xf32>
    tpu.vector_store %arg7[%swap3A_202, %swap3A_203, %swap3A_204], %swap3A_207 {strides = array<i32>} : memref<16x128x128xf32, #tpu.memory_space<vmem>>, vector<1x128x128xf32>,
    %eq3A_208 = arith.constant 9 : i32
    %eq3A_209 = vector.broadcast %eq3A_208 : i32 to vector<1x128xi32>
    %eq3A_210 = arith.cmpi eq, %select_n3A, %eq3A_209 : vector<1x128xi32>
    %jit3A_211 = arith.constant 0.000000e+00 : f32
    %broadcast_in_dim3A_212 = vector.shape_cast %eq3A_210 : vector<1x128xi1> to vector<1x128xi1>
    %broadcast_in_dim3A_213 = vector.broadcast %broadcast_in_dim3A_212 : vector<1x128xi1> to vector<128x128xi1>
    %broadcast_in_dim3A_214 = vector.broadcast %jit3A_211 : f32 to vector<128x128xf32>
    %select_n3A_215 = arith.select %broadcast_in_dim3A_213, %get3A_38, %broadcast_in_dim3A_214 : vector<128x128xi1>, vector<128x128xf32>
    %get3A_216 = arith.constant 0 : index
    %get3A_217 = arith.constant 0 : index
    %get3A_218 = vector.load %arg2[%get3A_216, %get3A_217] : memref<128x128xf32, #tpu.memory_space<vmem>>, vector<128x128xf32>
    %dot_general3A_219 = arith.constant dense<0.000000e+00> : vector<128x128xf32>
    %dot_general3A_220 = tpu.matmul %get3A_218, %select_n3A_215, %dot_general3A_219 {dimension_numbers = #tpu.dot_dimension_numbers<[1], [0], [0], [1], [0, 0, 1, 1], [], []>, transpose_lhs_hint = false} : vector<128x128xf32>, vector<128x128xf32>, vector<128x128xf32> -> vector<128x128xf32>
    %swap3A_221 = arith.constant 9 : index
    %swap3A_222 = arith.constant 0 : index
    %swap3A_223 = arith.constant 0 : index
    %swap3A_224 = vector.load %arg7[%swap3A_221, %swap3A_222, %swap3A_223] : memref<16x128x128xf32, #tpu.memory_space<vmem>>, vector<1x128x128xf32>
    %swap3A_225 = vector.shape_cast %swap3A_224 : vector<1x128x128xf32> to vector<128x128xf32>
    %swap3A_226 = vector.shape_cast %dot_general3A_220 : vector<128x128xf32> to vector<1x128x128xf32>
    tpu.vector_store %arg7[%swap3A_221, %swap3A_222, %swap3A_223], %swap3A_226 {strides = array<i32>} : memref<16x128x128xf32, #tpu.memory_space<vmem>>, vector<1x128x128xf32>,
    %eq3A_227 = arith.constant 10 : i32
    %eq3A_228 = vector.broadcast %eq3A_227 : i32 to vector<1x128xi32>
    %eq3A_229 = arith.cmpi eq, %select_n3A, %eq3A_228 : vector<1x128xi32>
    %jit3A_230 = arith.constant 0.000000e+00 : f32
    %broadcast_in_dim3A_231 = vector.shape_cast %eq3A_229 : vector<1x128xi1> to vector<1x128xi1>
    %broadcast_in_dim3A_232 = vector.broadcast %broadcast_in_dim3A_231 : vector<1x128xi1> to vector<128x128xi1>
    %broadcast_in_dim3A_233 = vector.broadcast %jit3A_230 : f32 to vector<128x128xf32>
    %select_n3A_234 = arith.select %broadcast_in_dim3A_232, %get3A_38, %broadcast_in_dim3A_233 : vector<128x128xi1>, vector<128x128xf32>
    %get3A_235 = arith.constant 0 : index
    %get3A_236 = arith.constant 0 : index
    %get3A_237 = vector.load %arg2[%get3A_235, %get3A_236] : memref<128x128xf32, #tpu.memory_space<vmem>>, vector<128x128xf32>
    %dot_general3A_238 = arith.constant dense<0.000000e+00> : vector<128x128xf32>
    %dot_general3A_239 = tpu.matmul %get3A_237, %select_n3A_234, %dot_general3A_238 {dimension_numbers = #tpu.dot_dimension_numbers<[1], [0], [0], [1], [0, 0, 1, 1], [], []>, transpose_lhs_hint = false} : vector<128x128xf32>, vector<128x128xf32>, vector<128x128xf32> -> vector<128x128xf32>
    %swap3A_240 = arith.constant 10 : index
    %swap3A_241 = arith.constant 0 : index
    %swap3A_242 = arith.constant 0 : index
    %swap3A_243 = vector.load %arg7[%swap3A_240, %swap3A_241, %swap3A_242] : memref<16x128x128xf32, #tpu.memory_space<vmem>>, vector<1x128x128xf32>
    %swap3A_244 = vector.shape_cast %swap3A_243 : vector<1x128x128xf32> to vector<128x128xf32>
    %swap3A_245 = vector.shape_cast %dot_general3A_239 : vector<128x128xf32> to vector<1x128x128xf32>
    tpu.vector_store %arg7[%swap3A_240, %swap3A_241, %swap3A_242], %swap3A_245 {strides = array<i32>} : memref<16x128x128xf32, #tpu.memory_space<vmem>>, vector<1x128x128xf32>,
    %eq3A_246 = arith.constant 11 : i32
    %eq3A_247 = vector.broadcast %eq3A_246 : i32 to vector<1x128xi32>
    %eq3A_248 = arith.cmpi eq, %select_n3A, %eq3A_247 : vector<1x128xi32>
    %jit3A_249 = arith.constant 0.000000e+00 : f32
    %broadcast_in_dim3A_250 = vector.shape_cast %eq3A_248 : vector<1x128xi1> to vector<1x128xi1>
    %broadcast_in_dim3A_251 = vector.broadcast %broadcast_in_dim3A_250 : vector<1x128xi1> to vector<128x128xi1>
    %broadcast_in_dim3A_252 = vector.broadcast %jit3A_249 : f32 to vector<128x128xf32>
    %select_n3A_253 = arith.select %broadcast_in_dim3A_251, %get3A_38, %broadcast_in_dim3A_252 : vector<128x128xi1>, vector<128x128xf32>
    %get3A_254 = arith.constant 0 : index
    %get3A_255 = arith.constant 0 : index
    %get3A_256 = vector.load %arg2[%get3A_254, %get3A_255] : memref<128x128xf32, #tpu.memory_space<vmem>>, vector<128x128xf32>
    %dot_general3A_257 = arith.constant dense<0.000000e+00> : vector<128x128xf32>
    %dot_general3A_258 = tpu.matmul %get3A_256, %select_n3A_253, %dot_general3A_257 {dimension_numbers = #tpu.dot_dimension_numbers<[1], [0], [0], [1], [0, 0, 1, 1], [], []>, transpose_lhs_hint = false} : vector<128x128xf32>, vector<128x128xf32>, vector<128x128xf32> -> vector<128x128xf32>
    %swap3A_259 = arith.constant 11 : index
    %swap3A_260 = arith.constant 0 : index
    %swap3A_261 = arith.constant 0 : index
    %swap3A_262 = vector.load %arg7[%swap3A_259, %swap3A_260, %swap3A_261] : memref<16x128x128xf32, #tpu.memory_space<vmem>>, vector<1x128x128xf32>
    %swap3A_263 = vector.shape_cast %swap3A_262 : vector<1x128x128xf32> to vector<128x128xf32>
    %swap3A_264 = vector.shape_cast %dot_general3A_258 : vector<128x128xf32> to vector<1x128x128xf32>
    tpu.vector_store %arg7[%swap3A_259, %swap3A_260, %swap3A_261], %swap3A_264 {strides = array<i32>} : memref<16x128x128xf32, #tpu.memory_space<vmem>>, vector<1x128x128xf32>,
    %eq3A_265 = arith.constant 12 : i32
    %eq3A_266 = vector.broadcast %eq3A_265 : i32 to vector<1x128xi32>
    %eq3A_267 = arith.cmpi eq, %select_n3A, %eq3A_266 : vector<1x128xi32>
    %jit3A_268 = arith.constant 0.000000e+00 : f32
    %broadcast_in_dim3A_269 = vector.shape_cast %eq3A_267 : vector<1x128xi1> to vector<1x128xi1>
    %broadcast_in_dim3A_270 = vector.broadcast %broadcast_in_dim3A_269 : vector<1x128xi1> to vector<128x128xi1>
    %broadcast_in_dim3A_271 = vector.broadcast %jit3A_268 : f32 to vector<128x128xf32>
    %select_n3A_272 = arith.select %broadcast_in_dim3A_270, %get3A_38, %broadcast_in_dim3A_271 : vector<128x128xi1>, vector<128x128xf32>
    %get3A_273 = arith.constant 0 : index
    %get3A_274 = arith.constant 0 : index
    %get3A_275 = vector.load %arg2[%get3A_273, %get3A_274] : memref<128x128xf32, #tpu.memory_space<vmem>>, vector<128x128xf32>
    %dot_general3A_276 = arith.constant dense<0.000000e+00> : vector<128x128xf32>
    %dot_general3A_277 = tpu.matmul %get3A_275, %select_n3A_272, %dot_general3A_276 {dimension_numbers = #tpu.dot_dimension_numbers<[1], [0], [0], [1], [0, 0, 1, 1], [], []>, transpose_lhs_hint = false} : vector<128x128xf32>, vector<128x128xf32>, vector<128x128xf32> -> vector<128x128xf32>
    %swap3A_278 = arith.constant 12 : index
    %swap3A_279 = arith.constant 0 : index
    %swap3A_280 = arith.constant 0 : index
    %swap3A_281 = vector.load %arg7[%swap3A_278, %swap3A_279, %swap3A_280] : memref<16x128x128xf32, #tpu.memory_space<vmem>>, vector<1x128x128xf32>
    %swap3A_282 = vector.shape_cast %swap3A_281 : vector<1x128x128xf32> to vector<128x128xf32>
    %swap3A_283 = vector.shape_cast %dot_general3A_277 : vector<128x128xf32> to vector<1x128x128xf32>
    tpu.vector_store %arg7[%swap3A_278, %swap3A_279, %swap3A_280], %swap3A_283 {strides = array<i32>} : memref<16x128x128xf32, #tpu.memory_space<vmem>>, vector<1x128x128xf32>,
    %eq3A_284 = arith.constant 13 : i32
    %eq3A_285 = vector.broadcast %eq3A_284 : i32 to vector<1x128xi32>
    %eq3A_286 = arith.cmpi eq, %select_n3A, %eq3A_285 : vector<1x128xi32>
    %jit3A_287 = arith.constant 0.000000e+00 : f32
    %broadcast_in_dim3A_288 = vector.shape_cast %eq3A_286 : vector<1x128xi1> to vector<1x128xi1>
    %broadcast_in_dim3A_289 = vector.broadcast %broadcast_in_dim3A_288 : vector<1x128xi1> to vector<128x128xi1>
    %broadcast_in_dim3A_290 = vector.broadcast %jit3A_287 : f32 to vector<128x128xf32>
    %select_n3A_291 = arith.select %broadcast_in_dim3A_289, %get3A_38, %broadcast_in_dim3A_290 : vector<128x128xi1>, vector<128x128xf32>
    %get3A_292 = arith.constant 0 : index
    %get3A_293 = arith.constant 0 : index
    %get3A_294 = vector.load %arg2[%get3A_292, %get3A_293] : memref<128x128xf32, #tpu.memory_space<vmem>>, vector<128x128xf32>
    %dot_general3A_295 = arith.constant dense<0.000000e+00> : vector<128x128xf32>
    %dot_general3A_296 = tpu.matmul %get3A_294, %select_n3A_291, %dot_general3A_295 {dimension_numbers = #tpu.dot_dimension_numbers<[1], [0], [0], [1], [0, 0, 1, 1], [], []>, transpose_lhs_hint = false} : vector<128x128xf32>, vector<128x128xf32>, vector<128x128xf32> -> vector<128x128xf32>
    %swap3A_297 = arith.constant 13 : index
    %swap3A_298 = arith.constant 0 : index
    %swap3A_299 = arith.constant 0 : index
    %swap3A_300 = vector.load %arg7[%swap3A_297, %swap3A_298, %swap3A_299] : memref<16x128x128xf32, #tpu.memory_space<vmem>>, vector<1x128x128xf32>
    %swap3A_301 = vector.shape_cast %swap3A_300 : vector<1x128x128xf32> to vector<128x128xf32>
    %swap3A_302 = vector.shape_cast %dot_general3A_296 : vector<128x128xf32> to vector<1x128x128xf32>
    tpu.vector_store %arg7[%swap3A_297, %swap3A_298, %swap3A_299], %swap3A_302 {strides = array<i32>} : memref<16x128x128xf32, #tpu.memory_space<vmem>>, vector<1x128x128xf32>,
    %eq3A_303 = arith.constant 14 : i32
    %eq3A_304 = vector.broadcast %eq3A_303 : i32 to vector<1x128xi32>
    %eq3A_305 = arith.cmpi eq, %select_n3A, %eq3A_304 : vector<1x128xi32>
    %jit3A_306 = arith.constant 0.000000e+00 : f32
    %broadcast_in_dim3A_307 = vector.shape_cast %eq3A_305 : vector<1x128xi1> to vector<1x128xi1>
    %broadcast_in_dim3A_308 = vector.broadcast %broadcast_in_dim3A_307 : vector<1x128xi1> to vector<128x128xi1>
    %broadcast_in_dim3A_309 = vector.broadcast %jit3A_306 : f32 to vector<128x128xf32>
    %select_n3A_310 = arith.select %broadcast_in_dim3A_308, %get3A_38, %broadcast_in_dim3A_309 : vector<128x128xi1>, vector<128x128xf32>
    %get3A_311 = arith.constant 0 : index
    %get3A_312 = arith.constant 0 : index
    %get3A_313 = vector.load %arg2[%get3A_311, %get3A_312] : memref<128x128xf32, #tpu.memory_space<vmem>>, vector<128x128xf32>
    %dot_general3A_314 = arith.constant dense<0.000000e+00> : vector<128x128xf32>
    %dot_general3A_315 = tpu.matmul %get3A_313, %select_n3A_310, %dot_general3A_314 {dimension_numbers = #tpu.dot_dimension_numbers<[1], [0], [0], [1], [0, 0, 1, 1], [], []>, transpose_lhs_hint = false} : vector<128x128xf32>, vector<128x128xf32>, vector<128x128xf32> -> vector<128x128xf32>
    %swap3A_316 = arith.constant 14 : index
    %swap3A_317 = arith.constant 0 : index
    %swap3A_318 = arith.constant 0 : index
    %swap3A_319 = vector.load %arg7[%swap3A_316, %swap3A_317, %swap3A_318] : memref<16x128x128xf32, #tpu.memory_space<vmem>>, vector<1x128x128xf32>
    %swap3A_320 = vector.shape_cast %swap3A_319 : vector<1x128x128xf32> to vector<128x128xf32>
    %swap3A_321 = vector.shape_cast %dot_general3A_315 : vector<128x128xf32> to vector<1x128x128xf32>
    tpu.vector_store %arg7[%swap3A_316, %swap3A_317, %swap3A_318], %swap3A_321 {strides = array<i32>} : memref<16x128x128xf32, #tpu.memory_space<vmem>>, vector<1x128x128xf32>,
    %eq3A_322 = arith.constant 15 : i32
    %eq3A_323 = vector.broadcast %eq3A_322 : i32 to vector<1x128xi32>
    %eq3A_324 = arith.cmpi eq, %select_n3A, %eq3A_323 : vector<1x128xi32>
    %jit3A_325 = arith.constant 0.000000e+00 : f32
    %broadcast_in_dim3A_326 = vector.shape_cast %eq3A_324 : vector<1x128xi1> to vector<1x128xi1>
    %broadcast_in_dim3A_327 = vector.broadcast %broadcast_in_dim3A_326 : vector<1x128xi1> to vector<128x128xi1>
    %broadcast_in_dim3A_328 = vector.broadcast %jit3A_325 : f32 to vector<128x128xf32>
    %select_n3A_329 = arith.select %broadcast_in_dim3A_327, %get3A_38, %broadcast_in_dim3A_328 : vector<128x128xi1>, vector<128x128xf32>
    %get3A_330 = arith.constant 0 : index
    %get3A_331 = arith.constant 0 : index
    %get3A_332 = vector.load %arg2[%get3A_330, %get3A_331] : memref<128x128xf32, #tpu.memory_space<vmem>>, vector<128x128xf32>
    %dot_general3A_333 = arith.constant dense<0.000000e+00> : vector<128x128xf32>
    %dot_general3A_334 = tpu.matmul %get3A_332, %select_n3A_329, %dot_general3A_333 {dimension_numbers = #tpu.dot_dimension_numbers<[1], [0], [0], [1], [0, 0, 1, 1], [], []>, transpose_lhs_hint = false} : vector<128x128xf32>, vector<128x128xf32>, vector<128x128xf32> -> vector<128x128xf32>
    %swap3A_335 = arith.constant 15 : index
    %swap3A_336 = arith.constant 0 : index
    %swap3A_337 = arith.constant 0 : index
    %swap3A_338 = vector.load %arg7[%swap3A_335, %swap3A_336, %swap3A_337] : memref<16x128x128xf32, #tpu.memory_space<vmem>>, vector<1x128x128xf32>
    %swap3A_339 = vector.shape_cast %swap3A_338 : vector<1x128x128xf32> to vector<128x128xf32>
    %swap3A_340 = vector.shape_cast %dot_general3A_334 : vector<128x128xf32> to vector<1x128x128xf32>
    tpu.vector_store %arg7[%swap3A_335, %swap3A_336, %swap3A_337], %swap3A_340 {strides = array<i32>} : memref<16x128x128xf32, #tpu.memory_space<vmem>>, vector<1x128x128xf32>,
    %get3A_341 = arith.constant 0 : index
    %get3A_342 = arith.constant 0 : index
    %get3A_343 = vector.load %arg3[%get3A_341, %get3A_342] : memref<1x128xf32, #tpu.memory_space<vmem>>, vector<1x128xf32>
    %dot_general3A_344 = arith.constant dense<0.000000e+00> : vector<1x128xf32>
    %dot_general3A_345 = tpu.matmul %get3A_343, %get3A_38, %dot_general3A_344 {dimension_numbers = #tpu.dot_dimension_numbers<[1], [0], [0], [1], [0, 0, 1, 1], [], []>, transpose_lhs_hint = false} : vector<1x128xf32>, vector<128x128xf32>, vector<1x128xf32> -> vector<1x128xf32>
    %get3A_346 = arith.constant 0 : index
    %get3A_347 = arith.constant 0 : index
    %get3A_348 = vector.load %arg5[%get3A_346, %get3A_347] : memref<1x128xf32, #tpu.memory_space<vmem>>, vector<1x128xf32>
    %add3A = arith.addf %dot_general3A_345, %get3A_348 : vector<1x128xf32>
    %swap3A_349 = arith.constant 0 : index
    %swap3A_350 = arith.constant 0 : index
    %swap3A_351 = vector.load %arg8[%swap3A_349, %swap3A_350] : memref<1x128xf32, #tpu.memory_space<vmem>>, vector<1x128xf32>
    tpu.vector_store %arg8[%swap3A_349, %swap3A_350], %add3A {strides = array<i32>} : memref<1x128xf32, #tpu.memory_space<vmem>>, vector<1x128xf32>,
    return
  }
}

</mosaic_0001>

<sc_bundles>
// kernel: kernel.6.cloned.1.call-start
scs
__scs_entry_jumppad:
0x0: {  	(pc) =	sbr.rel $0x88, $3  }
0x1: {  	(tag) =	ssettag $0x0;
	lr =	simm.s32 $0x1  }
0x2: {  	[smem:$0x3F92] =	sst lr;
	_ =	strace $0xD0000000  }
0x3: {  	_ = 	snop  }
0x4: {  	_ = 	snop  }
0x5: {  	_ = 	snop  }
0x6: {  	_ = 	snop  }
0x7: {  	_ = 	snop  }
__scs_overlays_trampoline_lowered:
0x8: {  	[smem:$0x3FA1] =	sst s0  }
0x9: {  	[smem:$0x3FA2] =	sst s1  }
0xa: {  	[smem:$0x3FA3] =	sst s2  }
0xb: {  	[smem:$0x3FA4] =	sst s3  }
0xc: {  	[smem:$0x3FA5] =	sst s4  }
0xd: {  	[smem:$0x3FA6] =	sst s5  }
0xe: {  	[smem:$0x3FA7] =	sst s6  }
0xf: {  	[smem:$0x3FA8] =	sst s7  }
0x10: {  	[smem:$0x3FA9] =	sst s8  }
0x11: {  	[smem:$0x3FAA] =	sst s9;
	s0 =	simm.s32 @!p0 $0x0  }
0x12: {  	s1 =	sld [smem:$0x3F90];
	s0 =	simm.s32 @p0 $0x1  }
0x13: {  	[smem:$0x3FAB] =	sst s0;
	s0 =	simm.s32 @!p1 $0x0  }
0x14: {  	s2 =	sld [smem:$0x3F8F];
	s0 =	simm.s32 @p1 $0x1  }
0x15: {  	[smem:$0x3FAC] =	sst s0;
	s0 =	simm.s32 @!p2 $0x0  }
0x16: {  	s3 =	sld [smem:$0x3FDB];
	s0 =	simm.s32 @p2 $0x1  }
0x17: {  	s4 =	simm.s32 $0x1BF5;
	[smem:$0x3FAE] =	sst s0  }
0x18: {  	s0 =	sld [smem:$0x3F91];
	_ =	swait.ge [sflag:s4], $0x0  }
0x19: {  	s7 =	sld [smem:$0x3F92]  }
0x1a: {  	s8 =	sadd.s32 $0xFFFFE003, lr  }
0x1b: {  	s9 =	sadd.s32 $0xFFFFFEF7, lr;
	s5 =	simm.s32 $0xFFFFFFFF;
	p2 =	slt.u32 s8, $0xFFFFF086  }
0x1c: {  	p1 =	slt.u32 s9, $0xF7A;
	s5 =	simm.s32 @!p2 $0x0  }
0x1d: {  	s5 =	simm.s32 @p1 $0x1;
	p0 =	seq.s32 s7, s2  }
0x1e: {  	s7 =	smul.u32 @!p0 $0xF7A, s2;
	p2 =	seq.s32 @!p0 s5, $0x0  }
0x1f: {  	s9 =	smul.u32 $0xF7A, s1;
	s8 =	simm.s32 @!p0 $0x1BF5;
	p2 =	por !p2, p0  }
0x20: {  	[sflag:s8] =	ssyncset.s32 @!p0 $0xFFFFF086;
	s6 =	sadd.s32 @!p0 s3, s7;
	s7 =	simm.s32 @!p0 $0x108  }
0x21: {  	s3 =	sadd.s32 s3, s9;
	s6 =	sadd.s32 @!p0 $0x88, s6;
	s7 =	simm.s32 @p2 $0x1082  }
0x22: {  	[simem:s7], [sflag:s8] =	dma.local @!p0 [hbm:s6], $0xF7A  }
0x23: {  	s9 =	sor.u32 $0xD0000000, s2;
	s6 =	simm.s32 $0x108;
	_ =	swait.ge @!p0 [sflag:s8], $0x0  }
0x24: {  	s3 =	sadd.s32 $0x88, s3;
	s6 =	simm.s32 @!p1 $0x1082;
	[sflag:s4] =	ssyncset.s32 $0xFFFFF086  }
0x25: {  	[simem:s6], [sflag:s4] =	dma.local [hbm:s3], $0xF7A  }
0x26: {  	[smem:$0x3F92] =	sst s1;
	(tag) =	ssettag s2;
	_ =	strace s9  }
0x27: {  	s1 =	sld [smem:$0x3FA2]  }
0x28: {  	s2 =	sld [smem:$0x3FA3]  }
0x29: {  	s4 =	sld [smem:$0x3FA5]  }
0x2a: {  	p0 =	seq.s32 s5, $0x0;
	s5 =	sld [smem:$0x3FA6]  }
0x2b: {  	s6 =	sld [smem:$0x3FA7]  }
0x2c: {  	s7 =	sld [smem:$0x3FA8]  }
0x2d: {  	s3 =	simm.s32 $0x108;
	s8 =	sld [smem:$0x3FA9]  }
0x2e: {  	s3 =	simm.s32 @!p0 $0x1082;
	s9 =	sld [smem:$0x3FAA]  }
0x2f: {  	lr =	sadd.s32 s0, s3;
	s0 =	sld [smem:$0x3FA1]  }
0x30: {  	s3 =	sld [smem:$0x3FA4]  }
0x31: {  	[smem:$0x3FAD] =	sst s10  }
0x32: {  	s10 =	sld [smem:$0x3FAB];
	_ =	sdelay $0x3  }
0x33: {  	p0 =	seq.s32 s10, $0x1;
	s10 =	sld [smem:$0x3FAD];
	_ =	sdelay $0x3  }
0x34: {  	[smem:$0x3FAD] =	sst s10  }
0x35: {  	s10 =	sld [smem:$0x3FAC];
	_ =	sdelay $0x3  }
0x36: {  	p1 =	seq.s32 s10, $0x1;
	s10 =	sld [smem:$0x3FAD];
	_ =	sdelay $0x3  }
0x37: {  	[smem:$0x3FAD] =	sst s10  }
0x38: {  	s10 =	sld [smem:$0x3FAE]  }
0x39: {  	_ = 	snop;
	(pc) =	sbr.ind lr, $3  }
0x3a: {  	_ = 	snop  }
0x3b: {  	_ = 	snop  }
0x3c: {  	p2 =	seq.s32 s10, $0x1;
	s10 =	sld [smem:$0x3FAD]  }
0x3d: {  	_ =	shalt  }
0x3e: {  	_ =	shalt  }
0x3f: {  	_ =	shalt  }
0x40: {  	_ =	shalt  }
0x41: {  	_ =	shalt  }
0x42: {  	_ =	shalt  }
0x43: {  	_ =	shalt  }
0x44: {  	_ =	shalt  }
0x45: {  	_ =	shalt  }
0x46: {  	_ =	shalt  }
0x47: {  	_ =	shalt  }
0x48: {  	_ =	shalt  }
0x49: {  	_ =	shalt  }
0x4a: {  	_ =	shalt  }
0x4b: {  	_ =	shalt  }
0x4c: {  	_ =	shalt  }
0x4d: {  	_ =	shalt  }
0x4e: {  	_ =	shalt  }
0x4f: {  	_ =	shalt  }
0x50: {  	_ =	shalt  }
0x51: {  	_ =	shalt  }
0x52: {  	_ =	shalt  }
0x53: {  	_ =	shalt  }
0x54: {  	_ =	shalt  }
0x55: {  	_ =	shalt  }
0x56: {  	_ =	shalt  }
0x57: {  	_ =	shalt  }
0x58: {  	_ =	shalt  }
0x59: {  	_ =	shalt  }
0x5a: {  	_ =	shalt  }
0x5b: {  	_ =	shalt  }
0x5c: {  	_ =	shalt  }
0x5d: {  	_ =	shalt  }
0x5e: {  	_ =	shalt  }
0x5f: {  	_ =	shalt  }
0x60: {  	_ =	shalt  }
0x61: {  	_ =	shalt  }
0x62: {  	_ =	shalt  }
0x63: {  	_ =	shalt  }
0x64: {  	_ =	shalt  }
0x65: {  	_ =	shalt  }
0x66: {  	_ =	shalt  }
0x67: {  	_ =	shalt  }
0x68: {  	_ =	shalt  }
0x69: {  	_ =	shalt  }
0x6a: {  	_ =	shalt  }
0x6b: {  	_ =	shalt  }
0x6c: {  	_ =	shalt  }
0x6d: {  	_ =	shalt  }
0x6e: {  	_ =	shalt  }
0x6f: {  	_ =	shalt  }
0x70: {  	_ =	shalt  }
0x71: {  	_ =	shalt  }
0x72: {  	_ =	shalt  }
0x73: {  	_ =	shalt  }
0x74: {  	_ =	shalt  }
0x75: {  	_ =	shalt  }
0x76: {  	_ =	shalt  }
0x77: {  	_ =	shalt  }
0x78: {  	_ =	shalt  }
0x79: {  	_ =	shalt  }
0x7a: {  	_ =	shalt  }
0x7b: {  	_ =	shalt  }
0x7c: {  	_ =	shalt  }
0x7d: {  	_ =	shalt  }
0x7e: {  	_ =	shalt  }
0x7f: {  	_ =	shalt  }
0x80: {  	_ =	shalt  }
0x81: {  	_ =	shalt  }
0x82: {  	_ =	shalt  }
0x83: {  	_ =	shalt  }
0x84: {  	_ =	shalt  }
0x85: {  	_ =	shalt  }
0x86: {  	_ =	shalt  }
0x87: {  	_ =	shalt  }
.Lfunc_end0:
.L_simem_size_0:
called_computation_lowered:
.L_overlay_start_0:
0x88: {  	s2 =	sld [smem:$0x3FD9]  }
0x89: {  	s3 =	sld [smem:$0x3FFE];
	_ =	sdelay $0x1  }
0x8a: {  	s1 =	srdreg.scid  }
0x8b: {  	s0 =	sand.u32 $0x1, s1  }
0x8c: {  	s17 =	sshll.u32 s0, $0xA;
	s2 =	sadd.s32 s3, s2  }
0x8d: {  	s2 =	sadd.s32 s2, s17  }
0x8e: {  	[smem:$0x3FB9] =	sst s2  }
0x8f: {  	_ = 	snop  }
0x90: {  	s2 =	sld [smem:$0x3FC8]  }
0x91: {  	s18 =	sld [smem:$0x3FD0];
	(tm) =	ssettm $0x1  }
0x92: {  	s4 =	sld [smem:$0x3FFB];
	_ =	sdelay $0x3  }
0x93: {  	_ =	strace s4  }
0x94: {  	s4 =	sld [smem:$0x3FFC];
	_ =	sdelay $0x3  }
0x95: {  	_ =	strace s4  }
0x96: {  	s4 =	sld [smem:$0x3FFD];
	_ =	sdelay $0x3  }
0x97: {  	_ =	strace s4  }
0x98: {  	_ =	strace $0x8FFFFFFF  }
0x99: {  	s19 =	sld [smem:$0x3FDB];
	_ =	sdelay $0x1  }
0x9a: {  	s5 =	simm.s32 $_scs_section_size  }
0x9b: {  	s6 =	simm.s32 $_size__tile_overlayer_lowered;
	s7 =	simm.s32 $_tile_overlayer_lowered  }
0x9c: {  	s22 =	simm.s32 $0x1BFF;
	s21 =	sshll.u32 s7, $0x1;
	s4 =	sadd.s32 s5, s19  }
0x9d: {  	s8 =	simm.s32 $0x0;
	s20 =	sshll.u32 s6, $0x1;
	s6 =	sadd.s32 s21, s4  }
0x9e: {  	[timem:s8], [sflag:s22] =	dma.local [hbm:s6], s20  }
0x9f: {  	_ =	swait.ge [sflag:s22], s20  }
0xa0: {  	s5 =	ssub.s32 $0x0, s20;
	[sflag:s22] =	ssyncset.done $0x0  }
0xa1: {  	[sflag:s22] =	ssyncadd.s32 s5;
	_ =	sdelay $0x1  }
0xa2: {  	s23 =	simm.s32 $0x1B8B  }
0xa3: {  	_ =	swait.ge [sflag:s23], $0x1  }
0xa4: {  	[sflag:s23] =	ssyncset.done $0x0  }
0xa5: {  	s25 =	simm.s32 $0x1B8E;
	s24 =	sld [smem:$0x3FFE];
	[sflag:s23] =	ssyncadd.s32 $0xFFFFFFFF  }
0xa6: {  	s26 =	simm.s32 $execute0_lowered;
	[smem:$0x3FD2] =	sst s25  }
0xa7: {  	s6 =	sshll.u32 s26, $0x1;
	_ =	strace $0x80000046;
	[dreg:$0x1] =	wrdreg $0xFFFFFFFF  }
0xa8: {  	s28 =	simm.s32 $_size_execute0_lowered;
	s4 =	sadd.s32 s4, s6;
	[dreg:$0x0] =	wrdreg $0x0  }
0xa9: {  	s6 =	sshll.u32 s28, $0x1;
	[dreg:$0x2] =	wrdreg s4  }
0xaa: {  	[dreg:$0x3] =	wrdreg s6  }
0xab: {  	[dreg:$0x4] =	wrdreg $0xC0  }
0xac: {  	_ =	task [dreg:s8], $0x5FFFF  }
0xad: {  	[dreg:$0x1] =	wrdreg $0xFFFFFFFF  }
0xae: {  	[dreg:$0x0] =	wrdreg $0x60  }
0xaf: {  	[dreg:$0x2] =	wrdreg s2  }
0xb0: {  	[dreg:$0x3] =	wrdreg s18  }
0xb1: {  	[dreg:$0x4] =	wrdreg s24  }
0xb2: {  	[dreg:$0x5] =	wrdreg $0x50000  }
0xb3: {  	[dreg:$0x6] =	wrdreg $0x9  }
0xb4: {  	_ =	task.clear_ibuf [dreg:s8], $0x7FFFF;
	_ =	strace $0x90000046  }
0xb5: {  	s29 =	simm.s32 $0x9;
	_ =	strace $0x80000048  }
0xb6: {  	_ =	swait.ge [sflag:s29], $0x1  }
0xb7: {  	[sflag:s29] =	ssyncadd.s32 $0xFFFFFFFF  }
0xb8: {  	_ =	strace $0x90000048  }
0xb9: {  	_ =	sfence  }
0xba: {  	s30 =	sld [smem:$0x0];
	_ =	sdelay $0x2  }
0xbb: {  	s31 =	sshll.u32 s1, $0xD;
	s1 =	sshrl.u32 s1, $0x2  }
0xbc: {  	s3 =	sand.u32 $0x4000, s31;
	s1 =	sadd.s32 s1, s30  }
0xbd: {  	s0 =	sor.u32 s3, s0;
	s1 =	sshll.u32 s1, $0x11  }
0xbe: {  	s0 =	sor.u32 s1, s0  }
0xbf: {  	s0 =	sadd.s32 $0x8F2B, s0  }
0xc0: {  	[sflag:s0] =	ssyncadd.remote.s32 $0x1  }
0xc1: {  	_ =	sfence.sel $0xFFFF  }
0xc2: {  	[dreg:$0x0] =	wrdreg $0xFFFFFFFF;
	(pc) =	sbr.abs _section_cstart, $3  }
0xc3: {  	[dreg:$0x1] =	wrdreg $0xFFFFFFFF  }
0xc4: {  	_ =	task.clear_ibuf [dreg:s8], $0x2FFFF;
	_ =	strace $0x9FFFFFFF  }
0xc5: {  	(tm) =	ssettm $0x7FFFFFFF  }
tec
execute0_lowered:
.L_overlay_start_1:
0x0: {  	(tag) =	ssettag $0x1  }
0x1: {  	s0 =	rddreg [dreg:$0x0]  }
0x2: {  	s2 =	rddreg [dreg:$0x1]  }
0x3: {  	s1 =	srdreg.scid;
	s22 =	rddreg [dreg:$0x2]  }
0x4: {  	s4 =	simm.s32 $0x0;
	s5 =	stileid.u32;
	s1 =	sand.u32 $0x1, s1  }
0x5: {  	[smem:$0x7FF] =	sst s4;
	s24 =	sshll.u32 s5, $0x8;
	s3 =	ssub.s32 $0x2, s1  }
0x6: {  	s25 =	sshll.u32 s1, $0x4;
	s0 =	sadd.s32 s0, s24;
	s23 =	sshrl.u32 s3, $0x1  }
0x7: {  	[smem:$0x7FD] =	sst s0;
	s26 =	sadd.s32 s2, s25;
	s3 =	ssub.s32 s3, s23  }
0x8: {  	s0 =	sadd.s32 s24, s26;
	[smem:$0x7AA] =	sst s3;
	s3 =	sshll.u32 s5, $0x6  }
0x9: {  	[dreg:$0x5] =	wrdreg s0;
	s2 =	sor.u32 $0x8, s3  }
0xa: {  	s4 =	sor.u32 $0x9, s3;
	[smem:$0x772] =	sst s2  }
0xb: {  	s5 =	sor.u32 $0xA, s3;
	[smem:$0x773] =	sst s4  }
0xc: {  	s6 =	sor.u32 $0xB, s3;
	[smem:$0x774] =	sst s5  }
0xd: {  	s7 =	sor.u32 $0xC, s3;
	[smem:$0x775] =	sst s6  }
0xe: {  	s8 =	sor.u32 $0xD, s3;
	[smem:$0x776] =	sst s7  }
0xf: {  	s9 =	sor.u32 $0xE, s3;
	[smem:$0x777] =	sst s8  }
0x10: {  	s10 =	sor.u32 $0xF, s3;
	[smem:$0x778] =	sst s9  }
0x11: {  	s11 =	sor.u32 $0x10, s3;
	[smem:$0x779] =	sst s10  }
0x12: {  	s12 =	sor.u32 $0x11, s3;
	[smem:$0x77A] =	sst s11  }
0x13: {  	s13 =	sor.u32 $0x12, s3;
	[smem:$0x77B] =	sst s12  }
0x14: {  	s14 =	sor.u32 $0x13, s3;
	[smem:$0x77C] =	sst s13  }
0x15: {  	s15 =	sor.u32 $0x14, s3;
	[smem:$0x77D] =	sst s14  }
0x16: {  	s16 =	sor.u32 $0x15, s3;
	[smem:$0x77E] =	sst s15  }
0x17: {  	s18 =	sor.u32 $0x16, s3;
	[smem:$0x77F] =	sst s16  }
0x18: {  	s19 =	sor.u32 $0x17, s3;
	[smem:$0x780] =	sst s18  }
0x19: {  	s23 =	sshll.u32 s1, $0xA;
	s20 =	sor.u32 $0x18, s3;
	[smem:$0x781] =	sst s19  }
0x1a: {  	s1 =	sor.u32 s23, s5;
	[smem:$0x782] =	sst s20  }
0x1b: {  	s0 =	sor.u32 s23, s6;
	[smem:$0x72E] =	sst s1  }
0x1c: {  	s21 =	sor.u32 s23, s2;
	s2 =	sor.u32 $0x1A, s3;
	[smem:$0x72F] =	sst s0  }
0x1d: {  	s25 =	sor.u32 s23, s4;
	s4 =	sor.u32 $0x1B, s3;
	[smem:$0x784] =	sst s2  }
0x1e: {  	s5 =	sor.u32 $0x1C, s3;
	[smem:$0x785] =	sst s4  }
0x1f: {  	s17 =	sor.u32 s23, s11;
	s6 =	sor.u32 $0x1D, s3;
	[smem:$0x786] =	sst s5  }
0x20: {  	s26 =	sor.u32 s23, s12;
	s11 =	sor.u32 $0x22, s3;
	[smem:$0x787] =	sst s6  }
0x21: {  	s12 =	sor.u32 s23, s20;
	s20 =	sor.u32 $0x26, s3;
	[smem:$0x78C] =	sst s11  }
0x22: {  	s0 =	sor.u32 s23, s7;
	[smem:$0x790] =	sst s20  }
0x23: {  	s1 =	sor.u32 s23, s8;
	[smem:$0x731] =	sst s0  }
0x24: {  	s7 =	sor.u32 $0x1E, s3;
	[smem:$0x746] =	sst s1  }
0x25: {  	s8 =	sor.u32 $0x1F, s3;
	[smem:$0x788] =	sst s7  }
0x26: {  	s30 =	sor.u32 s23, s2;
	s2 =	sor.u32 $0x28, s3;
	[smem:$0x789] =	sst s8  }
0x27: {  	s0 =	sor.u32 s23, s9;
	[smem:$0x792] =	sst s2  }
0x28: {  	s1 =	sor.u32 s23, s14;
	[smem:$0x747] =	sst s0  }
0x29: {  	s9 =	sor.u32 $0x20, s3;
	[smem:$0x732] =	sst s1  }
0x2a: {  	s14 =	sor.u32 $0x23, s3;
	[smem:$0x78A] =	sst s9  }
0x2b: {  	s0 =	sor.u32 s23, s10;
	[smem:$0x78D] =	sst s14  }
0x2c: {  	s1 =	sor.u32 s23, s18;
	[smem:$0x764] =	sst s0  }
0x2d: {  	s10 =	sor.u32 $0x21, s3;
	[smem:$0x757] =	sst s1  }
0x2e: {  	s18 =	sor.u32 $0x25, s3;
	[smem:$0x78B] =	sst s10  }
0x2f: {  	s31 =	sor.u32 s23, s14;
	s14 =	sor.u32 $0x2E, s3;
	[smem:$0x78F] =	sst s18  }
0x30: {  	s0 =	sor.u32 s23, s13;
	[smem:$0x798] =	sst s14  }
0x31: {  	s1 =	sor.u32 s23, s5;
	[smem:$0x730] =	sst s0  }
0x32: {  	s5 =	sor.u32 $0x2A, s3;
	[smem:$0x73C] =	sst s1  }
0x33: {  	s0 =	sor.u32 s23, s15;
	[smem:$0x794] =	sst s5  }
0x34: {  	s1 =	sor.u32 s23, s8;
	[smem:$0x73B] =	sst s0  }
0x35: {  	s15 =	sor.u32 $0x24, s3;
	[smem:$0x769] =	sst s1  }
0x36: {  	s8 =	sor.u32 $0x2C, s3;
	[smem:$0x78E] =	sst s15  }
0x37: {  	s0 =	sor.u32 s23, s16;
	[smem:$0x796] =	sst s8  }
0x38: {  	s1 =	sor.u32 s23, s18;
	[smem:$0x749] =	sst s0  }
0x39: {  	s18 =	sor.u32 $0x2F, s3;
	[smem:$0x74B] =	sst s1  }
0x3a: {  	s0 =	sor.u32 s23, s19;
	[smem:$0x799] =	sst s18  }
0x3b: {  	s1 =	sor.u32 $0x27, s3;
	[smem:$0x765] =	sst s0  }
0x3c: {  	s19 =	sor.u32 s23, s11;
	s11 =	sor.u32 $0x2D, s3;
	[smem:$0x791] =	sst s1  }
0x3d: {  	s0 =	sor.u32 $0x19, s3;
	[smem:$0x797] =	sst s11  }
0x3e: {  	[smem:$0x783] =	sst s0;
	s16 =	sor.u32 s23, s0;
	s0 =	sor.u32 s23, s4  }
0x3f: {  	s4 =	sor.u32 $0x29, s3;
	[smem:$0x733] =	sst s0  }
0x40: {  	s0 =	sor.u32 s23, s6;
	[smem:$0x793] =	sst s4  }
0x41: {  	s6 =	sor.u32 s23, s2;
	s2 =	sor.u32 $0x32, s3;
	[smem:$0x74A] =	sst s0  }
0x42: {  	s0 =	sor.u32 s23, s7;
	[smem:$0x79C] =	sst s2  }
0x43: {  	s7 =	sor.u32 $0x2B, s3;
	[smem:$0x758] =	sst s0  }
0x44: {  	s0 =	sor.u32 s23, s15;
	[smem:$0x795] =	sst s7  }
0x45: {  	s15 =	sor.u32 s23, s5;
	s5 =	sor.u32 $0x33, s3;
	[smem:$0x73D] =	sst s0  }
0x46: {  	s0 =	sor.u32 s23, s20;
	[smem:$0x79D] =	sst s5  }
0x47: {  	s20 =	sor.u32 $0x30, s3;
	[smem:$0x759] =	sst s0  }
0x48: {  	s0 =	sor.u32 s23, s1;
	[smem:$0x79A] =	sst s20  }
0x49: {  	s13 =	sor.u32 s23, s10;
	s1 =	sor.u32 s23, s14;
	[smem:$0x76A] =	sst s0  }
0x4a: {  	s10 =	sor.u32 s23, s4;
	s14 =	sor.u32 $0x35, s3;
	[smem:$0x75D] =	sst s1  }
0x4b: {  	s4 =	sor.u32 s23, s20;
	s20 =	sor.u32 $0x36, s3;
	[smem:$0x79F] =	sst s14  }
0x4c: {  	s24 =	sor.u32 s3, s23;
	s0 =	sor.u32 s23, s8;
	[smem:$0x7A0] =	sst s20  }
0x4d: {  	s24 =	sshll.u32 s24, $0x7;
	s8 =	sor.u32 $0x34, s3;
	[smem:$0x741] =	sst s0  }
0x4e: {  	s17 =	sshll.u32 s17, $0x7;
	s0 =	sor.u32 s23, s11;
	[smem:$0x79E] =	sst s8  }
0x4f: {  	s11 =	sor.u32 s23, s2;
	s2 =	sor.u32 $0x38, s3;
	[smem:$0x74F] =	sst s0  }
0x50: {  	s29 =	sor.u32 s23, s8;
	s8 =	sor.u32 $0x3A, s3;
	[smem:$0x7A2] =	sst s2  }
0x51: {  	s12 =	sshll.u32 s12, $0x7;
	s0 =	sor.u32 s23, s18;
	[smem:$0x7A4] =	sst s8  }
0x52: {  	s18 =	sor.u32 s23, s5;
	s5 =	sor.u32 $0x39, s3;
	[smem:$0x76B] =	sst s0  }
0x53: {  	s28 =	sor.u32 s23, s7;
	s0 =	sor.u32 $0x31, s3;
	[smem:$0x7A3] =	sst s5  }
0x54: {  	[smem:$0x79B] =	sst s0;
	s7 =	sor.u32 s23, s0;
	s0 =	sor.u32 s23, s14  }
0x55: {  	s9 =	sor.u32 s23, s9;
	s14 =	sor.u32 $0x3B, s3;
	[smem:$0x750] =	sst s0  }
0x56: {  	s9 =	sshll.u32 s9, $0x7;
	s0 =	sor.u32 s23, s20;
	[smem:$0x7A5] =	sst s14  }
0x57: {  	s6 =	sshll.u32 s6, $0x7;
	s20 =	sor.u32 $0x3C, s3;
	[smem:$0x75E] =	sst s0  }
0x58: {  	s4 =	sshll.u32 s4, $0x7;
	s0 =	sor.u32 $0x37, s3;
	[smem:$0x7A6] =	sst s20  }
0x59: {  	s2 =	sor.u32 s23, s2;
	[smem:$0x7A1] =	sst s0;
	s1 =	sor.u32 s23, s0  }
0x5a: {  	s8 =	sor.u32 s23, s8;
	s0 =	sor.u32 $0x3D, s3;
	[smem:$0x76F] =	sst s1  }
0x5b: {  	s5 =	sor.u32 s23, s5;
	[smem:$0x7A7] =	sst s0;
	s1 =	sor.u32 $0x3E, s3  }
0x5c: {  	s2 =	sshll.u32 s2, $0x7;
	s0 =	sor.u32 s23, s0;
	[smem:$0x7A8] =	sst s1  }
0x5d: {  	s14 =	sor.u32 s23, s14;
	[smem:$0x751] =	sst s0;
	s1 =	sor.u32 s23, s1  }
0x5e: {  	s20 =	sor.u32 s23, s20;
	s0 =	stileid.u32;
	[smem:$0x75F] =	sst s1  }
0x5f: {  	s1 =	sshllo.u32 s0, $0x6;
	s0 =	sshll.u32 s21, $0x7;
	s21 =	sadd.s32 $0x1C00, s22  }
0x60: {  	[smem:$0x7A9] =	sst s1;
	s23 =	sor.u32 s23, s1;
	s1 =	sadd.s32 s21, s0  }
0x61: {  	s17 =	sadd.s32 s21, s17;
	s12 =	sadd.s32 s21, s12;
	s9 =	sadd.s32 s21, s9  }
0x62: {  	s6 =	sadd.s32 s21, s6;
	s4 =	sadd.s32 s21, s4;
	s2 =	sadd.s32 s21, s2  }
0x63: {  	s0 =	sadd.s32 s21, s24;
	s21 =	sshll.u32 s10, $0x7;
	s10 =	sld [smem:$0x72F]  }
0x64: {  	[dreg:$0x6] =	wrdreg s1  }
0x65: {  	[dreg:$0x7] =	wrdreg s17  }
0x66: {  	[dreg:$0x8] =	wrdreg s12  }
0x67: {  	[dreg:$0x9] =	wrdreg s9  }
0x68: {  	[dreg:$0xa] =	wrdreg s6  }
0x69: {  	s25 =	sshll.u32 s25, $0x7;
	[dreg:$0xb] =	wrdreg s4  }
0x6a: {  	[dreg:$0xc] =	wrdreg s2;
	s6 =	sand.u32 $0x3E400, s25;
	s1 =	sadd.s32 $0x1C10, s22  }
0x6b: {  	[dreg:$0xd] =	wrdreg s0;
	s12 =	sshll.u32 s16, $0x7;
	s0 =	sadd.s32 s6, s1  }
0x6c: {  	s25 =	sshll.u32 s7, $0x7;
	s7 =	sadd.s32 s24, s1;
	[dreg:$0xe] =	wrdreg s0  }
0x6d: {  	s9 =	sshll.u32 s26, $0x7;
	s2 =	sand.u32 $0x3EC00, s12;
	[dreg:$0x15] =	wrdreg s7  }
0x6e: {  	s0 =	sand.u32 $0x3E800, s9;
	s16 =	sadd.s32 s2, s1;
	s9 =	sld [smem:$0x72E]  }
0x6f: {  	s13 =	sshll.u32 s13, $0x7;
	s26 =	sshll.u32 s5, $0x7;
	[dreg:$0x10] =	wrdreg s16  }
0x70: {  	s2 =	sand.u32 $0x3F800, s25;
	s0 =	sadd.s32 s0, s1;
	s16 =	sld [smem:$0x730]  }
0x71: {  	s12 =	sadd.s32 $0x1C20, s22;
	s5 =	sadd.s32 s2, s1;
	[dreg:$0xf] =	wrdreg s0  }
0x72: {  	s17 =	sand.u32 $0x3F000, s13;
	s2 =	sadd.s32 s24, s12;
	[dreg:$0x13] =	wrdreg s5  }
0x73: {  	s6 =	sand.u32 $0x3FC00, s26;
	s7 =	sshll.u32 s8, $0x7;
	[dreg:$0x1d] =	wrdreg s2  }
0x74: {  	s0 =	sadd.s32 s17, s1;
	s5 =	sshll.u32 s15, $0x7;
	s15 =	sld [smem:$0x733]  }
0x75: {  	s17 =	sshll.u32 s30, $0x7;
	[dreg:$0x11] =	wrdreg s0;
	s0 =	sand.u32 $0x3F400, s21  }
0x76: {  	s21 =	sshll.u32 s19, $0x7;
	s25 =	sand.u32 $0x3EC00, s17;
	s0 =	sadd.s32 s0, s1  }
0x77: {  	s26 =	sand.u32 $0x3F000, s21;
	[dreg:$0x12] =	wrdreg s0;
	s0 =	sadd.s32 s6, s1  }
0x78: {  	s4 =	sadd.s32 s26, s12;
	s26 =	sshll.u32 s14, $0x7;
	s14 =	sld [smem:$0x741]  }
0x79: {  	s1 =	sshll.u32 s10, $0x7;
	s6 =	sshll.u32 s11, $0x7;
	[dreg:$0x14] =	wrdreg s0  }
0x7a: {  	s0 =	sshll.u32 s9, $0x7;
	[dreg:$0x19] =	wrdreg s4;
	s9 =	sand.u32 $0x3FC00, s7  }
0x7b: {  	s13 =	sand.u32 $0x3E400, s1;
	s10 =	sadd.s32 s9, s12;
	s9 =	sld [smem:$0x73B]  }
0x7c: {  	s1 =	sshll.u32 s16, $0x7;
	s0 =	sand.u32 $0x3E400, s0;
	[dreg:$0x1c] =	wrdreg s10  }
0x7d: {  	s1 =	sand.u32 $0x3E800, s1;
	s0 =	sadd.s32 s0, s12;
	s10 =	sld [smem:$0x73C]  }
0x7e: {  	s4 =	sshll.u32 s15, $0x7;
	s1 =	sadd.s32 s1, s12;
	[dreg:$0x16] =	wrdreg s0  }
0x7f: {  	s11 =	sadd.s32 $0x1C30, s22;
	s4 =	sand.u32 $0x3EC00, s4;
	[dreg:$0x17] =	wrdreg s1  }
0x80: {  	s17 =	sadd.s32 s4, s11;
	s0 =	sadd.s32 s13, s11;
	s13 =	sld [smem:$0x732]  }
0x81: {  	s1 =	sadd.s32 s25, s12;
	[smem:$0x734] =	sst s17  }
0x82: {  	s16 =	sshll.u32 s31, $0x7;
	s25 =	sshll.u32 s18, $0x7;
	[dreg:$0x18] =	wrdreg s1  }
0x83: {  	s1 =	sand.u32 $0x3F400, s5;
	[dreg:$0x1e] =	wrdreg s0;
	s5 =	sand.u32 $0x3F000, s16  }
0x84: {  	s16 =	sshll.u32 s20, $0x7;
	s20 =	sld [smem:$0x746];
	s1 =	sadd.s32 s1, s12  }
0x85: {  	s8 =	sand.u32 $0x3F800, s6;
	s4 =	sand.u32 $0x3F800, s25;
	[dreg:$0x1a] =	wrdreg s1  }
0x86: {  	s19 =	sadd.s32 s5, s11;
	s1 =	sadd.s32 s8, s12;
	s12 =	sld [smem:$0x731]  }
0x87: {  	s6 =	sadd.s32 s4, s11;
	[smem:$0x735] =	sst s19  }
0x88: {  	[smem:$0x737] =	sst s6  }
0x89: {  	s5 =	sand.u32 $0x3FC00, s26;
	s6 =	sld [smem:$0x749]  }
0x8a: {  	s7 =	sadd.s32 s5, s11;
	[dreg:$0x1b] =	wrdreg s1  }
0x8b: {  	[smem:$0x738] =	sst s7  }
0x8c: {  	s8 =	sadd.s32 $0x1C40, s22;
	s1 =	sadd.s32 s24, s11;
	s7 =	sld [smem:$0x74A]  }
0x8d: {  	s2 =	sshll.u32 s13, $0x7;
	s19 =	sadd.s32 s24, s8;
	[smem:$0x739] =	sst s1  }
0x8e: {  	s2 =	sand.u32 $0x3E800, s2;
	[smem:$0x745] =	sst s19  }
0x8f: {  	s2 =	sadd.s32 s2, s11;
	s19 =	sld [smem:$0x757]  }
0x90: {  	s21 =	sshll.u32 s28, $0x7;
	s15 =	sshll.u32 s29, $0x7;
	[dreg:$0x1f] =	wrdreg s2  }
0x91: {  	s0 =	sshll.u32 s12, $0x7;
	s2 =	sand.u32 $0x3F400, s21;
	s21 =	sld [smem:$0x747]  }
0x92: {  	s2 =	sadd.s32 s2, s11;
	s0 =	sand.u32 $0x3E400, s0;
	s11 =	sld [smem:$0x73D]  }
0x93: {  	[smem:$0x736] =	sst s2;
	s0 =	sadd.s32 s0, s8;
	s2 =	sshll.u32 s10, $0x7  }
0x94: {  	[smem:$0x73A] =	sst s0;
	s0 =	sshll.u32 s9, $0x7;
	s2 =	sand.u32 $0x3EC00, s2  }
0x95: {  	s1 =	sshll.u32 s21, $0x7;
	s21 =	sld [smem:$0x759];
	s12 =	sadd.s32 s2, s8  }
0x96: {  	s26 =	sand.u32 $0x3E400, s1;
	s1 =	sshll.u32 s6, $0x7;
	s6 =	sld [smem:$0x75E]  }
0x97: {  	s0 =	sand.u32 $0x3E800, s0;
	s4 =	sshll.u32 s11, $0x7;
	[smem:$0x73F] =	sst s12  }
0x98: {  	s2 =	sand.u32 $0x3F800, s15;
	s0 =	sadd.s32 s0, s8;
	s12 =	sld [smem:$0x74F]  }
0x99: {  	s13 =	sand.u32 $0x3F000, s4;
	s4 =	sshll.u32 s7, $0x7;
	s7 =	sld [smem:$0x75F]  }
0x9a: {  	s17 =	sadd.s32 s2, s8;
	[smem:$0x73E] =	sst s0  }
0x9b: {  	s25 =	sadd.s32 $0x1C50, s22;
	[smem:$0x743] =	sst s17  }
0x9c: {  	s2 =	sadd.s32 s24, s25;
	s0 =	sadd.s32 s13, s8;
	s13 =	sld [smem:$0x750]  }
0x9d: {  	s1 =	sand.u32 $0x3E800, s1;
	[smem:$0x755] =	sst s2  }
0x9e: {  	s1 =	sadd.s32 s1, s25;
	[smem:$0x740] =	sst s0  }
0x9f: {  	s9 =	sand.u32 $0x3EC00, s4;
	[smem:$0x74C] =	sst s1  }
0xa0: {  	s0 =	sshll.u32 s14, $0x7;
	s1 =	sadd.s32 s9, s25;
	s14 =	sld [smem:$0x751]  }
0xa1: {  	s0 =	sand.u32 $0x3F400, s0;
	[smem:$0x74D] =	sst s1  }
0xa2: {  	s0 =	sadd.s32 s0, s8;
	s4 =	sshll.u32 s13, $0x7;
	s13 =	sld [smem:$0x764]  }
0xa3: {  	s18 =	sand.u32 $0x3FC00, s16;
	s1 =	sshll.u32 s12, $0x7;
	[smem:$0x742] =	sst s0  }
0xa4: {  	s1 =	sand.u32 $0x3F400, s1;
	s0 =	sadd.s32 s18, s8;
	s8 =	sld [smem:$0x74B]  }
0xa5: {  	s12 =	sadd.s32 $0x1C70, s22;
	s1 =	sadd.s32 s1, s25;
	[smem:$0x744] =	sst s0  }
0xa6: {  	s15 =	sand.u32 $0x3F800, s4;
	s18 =	sadd.s32 $0x1C60, s22;
	[smem:$0x752] =	sst s1  }
0xa7: {  	s0 =	sshll.u32 s20, $0x7;
	s1 =	sadd.s32 s15, s25;
	s20 =	sld [smem:$0x758]  }
0xa8: {  	s15 =	sadd.s32 s24, s12;
	s0 =	sand.u32 $0x3E400, s0;
	[smem:$0x753] =	sst s1  }
0xa9: {  	[smem:$0x766] =	sst s15;
	s0 =	sadd.s32 s0, s25;
	s5 =	sshll.u32 s8, $0x7  }
0xaa: {  	s1 =	sshll.u32 s13, $0x7;
	[smem:$0x748] =	sst s0;
	s10 =	sand.u32 $0x3F000, s5  }
0xab: {  	s5 =	sshll.u32 s14, $0x7;
	s0 =	sadd.s32 s26, s18;
	s14 =	sld [smem:$0x765]  }
0xac: {  	s4 =	sshll.u32 s21, $0x7;
	s1 =	sand.u32 $0x3E400, s1;
	[smem:$0x756] =	sst s0  }
0xad: {  	s1 =	sadd.s32 s1, s12;
	s16 =	sand.u32 $0x3FC00, s5;
	s5 =	sld [smem:$0x75D]  }
0xae: {  	s26 =	sand.u32 $0x3F000, s4;
	[smem:$0x767] =	sst s1  }
0xaf: {  	s11 =	sadd.s32 s10, s25;
	s0 =	sshll.u32 s19, $0x7;
	s19 =	sld [smem:$0x76B]  }
0xb0: {  	s4 =	sadd.s32 s26, s18;
	[smem:$0x74E] =	sst s11  }
0xb1: {  	s2 =	sshll.u32 s20, $0x7;
	s17 =	sadd.s32 s16, s25;
	[smem:$0x75C] =	sst s4  }
0xb2: {  	s0 =	sand.u32 $0x3E800, s0;
	s11 =	sadd.s32 s24, s18;
	s24 =	sld [smem:$0x76F]  }
0xb3: {  	s25 =	sand.u32 $0x3EC00, s2;
	[smem:$0x754] =	sst s17;
	s0 =	sadd.s32 s0, s18  }
0xb4: {  	s2 =	sshll.u32 s6, $0x7;
	[smem:$0x75A] =	sst s0;
	s0 =	sadd.s32 s25, s18  }
0xb5: {  	s4 =	sshll.u32 s7, $0x7;
	[smem:$0x75B] =	sst s0;
	s0 =	sshll.u32 s5, $0x7  }
0xb6: {  	s8 =	sand.u32 $0x3F800, s2;
	[smem:$0x763] =	sst s11;
	s0 =	sand.u32 $0x3F400, s0  }
0xb7: {  	s9 =	sand.u32 $0x3FC00, s4;
	s17 =	sld [smem:$0x769];
	s0 =	sadd.s32 s0, s18  }
0xb8: {  	s2 =	sshll.u32 s14, $0x7;
	s10 =	sadd.s32 s9, s18;
	[smem:$0x760] =	sst s0  }
0xb9: {  	s2 =	sand.u32 $0x3E800, s2;
	s0 =	sadd.s32 s8, s18;
	s18 =	sld [smem:$0x76A]  }
0xba: {  	s4 =	sshll.u32 s19, $0x7;
	[smem:$0x762] =	sst s10;
	s16 =	sadd.s32 s2, s12  }
0xbb: {  	s21 =	sand.u32 $0x3F400, s4;
	[smem:$0x768] =	sst s16;
	s1 =	sshll.u32 s17, $0x7  }
0xbc: {  	s22 =	sadd.s32 s21, s12;
	s1 =	sand.u32 $0x3EC00, s1;
	s2 =	sshll.u32 s18, $0x7  }
0xbd: {  	[smem:$0x76E] =	sst s22;
	s1 =	sadd.s32 s1, s12;
	s20 =	sand.u32 $0x3F000, s2  }
0xbe: {  	s25 =	sshll.u32 s23, $0x7;
	[smem:$0x76C] =	sst s1;
	s1 =	sadd.s32 s20, s12  }
0xbf: {  	s26 =	sand.u32 $0x3FC00, s25;
	[smem:$0x76D] =	sst s1;
	s1 =	sshll.u32 s24, $0x7  }
0xc0: {  	[smem:$0x761] =	sst s0;
	s0 =	sadd.s32 s26, s12;
	s1 =	sand.u32 $0x3F800, s1  }
0xc1: {  	[smem:$0x771] =	sst s0;
	s1 =	sadd.s32 s1, s12  }
0xc2: {  	[smem:$0x770] =	sst s1  }
0xc3: {  	s2 =	rddreg [dreg:$0x3];
	_ =	strace $0x80000047  }
0xc4: {  	s4 =	sld [smem:$0x772]  }
0xc5: {  	s5 =	sld [smem:$0x773]  }
0xc6: {  	s7 =	sld [smem:$0x774]  }
0xc7: {  	s8 =	sld [smem:$0x775]  }
0xc8: {  	s9 =	sld [smem:$0x776]  }
0xc9: {  	s12 =	sld [smem:$0x777]  }
0xca: {  	s13 =	sld [smem:$0x778]  }
0xcb: {  	s14 =	sld [smem:$0x779]  }
0xcc: {  	s16 =	sld [smem:$0x77A]  }
0xcd: {  	s17 =	sld [smem:$0x77B]  }
0xce: {  	s18 =	sld [smem:$0x77C]  }
0xcf: {  	s20 =	sld [smem:$0x77D]  }
0xd0: {  	s21 =	sld [smem:$0x77E]  }
0xd1: {  	s22 =	sld [smem:$0x77F]  }
0xd2: {  	s24 =	sld [smem:$0x780]  }
0xd3: {  	s1 =	stileid.u32;
	s25 =	sld [smem:$0x781]  }
0xd4: {  	s0 =	sshll.u32 s1, $0x10;
	s26 =	sld [smem:$0x782]  }
0xd5: {  	s10 =	sadd.s32 s0, s2;
	s0 =	sshll.u32 s4, $0xA;
	s4 =	sld [smem:$0x783]  }
0xd6: {  	s1 =	sshll.u32 s5, $0xA;
	s5 =	sld [smem:$0x784];
	s0 =	sadd.s32 s0, s2  }
0xd7: {  	s6 =	sadd.s32 s1, s2;
	s1 =	sshll.u32 s9, $0xA;
	s9 =	sld [smem:$0x787]  }
0xd8: {  	[smem:$0x7B3] =	sst s0  }
0xd9: {  	[smem:$0x7B5] =	sst s6  }
0xda: {  	s6 =	sld [smem:$0x785]  }
0xdb: {  	s11 =	sadd.s32 s1, s2;
	s1 =	sshll.u32 s14, $0xA;
	s14 =	sld [smem:$0x78A]  }
0xdc: {  	s0 =	sshll.u32 s7, $0xA;
	[smem:$0x7BB] =	sst s11  }
0xdd: {  	s0 =	sadd.s32 s0, s2;
	s11 =	sld [smem:$0x788]  }
0xde: {  	s15 =	sadd.s32 s1, s2;
	s1 =	sshll.u32 s18, $0xA;
	s18 =	sld [smem:$0x78D]  }
0xdf: {  	[smem:$0x7B7] =	sst s0  }
0xe0: {  	[smem:$0x7C1] =	sst s15  }
0xe1: {  	s0 =	sshll.u32 s8, $0xA;
	s8 =	sld [smem:$0x786]  }
0xe2: {  	s15 =	sld [smem:$0x78B]  }
0xe3: {  	s19 =	sadd.s32 s1, s2;
	s1 =	sshll.u32 s22, $0xA;
	s22 =	sld [smem:$0x790]  }
0xe4: {  	[smem:$0x7C7] =	sst s19  }
0xe5: {  	s0 =	sadd.s32 s0, s2;
	s19 =	sld [smem:$0x78E]  }
0xe6: {  	s23 =	sadd.s32 s1, s2;
	s1 =	sshll.u32 s26, $0xA;
	s26 =	sld [smem:$0x794]  }
0xe7: {  	[smem:$0x7B9] =	sst s0  }
0xe8: {  	[smem:$0x7CD] =	sst s23  }
0xe9: {  	s1 =	sadd.s32 s1, s2;
	s23 =	sld [smem:$0x791]  }
0xea: {  	s0 =	sshll.u32 s12, $0xA;
	[smem:$0x7D3] =	sst s1  }
0xeb: {  	s0 =	sadd.s32 s0, s2;
	s1 =	sshll.u32 s6, $0xA;
	s6 =	sld [smem:$0x797]  }
0xec: {  	[smem:$0x7BD] =	sst s0  }
0xed: {  	s0 =	sshll.u32 s13, $0xA;
	s13 =	sld [smem:$0x789]  }
0xee: {  	s7 =	sadd.s32 s1, s2;
	s1 =	sshll.u32 s11, $0xA;
	s11 =	sld [smem:$0x79B]  }
0xef: {  	[smem:$0x7D9] =	sst s7  }
0xf0: {  	s0 =	sadd.s32 s0, s2;
	s7 =	sld [smem:$0x798]  }
0xf1: {  	s12 =	sadd.s32 s1, s2;
	[smem:$0x7BF] =	sst s0;
	s0 =	sshll.u32 s16, $0xA  }
0xf2: {  	s1 =	sshll.u32 s15, $0xA;
	[smem:$0x7DF] =	sst s12;
	s0 =	sadd.s32 s0, s2  }
0xf3: {  	s16 =	sadd.s32 s1, s2;
	[smem:$0x7C3] =	sst s0;
	s0 =	sshll.u32 s17, $0xA  }
0xf4: {  	[smem:$0x7E5] =	sst s16;
	s0 =	sadd.s32 s0, s2  }
0xf5: {  	[smem:$0x7C5] =	sst s0;
	s0 =	sshll.u32 s20, $0xA  }
0xf6: {  	s16 =	sld [smem:$0x79E];
	s0 =	sadd.s32 s0, s2  }
0xf7: {  	[smem:$0x7C9] =	sst s0;
	s0 =	sshll.u32 s21, $0xA  }
0xf8: {  	s12 =	sshll.u32 s11, $0xA;
	s11 =	sld [smem:$0x7A1];
	s0 =	sadd.s32 s0, s2  }
0xf9: {  	[smem:$0x7CB] =	sst s0;
	s0 =	sshll.u32 s24, $0xA  }
0xfa: {  	s1 =	sshll.u32 s19, $0xA;
	s17 =	sld [smem:$0x78C];
	s0 =	sadd.s32 s0, s2  }
0xfb: {  	s20 =	sadd.s32 s1, s2;
	[smem:$0x7CF] =	sst s0;
	s0 =	sshll.u32 s25, $0xA  }
0xfc: {  	[smem:$0x7EB] =	sst s20;
	s0 =	sadd.s32 s0, s2  }
0xfd: {  	[smem:$0x7D1] =	sst s0;
	s0 =	sshll.u32 s4, $0xA  }
0xfe: {  	s21 =	sld [smem:$0x78F];
	s0 =	sadd.s32 s0, s2  }
0xff: {  	[smem:$0x7D5] =	sst s0;
	s0 =	sshll.u32 s5, $0xA  }
0x100: {  	s24 =	sld [smem:$0x792];
	s0 =	sadd.s32 s0, s2  }
0x101: {  	[smem:$0x7D7] =	sst s0;
	s0 =	sshll.u32 s8, $0xA  }
0x102: {  	s25 =	sld [smem:$0x793];
	s0 =	sadd.s32 s0, s2  }
0x103: {  	[smem:$0x7DB] =	sst s0;
	s0 =	sshll.u32 s9, $0xA  }
0x104: {  	s4 =	sld [smem:$0x795];
	s0 =	sadd.s32 s0, s2  }
0x105: {  	[smem:$0x7DD] =	sst s0;
	s0 =	sshll.u32 s13, $0xA  }
0x106: {  	s5 =	sld [smem:$0x796];
	s0 =	sadd.s32 s0, s2  }
0x107: {  	s19 =	sadd.s32 s12, s2;
	[smem:$0x7E1] =	sst s0;
	s0 =	sshll.u32 s14, $0xA  }
0x108: {  	s1 =	sshll.u32 s23, $0xA;
	s8 =	sld [smem:$0x799];
	s0 =	sadd.s32 s0, s2  }
0x109: {  	s30 =	sadd.s32 s1, s2;
	[smem:$0x7E3] =	sst s0;
	s0 =	sshll.u32 s17, $0xA  }
0x10a: {  	s1 =	sshll.u32 s26, $0xA;
	s9 =	sld [smem:$0x79A];
	s0 =	sadd.s32 s0, s2  }
0x10b: {  	s28 =	sadd.s32 s1, s2;
	[smem:$0x7E7] =	sst s0;
	s0 =	sshll.u32 s18, $0xA  }
0x10c: {  	s1 =	sshll.u32 s6, $0xA;
	s13 =	sld [smem:$0x79C];
	s0 =	sadd.s32 s0, s2  }
0x10d: {  	s23 =	sadd.s32 s1, s2;
	[smem:$0x7E9] =	sst s0;
	s0 =	sshll.u32 s21, $0xA  }
0x10e: {  	s1 =	sshll.u32 s9, $0xA;
	s14 =	sld [smem:$0x79D];
	s0 =	sadd.s32 s0, s2  }
0x10f: {  	s20 =	sadd.s32 s1, s2;
	[smem:$0x7ED] =	sst s0;
	s0 =	sshll.u32 s22, $0xA  }
0x110: {  	s18 =	sld [smem:$0x79F];
	s31 =	sadd.s32 s0, s2;
	s0 =	sshll.u32 s24, $0xA  }
0x111: {  	s17 =	sshll.u32 s16, $0xA;
	s29 =	sadd.s32 s0, s2;
	s0 =	sshll.u32 s25, $0xA  }
0x112: {  	s15 =	sshll.u32 s14, $0xA;
	s26 =	sadd.s32 s0, s2;
	s0 =	sshll.u32 s4, $0xA  }
0x113: {  	s1 =	sshll.u32 s18, $0xA;
	s25 =	sadd.s32 s0, s2;
	s0 =	sshll.u32 s5, $0xA  }
0x114: {  	s5 =	sadd.s32 s17, s2;
	s17 =	sld [smem:$0x7A4];
	s24 =	sadd.s32 s0, s2  }
0x115: {  	s0 =	sshll.u32 s7, $0xA;
	s7 =	sadd.s32 s15, s2;
	s15 =	sld [smem:$0x7A3]  }
0x116: {  	s22 =	sadd.s32 s0, s2;
	s0 =	sshll.u32 s8, $0xA;
	s8 =	sld [smem:$0x7A0]  }
0x117: {  	s21 =	sadd.s32 s0, s2;
	s0 =	sshll.u32 s13, $0xA;
	s13 =	sld [smem:$0x7A2]  }
0x118: {  	s6 =	sadd.s32 s1, s2;
	s1 =	sshll.u32 s17, $0xA;
	s17 =	sld [smem:$0x7A7]  }
0x119: {  	s12 =	sshll.u32 s11, $0xA;
	s16 =	sshll.u32 s15, $0xA;
	s15 =	sld [smem:$0x7A6]  }
0x11a: {  	s9 =	sshll.u32 s8, $0xA;
	s14 =	sshll.u32 s13, $0xA;
	s13 =	sld [smem:$0x7A5]  }
0x11b: {  	s8 =	sadd.s32 s12, s2;
	s11 =	sadd.s32 s16, s2;
	s12 =	sadd.s32 s1, s2  }
0x11c: {  	s18 =	sadd.s32 s9, s2;
	s1 =	sshll.u32 s17, $0xA;
	s17 =	sld [smem:$0x7A9]  }
0x11d: {  	s9 =	sadd.s32 s14, s2;
	s16 =	sshll.u32 s15, $0xA;
	s14 =	sshll.u32 s13, $0xA  }
0x11e: {  	s13 =	sadd.s32 s14, s2;
	s14 =	sadd.s32 s16, s2;
	s16 =	sld [smem:$0x7A8]  }
0x11f: {  	s25 =	sshrl.u32 s25, $0x3  }
0x120: {  	[smem:$0x7F4] =	sst s25;
	s25 =	sshrl.u32 s7, $0x3;
	s4 =	sadd.s32 s0, s2  }
0x121: {  	s15 =	sadd.s32 s1, s2;
	s1 =	sshll.u32 s17, $0xA;
	s16 =	sshll.u32 s16, $0xA  }
0x122: {  	s17 =	sadd.s32 s1, s2;
	s16 =	sadd.s32 s16, s2;
	s2 =	sld [smem:$0x7AA]  }
0x123: {  	[smem:$0x7FC] =	sst s25;
	s0 =	sadd.s32 $0x400, s10;
	s21 =	sshrl.u32 s21, $0x3  }
0x124: {  	s0 =	sshrl.u32 s0, $0x3;
	[smem:$0x7F8] =	sst s21  }
0x125: {  	[smem:$0x7AC] =	sst s0;
	s1 =	smax.u32 s2, $0x1;
	s2 =	sadd.s32 $0x800, s10  }
0x126: {  	[smem:$0x7AB] =	sst s1;
	s0 =	sshrl.u32 s2, $0x3;
	s1 =	sadd.s32 $0xC00, s10  }
0x127: {  	s2 =	sadd.s32 $0x1000, s10;
	[smem:$0x7AD] =	sst s0;
	s0 =	sshrl.u32 s1, $0x3  }
0x128: {  	s1 =	sshrl.u32 s2, $0x3;
	s2 =	sadd.s32 $0x1400, s10;
	[smem:$0x7AE] =	sst s0  }
0x129: {  	[smem:$0x7AF] =	sst s1;
	s0 =	sshrl.u32 s2, $0x3  }
0x12a: {  	s1 =	sadd.s32 $0x1800, s10;
	s2 =	sadd.s32 $0x1C00, s10;
	[smem:$0x7B0] =	sst s0  }
0x12b: {  	s0 =	sshrl.u32 s1, $0x3;
	s1 =	sshrl.u32 s2, $0x3;
	s2 =	sld [smem:$0x7B3]  }
0x12c: {  	[smem:$0x7B1] =	sst s0  }
0x12d: {  	[smem:$0x7B2] =	sst s1  }
0x12e: {  	s1 =	sld [smem:$0x7B5]  }
0x12f: {  	s0 =	sshrl.u32 s2, $0x3;
	s2 =	sld [smem:$0x7B7]  }
0x130: {  	[smem:$0x7B4] =	sst s0  }
0x131: {  	s0 =	sshrl.u32 s1, $0x3;
	s1 =	sld [smem:$0x7B9]  }
0x132: {  	[smem:$0x7B6] =	sst s0  }
0x133: {  	s0 =	sshrl.u32 s2, $0x3;
	s2 =	sld [smem:$0x7BB]  }
0x134: {  	[smem:$0x7B8] =	sst s0  }
0x135: {  	s0 =	sshrl.u32 s1, $0x3;
	s1 =	sld [smem:$0x7BD]  }
0x136: {  	[smem:$0x7BA] =	sst s0  }
0x137: {  	s0 =	sshrl.u32 s2, $0x3;
	s2 =	sld [smem:$0x7BF]  }
0x138: {  	[smem:$0x7BC] =	sst s0  }
0x139: {  	s0 =	sshrl.u32 s1, $0x3;
	s1 =	sld [smem:$0x7C1]  }
0x13a: {  	[smem:$0x7BE] =	sst s0  }
0x13b: {  	s0 =	sshrl.u32 s2, $0x3;
	s2 =	sld [smem:$0x7C3]  }
0x13c: {  	[smem:$0x7C0] =	sst s0  }
0x13d: {  	s0 =	sshrl.u32 s1, $0x3;
	s1 =	sld [smem:$0x7C5]  }
0x13e: {  	[smem:$0x7C2] =	sst s0  }
0x13f: {  	s0 =	sshrl.u32 s2, $0x3;
	s2 =	sld [smem:$0x7C7]  }
0x140: {  	[smem:$0x7C4] =	sst s0  }
0x141: {  	s0 =	sshrl.u32 s1, $0x3;
	s1 =	sld [smem:$0x7C9]  }
0x142: {  	[smem:$0x7C6] =	sst s0  }
0x143: {  	s0 =	sshrl.u32 s2, $0x3;
	s2 =	sld [smem:$0x7CB]  }
0x144: {  	[smem:$0x7C8] =	sst s0  }
0x145: {  	s0 =	sshrl.u32 s1, $0x3;
	s1 =	sld [smem:$0x7CD]  }
0x146: {  	[smem:$0x7CA] =	sst s0  }
0x147: {  	s0 =	sshrl.u32 s2, $0x3;
	s2 =	sld [smem:$0x7CF]  }
0x148: {  	[smem:$0x7CC] =	sst s0  }
0x149: {  	s0 =	sshrl.u32 s1, $0x3;
	s1 =	sld [smem:$0x7D1]  }
0x14a: {  	[smem:$0x7CE] =	sst s0  }
0x14b: {  	s0 =	sshrl.u32 s2, $0x3;
	s2 =	sld [smem:$0x7D3]  }
0x14c: {  	[smem:$0x7D0] =	sst s0  }
0x14d: {  	s0 =	sshrl.u32 s1, $0x3;
	s1 =	sld [smem:$0x7D5]  }
0x14e: {  	[smem:$0x7D2] =	sst s0  }
0x14f: {  	s0 =	sshrl.u32 s2, $0x3;
	s2 =	sld [smem:$0x7D7]  }
0x150: {  	[smem:$0x7D4] =	sst s0  }
0x151: {  	s0 =	sshrl.u32 s1, $0x3;
	s1 =	sld [smem:$0x7D9]  }
0x152: {  	[smem:$0x7D6] =	sst s0  }
0x153: {  	s0 =	sshrl.u32 s2, $0x3;
	s2 =	sld [smem:$0x7DB]  }
0x154: {  	[smem:$0x7D8] =	sst s0  }
0x155: {  	s0 =	sshrl.u32 s1, $0x3;
	s1 =	sld [smem:$0x7DD]  }
0x156: {  	[smem:$0x7DA] =	sst s0  }
0x157: {  	s0 =	sshrl.u32 s2, $0x3;
	s2 =	sld [smem:$0x7DF]  }
0x158: {  	[smem:$0x7DC] =	sst s0  }
0x159: {  	s0 =	sshrl.u32 s1, $0x3;
	s1 =	sld [smem:$0x7E1]  }
0x15a: {  	[smem:$0x7DE] =	sst s0  }
0x15b: {  	s0 =	sshrl.u32 s2, $0x3;
	s2 =	sld [smem:$0x7E3]  }
0x15c: {  	[smem:$0x7E0] =	sst s0  }
0x15d: {  	s0 =	sshrl.u32 s1, $0x3;
	s1 =	sld [smem:$0x7E5]  }
0x15e: {  	[smem:$0x7E2] =	sst s0  }
0x15f: {  	s0 =	sshrl.u32 s2, $0x3;
	s2 =	sld [smem:$0x7E7]  }
0x160: {  	[smem:$0x7E4] =	sst s0  }
0x161: {  	s0 =	sshrl.u32 s1, $0x3;
	s1 =	sld [smem:$0x7E9]  }
0x162: {  	s5 =	sshrl.u32 s5, $0x3;
	s7 =	sshrl.u32 s6, $0x3;
	[smem:$0x7E6] =	sst s0  }
0x163: {  	s25 =	simm.s32 $0x400;
	s0 =	sshrl.u32 s2, $0x3;
	s2 =	sld [smem:$0x7EB]  }
0x164: {  	s21 =	sadd.s32 $0xC000, s10;
	s8 =	sshrl.u32 s8, $0x3;
	[smem:$0x7E8] =	sst s0  }
0x165: {  	s11 =	sshrl.u32 s11, $0x3;
	s0 =	sshrl.u32 s1, $0x3;
	s1 =	sld [smem:$0x7ED]  }
0x166: {  	s12 =	sshrl.u32 s12, $0x3;
	[smem:$0x7EA] =	sst s0;
	s0 =	sshrl.u32 s2, $0x3  }
0x167: {  	s6 =	sshrl.u32 s18, $0x3;
	s2 =	sshrl.u32 s31, $0x3;
	[smem:$0x7EC] =	sst s0  }
0x168: {  	s9 =	sshrl.u32 s9, $0x3;
	s0 =	sshrl.u32 s1, $0x3;
	[smem:$0x7EF] =	sst s2  }
0x169: {  	s15 =	sshrl.u32 s15, $0x3;
	s1 =	sshrl.u32 s30, $0x3;
	[smem:$0x7EE] =	sst s0  }
0x16a: {  	s13 =	sshrl.u32 s13, $0x3;
	s2 =	sshrl.u32 s29, $0x3;
	[smem:$0x7F0] =	sst s1  }
0x16b: {  	s14 =	sshrl.u32 s14, $0x3;
	[smem:$0x7F1] =	sst s2;
	s1 =	sshrl.u32 s26, $0x3  }
0x16c: {  	s17 =	sshrl.u32 s17, $0x3;
	s2 =	sshrl.u32 s28, $0x3;
	[smem:$0x7F2] =	sst s1  }
0x16d: {  	s16 =	sshrl.u32 s16, $0x3;
	s26 =	sshrl.u32 s24, $0x3;
	[smem:$0x7F3] =	sst s2  }
0x16e: {  	s31 =	simm.s32 $0x0;
	s24 =	sshrl.u32 s4, $0x3;
	[smem:$0x7F5] =	sst s26  }
0x16f: {  	s29 =	simm.s32 $0x1;
	s30 =	simm.s32 $0x10;
	[smem:$0x7FB] =	sst s24  }
0x170: {  	s28 =	simm.s32 $0x1000;
	s1 =	sshrl.u32 s23, $0x3;
	s26 =	sld [smem:$0x7FD]  }
0x171: {  	s2 =	sshrl.u32 s22, $0x3;
	s22 =	sshrl.u32 s20, $0x3;
	[smem:$0x7F6] =	sst s1  }
0x172: {  	s23 =	sshrl.u32 s19, $0x3;
	s19 =	sadd.s32 $0x4000, s10;
	[smem:$0x7F7] =	sst s2  }
0x173: {  	s20 =	sadd.s32 $0x8000, s10;
	s24 =	simm.s32 $0x2;
	[smem:$0x7F9] =	sst s22  }
0x174: {  	[smem:$0x7FA] =	sst s23;
	s22 =	simm.s32 $0x80;
	s23 =	simm.s32 $0x100  }
0x175: {  	v0 =	vimm.f32 $0.0e+00;
	s2 =	smov.u32 s26;
	s18 =	sadd.s32 $0x10, s26;
	s26 =	simm.s32 $0xC00  }
.LBB2_1:
0x176: {  	s0 =	simm.s32 $0x0  }
0x177: {  	[tilespmem:s0], [sflag:$0x2] =	stream.strided.gather [hbm4b:s2+s22], $0x400, s23, s22, $0x38;
	[tilespmem:$0x15000] =	vst v63  }
0x178: {  	_ =	swait.ge [sflag:s24], $0x400  }
0x179: {  	[sflag:s24] =	ssyncset.done $0x0  }
0x17a: {  	[sflag:s24] =	ssyncadd.s32 $0xFFFFFC00  }
0x17b: {  	[tilespmem:s25], [sflag:$0x2] =	stream.strided.gather [hbm4b:s18+s22], $0x400, s23, s22, $0x38;
	[tilespmem:$0x15000] =	vst v63  }
0x17c: {  	_ =	swait.ge [sflag:s24], $0x400  }
0x17d: {  	[sflag:s24] =	ssyncset.done $0x0  }
0x17e: {  	s4 =	rddreg [dreg:$0x5];
	[sflag:s24] =	ssyncadd.s32 $0xFFFFFC00  }
0x17f: {  	[tilespmem:s26], [sflag:$0x2] =	stream.strided.gather [hbm4b:s4+s22], $0x400, s23, s22, $0x38;
	[tilespmem:$0x15000] =	vst v63  }
0x180: {  	_ =	swait.ge [sflag:s24], $0x400  }
0x181: {  	[sflag:s24] =	ssyncset.done $0x0  }
0x182: {  	s1 =	simm.s32 $0x0;
	s0 =	simm.s32 $0x40;
	[sflag:s24] =	ssyncadd.s32 $0xFFFFFC00  }
.LBB2_2:
0x183: {  	p0 =	sne.s32 s0, $0xFFC0;
	[tilespmem:s1+$0x1000] =	vst v0;
	s1 =	smov.u32 s0;
	s0 =	sadd.s32 $0x40, s0  }
.Ltmp0:
0x184: {  	(pc) =	sbr.rel @p0 .LBB2_2-.Ltmp0, $2  }
0x185: {  	_ =	sdelay $0x2  }
0x186: {  	s1 =	sshra.s32 s1, $0x2  }
0x187: {  	[tilespmem:s1+$0x1000] =	vst v0  }
0x188: {  	[spmem:s10] =	stream.linear.scatter [tilespmem:s28], [sflag:$0x2], $0x4000, $0x38;
	[tilespmem:$0x15000] =	vst v63  }
0x189: {  	_ =	swait.ge [sflag:s24], $0x4000  }
0x18a: {  	[sflag:s24] =	ssyncset.done $0x0  }
0x18b: {  	[sflag:s24] =	ssyncadd.s32 $0xFFFFC000  }
0x18c: {  	[spmem:s19] =	stream.linear.scatter [tilespmem:s28], [sflag:$0x2], $0x4000, $0x38;
	[tilespmem:$0x15000] =	vst v63  }
0x18d: {  	_ =	swait.ge [sflag:s24], $0x4000  }
0x18e: {  	[sflag:s24] =	ssyncset.done $0x0  }
0x18f: {  	[sflag:s24] =	ssyncadd.s32 $0xFFFFC000  }
0x190: {  	[spmem:s20] =	stream.linear.scatter [tilespmem:s28], [sflag:$0x2], $0x4000, $0x38;
	[tilespmem:$0x15000] =	vst v63  }
0x191: {  	_ =	swait.ge [sflag:s24], $0x4000  }
0x192: {  	[sflag:s24] =	ssyncset.done $0x0  }
0x193: {  	[sflag:s24] =	ssyncadd.s32 $0xFFFFC000  }
0x194: {  	[spmem:s21] =	stream.linear.scatter [tilespmem:s28], [sflag:$0x2], $0x4000, $0x38;
	[tilespmem:$0x15000] =	vst v63  }
0x195: {  	_ =	swait.ge [sflag:s24], $0x4000  }
0x196: {  	[sflag:s24] =	ssyncset.done $0x0  }
0x197: {  	s0 =	simm.s32 $0x0;
	[sflag:s24] =	ssyncadd.s32 $0xFFFFC000  }
0x198: {  	v1 =	vld [tilespmem:s0+$0x400]  }
0x199: {  	s1 =	simm.s32 $0x40;
	v2 =	vld [tilespmem:s0+$0x0]  }
.LBB2_4:
0x19a: {  	p0 =	sne.s32 s1, $0xFC0  }
.Ltmp1:
0x19b: {  	_ = 	snop;
	(pc) =	sbr.rel @p0 .LBB2_4-.Ltmp1, $4  }
0x19c: {  	_ = 	snop  }
0x19d: {  	s4 =	sshra.s32 s1, $0x2;
	s1 =	sadd.s32 $0x40, s1;
	v3 =	vshll.u32 v1, $0xA  }
0x19e: {  	v1 =	vld [tilespmem:s4+$0x400];
	v3 =	vadd.s32 v2, v3  }
0x19f: {  	v2 =	vld [tilespmem:s4+$0x0];
	[tilespmem:s0+$0x800] =	vst v3;
	s0 =	smov.u32 s4  }
0x1a0: {  	_ =	sdelay $0x2  }
0x1a1: {  	v1 =	vshll.u32 v1, $0xA  }
0x1a2: {  	v1 =	vadd.s32 v2, v1  }
0x1a3: {  	[tilespmem:s0+$0x800] =	vst v1  }
0x1a4: {  	[bflag:$0x0] =	sbarrier.arrive $0xFFFF  }
0x1a5: {  	s1 =	simm.s32 $0x800;
	s4 =	rddreg [dreg:$0x3]  }
0x1a6: {  	[spmem:s4] =	stream.indirect.scatter.add.f32 [tilespmem:s26], [sflag:$0x2], $0x1, s1, s25, $0xb8;
	[tilespmem:$0x15000] =	vst v63  }
0x1a7: {  	_ =	swait.ge [sflag:s24], $0x400  }
0x1a8: {  	[sflag:s24] =	ssyncset.done $0x0  }
0x1a9: {  	[sflag:s24] =	ssyncadd.s32 $0xFFFFFC00  }
0x1aa: {  	[bflag:$0x0] =	sbarrier.arrive $0xFFFF  }
0x1ab: {  	s0 =	sor.u32 $0x1C01, s3;
	s1 =	sshrl.u32 s10, $0x3;
	s4 =	rddreg [dreg:$0xd]  }
0x1ac: {  	[hbm:s4@s22], [sflag:s0] =	dma.strided [spmem:s1@s30], $0x80, s29, $0x10   }
0x1ad: {  	s4 =	sld [smem:$0x7AC];
	_ =	sdelay $0x1  }
0x1ae: {  	s1 =	rddreg [dreg:$0x15]  }
0x1af: {  	[hbm:s1@s22], [sflag:s0] =	dma.strided [spmem:s4@s30], $0x80, s29, $0x10   }
0x1b0: {  	s4 =	sld [smem:$0x7AD];
	_ =	sdelay $0x1  }
0x1b1: {  	s1 =	rddreg [dreg:$0x1d]  }
0x1b2: {  	[hbm:s1@s22], [sflag:s0] =	dma.strided [spmem:s4@s30], $0x80, s29, $0x10   }
0x1b3: {  	s1 =	sld [smem:$0x739]  }
0x1b4: {  	s4 =	sld [smem:$0x7AE];
	_ =	sdelay $0x2  }
0x1b5: {  	[hbm:s1@s22], [sflag:s0] =	dma.strided [spmem:s4@s30], $0x80, s29, $0x10   }
0x1b6: {  	s1 =	sld [smem:$0x745]  }
0x1b7: {  	s4 =	sld [smem:$0x7AF];
	_ =	sdelay $0x2  }
0x1b8: {  	[hbm:s1@s22], [sflag:s0] =	dma.strided [spmem:s4@s30], $0x80, s29, $0x10   }
0x1b9: {  	s1 =	sld [smem:$0x755]  }
0x1ba: {  	s4 =	sld [smem:$0x7B0];
	_ =	sdelay $0x2  }
0x1bb: {  	[hbm:s1@s22], [sflag:s0] =	dma.strided [spmem:s4@s30], $0x80, s29, $0x10   }
0x1bc: {  	s1 =	sld [smem:$0x763]  }
0x1bd: {  	s4 =	sld [smem:$0x7B1];
	_ =	sdelay $0x2  }
0x1be: {  	[hbm:s1@s22], [sflag:s0] =	dma.strided [spmem:s4@s30], $0x80, s29, $0x10   }
0x1bf: {  	s1 =	sld [smem:$0x766]  }
0x1c0: {  	s4 =	sld [smem:$0x7B2];
	_ =	sdelay $0x2  }
0x1c1: {  	[hbm:s1@s22], [sflag:s0] =	dma.strided [spmem:s4@s30], $0x80, s29, $0x10   }
0x1c2: {  	s4 =	sld [smem:$0x7B4];
	_ =	sdelay $0x1  }
0x1c3: {  	s1 =	rddreg [dreg:$0x6]  }
0x1c4: {  	[hbm:s1@s22], [sflag:s0] =	dma.strided [spmem:s4@s30], $0x80, s29, $0x10   }
0x1c5: {  	s4 =	sld [smem:$0x7B6];
	_ =	sdelay $0x1  }
0x1c6: {  	s1 =	rddreg [dreg:$0xe]  }
0x1c7: {  	[hbm:s1@s22], [sflag:s0] =	dma.strided [spmem:s4@s30], $0x80, s29, $0x10   }
0x1c8: {  	s4 =	sld [smem:$0x7B8];
	_ =	sdelay $0x1  }
0x1c9: {  	s1 =	rddreg [dreg:$0x16]  }
0x1ca: {  	[hbm:s1@s22], [sflag:s0] =	dma.strided [spmem:s4@s30], $0x80, s29, $0x10   }
0x1cb: {  	s4 =	sld [smem:$0x7BA];
	_ =	sdelay $0x1  }
0x1cc: {  	s1 =	rddreg [dreg:$0x1e]  }
0x1cd: {  	[hbm:s1@s22], [sflag:s0] =	dma.strided [spmem:s4@s30], $0x80, s29, $0x10   }
0x1ce: {  	s1 =	sld [smem:$0x73A]  }
0x1cf: {  	s4 =	sld [smem:$0x7BC];
	_ =	sdelay $0x2  }
0x1d0: {  	[hbm:s1@s22], [sflag:s0] =	dma.strided [spmem:s4@s30], $0x80, s29, $0x10   }
0x1d1: {  	s1 =	sld [smem:$0x748]  }
0x1d2: {  	s4 =	sld [smem:$0x7BE];
	_ =	sdelay $0x2  }
0x1d3: {  	[hbm:s1@s22], [sflag:s0] =	dma.strided [spmem:s4@s30], $0x80, s29, $0x10   }
0x1d4: {  	s1 =	sld [smem:$0x756]  }
0x1d5: {  	s4 =	sld [smem:$0x7C0];
	_ =	sdelay $0x2  }
0x1d6: {  	[hbm:s1@s22], [sflag:s0] =	dma.strided [spmem:s4@s30], $0x80, s29, $0x10   }
0x1d7: {  	s1 =	sld [smem:$0x767]  }
0x1d8: {  	s4 =	sld [smem:$0x7C2];
	_ =	sdelay $0x2  }
0x1d9: {  	[hbm:s1@s22], [sflag:s0] =	dma.strided [spmem:s4@s30], $0x80, s29, $0x10   }
0x1da: {  	s4 =	sld [smem:$0x7C4];
	_ =	sdelay $0x1  }
0x1db: {  	s1 =	rddreg [dreg:$0x7]  }
0x1dc: {  	[hbm:s1@s22], [sflag:s0] =	dma.strided [spmem:s4@s30], $0x80, s29, $0x10   }
0x1dd: {  	s4 =	sld [smem:$0x7C6];
	_ =	sdelay $0x1  }
0x1de: {  	s1 =	rddreg [dreg:$0xf]  }
0x1df: {  	[hbm:s1@s22], [sflag:s0] =	dma.strided [spmem:s4@s30], $0x80, s29, $0x10   }
0x1e0: {  	s4 =	sld [smem:$0x7C8];
	_ =	sdelay $0x1  }
0x1e1: {  	s1 =	rddreg [dreg:$0x17]  }
0x1e2: {  	[hbm:s1@s22], [sflag:s0] =	dma.strided [spmem:s4@s30], $0x80, s29, $0x10   }
0x1e3: {  	s4 =	sld [smem:$0x7CA];
	_ =	sdelay $0x1  }
0x1e4: {  	s1 =	rddreg [dreg:$0x1f]  }
0x1e5: {  	[hbm:s1@s22], [sflag:s0] =	dma.strided [spmem:s4@s30], $0x80, s29, $0x10   }
0x1e6: {  	s1 =	sld [smem:$0x73E]  }
0x1e7: {  	s4 =	sld [smem:$0x7CC];
	_ =	sdelay $0x2  }
0x1e8: {  	[hbm:s1@s22], [sflag:s0] =	dma.strided [spmem:s4@s30], $0x80, s29, $0x10   }
0x1e9: {  	s1 =	sld [smem:$0x74C]  }
0x1ea: {  	s4 =	sld [smem:$0x7CE];
	_ =	sdelay $0x2  }
0x1eb: {  	[hbm:s1@s22], [sflag:s0] =	dma.strided [spmem:s4@s30], $0x80, s29, $0x10   }
0x1ec: {  	s1 =	sld [smem:$0x75A]  }
0x1ed: {  	s4 =	sld [smem:$0x7D0];
	_ =	sdelay $0x2  }
0x1ee: {  	[hbm:s1@s22], [sflag:s0] =	dma.strided [spmem:s4@s30], $0x80, s29, $0x10   }
0x1ef: {  	s1 =	sld [smem:$0x768]  }
0x1f0: {  	s4 =	sld [smem:$0x7D2];
	_ =	sdelay $0x2  }
0x1f1: {  	[hbm:s1@s22], [sflag:s0] =	dma.strided [spmem:s4@s30], $0x80, s29, $0x10   }
0x1f2: {  	s4 =	sld [smem:$0x7D4];
	_ =	sdelay $0x1  }
0x1f3: {  	s1 =	rddreg [dreg:$0x8]  }
0x1f4: {  	[hbm:s1@s22], [sflag:s0] =	dma.strided [spmem:s4@s30], $0x80, s29, $0x10   }
0x1f5: {  	s4 =	sld [smem:$0x7D6];
	_ =	sdelay $0x1  }
0x1f6: {  	s1 =	rddreg [dreg:$0x10]  }
0x1f7: {  	[hbm:s1@s22], [sflag:s0] =	dma.strided [spmem:s4@s30], $0x80, s29, $0x10   }
0x1f8: {  	s4 =	sld [smem:$0x7D8];
	_ =	sdelay $0x1  }
0x1f9: {  	s1 =	rddreg [dreg:$0x18]  }
0x1fa: {  	[hbm:s1@s22], [sflag:s0] =	dma.strided [spmem:s4@s30], $0x80, s29, $0x10   }
0x1fb: {  	s1 =	sld [smem:$0x734]  }
0x1fc: {  	s4 =	sld [smem:$0x7DA];
	_ =	sdelay $0x2  }
0x1fd: {  	[hbm:s1@s22], [sflag:s0] =	dma.strided [spmem:s4@s30], $0x80, s29, $0x10   }
0x1fe: {  	s1 =	sld [smem:$0x73F]  }
0x1ff: {  	s4 =	sld [smem:$0x7DC];
	_ =	sdelay $0x2  }
0x200: {  	[hbm:s1@s22], [sflag:s0] =	dma.strided [spmem:s4@s30], $0x80, s29, $0x10   }
0x201: {  	s1 =	sld [smem:$0x74D]  }
0x202: {  	s4 =	sld [smem:$0x7DE];
	_ =	sdelay $0x2  }
0x203: {  	[hbm:s1@s22], [sflag:s0] =	dma.strided [spmem:s4@s30], $0x80, s29, $0x10   }
0x204: {  	s1 =	sld [smem:$0x75B]  }
0x205: {  	s4 =	sld [smem:$0x7E0];
	_ =	sdelay $0x2  }
0x206: {  	[hbm:s1@s22], [sflag:s0] =	dma.strided [spmem:s4@s30], $0x80, s29, $0x10   }
0x207: {  	s1 =	sld [smem:$0x76C]  }
0x208: {  	s4 =	sld [smem:$0x7E2];
	_ =	sdelay $0x2  }
0x209: {  	[hbm:s1@s22], [sflag:s0] =	dma.strided [spmem:s4@s30], $0x80, s29, $0x10   }
0x20a: {  	s4 =	sld [smem:$0x7E4];
	_ =	sdelay $0x1  }
0x20b: {  	s1 =	rddreg [dreg:$0x9]  }
0x20c: {  	[hbm:s1@s22], [sflag:s0] =	dma.strided [spmem:s4@s30], $0x80, s29, $0x10   }
0x20d: {  	s4 =	sld [smem:$0x7E6];
	_ =	sdelay $0x1  }
0x20e: {  	s1 =	rddreg [dreg:$0x11]  }
0x20f: {  	[hbm:s1@s22], [sflag:s0] =	dma.strided [spmem:s4@s30], $0x80, s29, $0x10   }
0x210: {  	s4 =	sld [smem:$0x7E8];
	_ =	sdelay $0x1  }
0x211: {  	s1 =	rddreg [dreg:$0x19]  }
0x212: {  	[hbm:s1@s22], [sflag:s0] =	dma.strided [spmem:s4@s30], $0x80, s29, $0x10   }
0x213: {  	s1 =	sld [smem:$0x735]  }
0x214: {  	s4 =	sld [smem:$0x7EA];
	_ =	sdelay $0x2  }
0x215: {  	[hbm:s1@s22], [sflag:s0] =	dma.strided [spmem:s4@s30], $0x80, s29, $0x10   }
0x216: {  	s1 =	sld [smem:$0x740]  }
0x217: {  	s4 =	sld [smem:$0x7EC];
	_ =	sdelay $0x2  }
0x218: {  	[hbm:s1@s22], [sflag:s0] =	dma.strided [spmem:s4@s30], $0x80, s29, $0x10   }
0x219: {  	s1 =	sld [smem:$0x74E]  }
0x21a: {  	s4 =	sld [smem:$0x7EE];
	_ =	sdelay $0x2  }
0x21b: {  	[hbm:s1@s22], [sflag:s0] =	dma.strided [spmem:s4@s30], $0x80, s29, $0x10   }
0x21c: {  	s1 =	sld [smem:$0x75C]  }
0x21d: {  	s4 =	sld [smem:$0x7EF];
	_ =	sdelay $0x2  }
0x21e: {  	[hbm:s1@s22], [sflag:s0] =	dma.strided [spmem:s4@s30], $0x80, s29, $0x10   }
0x21f: {  	s1 =	sld [smem:$0x76D]  }
0x220: {  	s4 =	sld [smem:$0x7F0];
	_ =	sdelay $0x2  }
0x221: {  	[hbm:s1@s22], [sflag:s0] =	dma.strided [spmem:s4@s30], $0x80, s29, $0x10   }
0x222: {  	s4 =	sld [smem:$0x7F1];
	_ =	sdelay $0x1  }
0x223: {  	s1 =	rddreg [dreg:$0xa]  }
0x224: {  	[hbm:s1@s22], [sflag:s0] =	dma.strided [spmem:s4@s30], $0x80, s29, $0x10   }
0x225: {  	s4 =	sld [smem:$0x7F2];
	_ =	sdelay $0x1  }
0x226: {  	s1 =	rddreg [dreg:$0x12]  }
0x227: {  	[hbm:s1@s22], [sflag:s0] =	dma.strided [spmem:s4@s30], $0x80, s29, $0x10   }
0x228: {  	s4 =	sld [smem:$0x7F3];
	_ =	sdelay $0x1  }
0x229: {  	s1 =	rddreg [dreg:$0x1a]  }
0x22a: {  	[hbm:s1@s22], [sflag:s0] =	dma.strided [spmem:s4@s30], $0x80, s29, $0x10   }
0x22b: {  	s1 =	sld [smem:$0x736]  }
0x22c: {  	s4 =	sld [smem:$0x7F4];
	_ =	sdelay $0x2  }
0x22d: {  	[hbm:s1@s22], [sflag:s0] =	dma.strided [spmem:s4@s30], $0x80, s29, $0x10   }
0x22e: {  	s1 =	sld [smem:$0x742]  }
0x22f: {  	s4 =	sld [smem:$0x7F5];
	_ =	sdelay $0x2  }
0x230: {  	[hbm:s1@s22], [sflag:s0] =	dma.strided [spmem:s4@s30], $0x80, s29, $0x10   }
0x231: {  	s1 =	sld [smem:$0x752]  }
0x232: {  	s4 =	sld [smem:$0x7F6];
	_ =	sdelay $0x2  }
0x233: {  	[hbm:s1@s22], [sflag:s0] =	dma.strided [spmem:s4@s30], $0x80, s29, $0x10   }
0x234: {  	s1 =	sld [smem:$0x760]  }
0x235: {  	s4 =	sld [smem:$0x7F7];
	_ =	sdelay $0x2  }
0x236: {  	[hbm:s1@s22], [sflag:s0] =	dma.strided [spmem:s4@s30], $0x80, s29, $0x10   }
0x237: {  	s1 =	sld [smem:$0x76E]  }
0x238: {  	s4 =	sld [smem:$0x7F8];
	_ =	sdelay $0x2  }
0x239: {  	[hbm:s1@s22], [sflag:s0] =	dma.strided [spmem:s4@s30], $0x80, s29, $0x10   }
0x23a: {  	s4 =	sld [smem:$0x7F9];
	_ =	sdelay $0x1  }
0x23b: {  	s1 =	rddreg [dreg:$0xb]  }
0x23c: {  	[hbm:s1@s22], [sflag:s0] =	dma.strided [spmem:s4@s30], $0x80, s29, $0x10   }
0x23d: {  	s4 =	sld [smem:$0x7FA];
	_ =	sdelay $0x1  }
0x23e: {  	s1 =	rddreg [dreg:$0x13]  }
0x23f: {  	[hbm:s1@s22], [sflag:s0] =	dma.strided [spmem:s4@s30], $0x80, s29, $0x10   }
0x240: {  	s4 =	sld [smem:$0x7FB];
	_ =	sdelay $0x1  }
0x241: {  	s1 =	rddreg [dreg:$0x1b]  }
0x242: {  	[hbm:s1@s22], [sflag:s0] =	dma.strided [spmem:s4@s30], $0x80, s29, $0x10   }
0x243: {  	s1 =	sld [smem:$0x737]  }
0x244: {  	s4 =	sld [smem:$0x7FC];
	_ =	sdelay $0x2  }
0x245: {  	[hbm:s1@s22], [sflag:s0] =	dma.strided [spmem:s4@s30], $0x80, s29, $0x10   }
0x246: {  	s1 =	sld [smem:$0x743];
	_ =	sdelay $0x2  }
0x247: {  	[hbm:s1@s22], [sflag:s0] =	dma.strided [spmem:s5@s30], $0x80, s29, $0x10   }
0x248: {  	s1 =	sld [smem:$0x753];
	_ =	sdelay $0x2  }
0x249: {  	[hbm:s1@s22], [sflag:s0] =	dma.strided [spmem:s7@s30], $0x80, s29, $0x10   }
0x24a: {  	s1 =	sld [smem:$0x761];
	_ =	sdelay $0x2  }
0x24b: {  	[hbm:s1@s22], [sflag:s0] =	dma.strided [spmem:s6@s30], $0x80, s29, $0x10   }
0x24c: {  	s1 =	sld [smem:$0x770];
	_ =	sdelay $0x2  }
0x24d: {  	[hbm:s1@s22], [sflag:s0] =	dma.strided [spmem:s8@s30], $0x80, s29, $0x10   }
0x24e: {  	s1 =	rddreg [dreg:$0xc]  }
0x24f: {  	[hbm:s1@s22], [sflag:s0] =	dma.strided [spmem:s9@s30], $0x80, s29, $0x10   }
0x250: {  	s1 =	rddreg [dreg:$0x14]  }
0x251: {  	[hbm:s1@s22], [sflag:s0] =	dma.strided [spmem:s11@s30], $0x80, s29, $0x10   }
0x252: {  	s1 =	rddreg [dreg:$0x1c]  }
0x253: {  	[hbm:s1@s22], [sflag:s0] =	dma.strided [spmem:s12@s30], $0x80, s29, $0x10   }
0x254: {  	s1 =	sld [smem:$0x738];
	_ =	sdelay $0x2  }
0x255: {  	[hbm:s1@s22], [sflag:s0] =	dma.strided [spmem:s13@s30], $0x80, s29, $0x10   }
0x256: {  	s1 =	sld [smem:$0x744];
	_ =	sdelay $0x2  }
0x257: {  	[hbm:s1@s22], [sflag:s0] =	dma.strided [spmem:s14@s30], $0x80, s29, $0x10   }
0x258: {  	s1 =	sld [smem:$0x754];
	_ =	sdelay $0x2  }
0x259: {  	[hbm:s1@s22], [sflag:s0] =	dma.strided [spmem:s15@s30], $0x80, s29, $0x10   }
0x25a: {  	s1 =	sld [smem:$0x762];
	_ =	sdelay $0x2  }
0x25b: {  	[hbm:s1@s22], [sflag:s0] =	dma.strided [spmem:s16@s30], $0x80, s29, $0x10   }
0x25c: {  	s1 =	sld [smem:$0x771];
	_ =	sdelay $0x2  }
0x25d: {  	[hbm:s1@s22], [sflag:s0] =	dma.strided [spmem:s17@s30], $0x80, s29, $0x10   }
0x25e: {  	_ =	swait.ge [sflag:s29], $0x80  }
0x25f: {  	[sflag:s29] =	ssyncset.done $0x0  }
0x260: {  	[sflag:s29] =	ssyncadd.s32 $0xFFFFFF80  }
0x261: {  	_ =	swait.ge [sflag:s29], $0x80  }
0x262: {  	[sflag:s29] =	ssyncset.done $0x0  }
0x263: {  	[sflag:s29] =	ssyncadd.s32 $0xFFFFFF80  }
0x264: {  	_ =	swait.ge [sflag:s29], $0x80  }
0x265: {  	[sflag:s29] =	ssyncset.done $0x0  }
0x266: {  	[sflag:s29] =	ssyncadd.s32 $0xFFFFFF80  }
0x267: {  	_ =	swait.ge [sflag:s29], $0x80  }
0x268: {  	[sflag:s29] =	ssyncset.done $0x0  }
0x269: {  	[sflag:s29] =	ssyncadd.s32 $0xFFFFFF80  }
0x26a: {  	_ =	swait.ge [sflag:s29], $0x80  }
0x26b: {  	[sflag:s29] =	ssyncset.done $0x0  }
0x26c: {  	[sflag:s29] =	ssyncadd.s32 $0xFFFFFF80  }
0x26d: {  	_ =	swait.ge [sflag:s29], $0x80  }
0x26e: {  	[sflag:s29] =	ssyncset.done $0x0  }
0x26f: {  	[sflag:s29] =	ssyncadd.s32 $0xFFFFFF80  }
0x270: {  	_ =	swait.ge [sflag:s29], $0x80  }
0x271: {  	[sflag:s29] =	ssyncset.done $0x0  }
0x272: {  	[sflag:s29] =	ssyncadd.s32 $0xFFFFFF80  }
0x273: {  	_ =	swait.ge [sflag:s29], $0x80  }
0x274: {  	[sflag:s29] =	ssyncset.done $0x0  }
0x275: {  	[sflag:s29] =	ssyncadd.s32 $0xFFFFFF80  }
0x276: {  	_ =	swait.ge [sflag:s29], $0x80  }
0x277: {  	[sflag:s29] =	ssyncset.done $0x0  }
0x278: {  	[sflag:s29] =	ssyncadd.s32 $0xFFFFFF80  }
0x279: {  	_ =	swait.ge [sflag:s29], $0x80  }
0x27a: {  	[sflag:s29] =	ssyncset.done $0x0  }
0x27b: {  	[sflag:s29] =	ssyncadd.s32 $0xFFFFFF80  }
0x27c: {  	_ =	swait.ge [sflag:s29], $0x80  }
0x27d: {  	[sflag:s29] =	ssyncset.done $0x0  }
0x27e: {  	[sflag:s29] =	ssyncadd.s32 $0xFFFFFF80  }
0x27f: {  	_ =	swait.ge [sflag:s29], $0x80  }
0x280: {  	[sflag:s29] =	ssyncset.done $0x0  }
0x281: {  	[sflag:s29] =	ssyncadd.s32 $0xFFFFFF80  }
0x282: {  	_ =	swait.ge [sflag:s29], $0x80  }
0x283: {  	[sflag:s29] =	ssyncset.done $0x0  }
0x284: {  	[sflag:s29] =	ssyncadd.s32 $0xFFFFFF80  }
0x285: {  	_ =	swait.ge [sflag:s29], $0x80  }
0x286: {  	[sflag:s29] =	ssyncset.done $0x0  }
0x287: {  	[sflag:s29] =	ssyncadd.s32 $0xFFFFFF80  }
0x288: {  	_ =	swait.ge [sflag:s29], $0x80  }
0x289: {  	[sflag:s29] =	ssyncset.done $0x0  }
0x28a: {  	[sflag:s29] =	ssyncadd.s32 $0xFFFFFF80  }
0x28b: {  	_ =	swait.ge [sflag:s29], $0x80  }
0x28c: {  	[sflag:s29] =	ssyncset.done $0x0  }
0x28d: {  	[sflag:s29] =	ssyncadd.s32 $0xFFFFFF80  }
0x28e: {  	_ =	swait.ge [sflag:s29], $0x80  }
0x28f: {  	[sflag:s29] =	ssyncset.done $0x0  }
0x290: {  	[sflag:s29] =	ssyncadd.s32 $0xFFFFFF80  }
0x291: {  	_ =	swait.ge [sflag:s29], $0x80  }
0x292: {  	[sflag:s29] =	ssyncset.done $0x0  }
0x293: {  	[sflag:s29] =	ssyncadd.s32 $0xFFFFFF80  }
0x294: {  	_ =	swait.ge [sflag:s29], $0x80  }
0x295: {  	[sflag:s29] =	ssyncset.done $0x0  }
0x296: {  	[sflag:s29] =	ssyncadd.s32 $0xFFFFFF80  }
0x297: {  	_ =	swait.ge [sflag:s29], $0x80  }
0x298: {  	[sflag:s29] =	ssyncset.done $0x0  }
0x299: {  	[sflag:s29] =	ssyncadd.s32 $0xFFFFFF80  }
0x29a: {  	_ =	swait.ge [sflag:s29], $0x80  }
0x29b: {  	[sflag:s29] =	ssyncset.done $0x0  }
0x29c: {  	[sflag:s29] =	ssyncadd.s32 $0xFFFFFF80  }
0x29d: {  	_ =	swait.ge [sflag:s29], $0x80  }
0x29e: {  	[sflag:s29] =	ssyncset.done $0x0  }
0x29f: {  	[sflag:s29] =	ssyncadd.s32 $0xFFFFFF80  }
0x2a0: {  	_ =	swait.ge [sflag:s29], $0x80  }
0x2a1: {  	[sflag:s29] =	ssyncset.done $0x0  }
0x2a2: {  	[sflag:s29] =	ssyncadd.s32 $0xFFFFFF80  }
0x2a3: {  	_ =	swait.ge [sflag:s29], $0x80  }
0x2a4: {  	[sflag:s29] =	ssyncset.done $0x0  }
0x2a5: {  	[sflag:s29] =	ssyncadd.s32 $0xFFFFFF80  }
0x2a6: {  	_ =	swait.ge [sflag:s29], $0x80  }
0x2a7: {  	[sflag:s29] =	ssyncset.done $0x0  }
0x2a8: {  	[sflag:s29] =	ssyncadd.s32 $0xFFFFFF80  }
0x2a9: {  	_ =	swait.ge [sflag:s29], $0x80  }
0x2aa: {  	[sflag:s29] =	ssyncset.done $0x0  }
0x2ab: {  	[sflag:s29] =	ssyncadd.s32 $0xFFFFFF80  }
0x2ac: {  	_ =	swait.ge [sflag:s29], $0x80  }
0x2ad: {  	[sflag:s29] =	ssyncset.done $0x0  }
0x2ae: {  	[sflag:s29] =	ssyncadd.s32 $0xFFFFFF80  }
0x2af: {  	_ =	swait.ge [sflag:s29], $0x80  }
0x2b0: {  	[sflag:s29] =	ssyncset.done $0x0  }
0x2b1: {  	[sflag:s29] =	ssyncadd.s32 $0xFFFFFF80  }
0x2b2: {  	_ =	swait.ge [sflag:s29], $0x80  }
0x2b3: {  	[sflag:s29] =	ssyncset.done $0x0  }
0x2b4: {  	[sflag:s29] =	ssyncadd.s32 $0xFFFFFF80  }
0x2b5: {  	_ =	swait.ge [sflag:s29], $0x80  }
0x2b6: {  	[sflag:s29] =	ssyncset.done $0x0  }
0x2b7: {  	[sflag:s29] =	ssyncadd.s32 $0xFFFFFF80  }
0x2b8: {  	_ =	swait.ge [sflag:s29], $0x80  }
0x2b9: {  	[sflag:s29] =	ssyncset.done $0x0  }
0x2ba: {  	[sflag:s29] =	ssyncadd.s32 $0xFFFFFF80  }
0x2bb: {  	_ =	swait.ge [sflag:s29], $0x80  }
0x2bc: {  	[sflag:s29] =	ssyncset.done $0x0  }
0x2bd: {  	[sflag:s29] =	ssyncadd.s32 $0xFFFFFF80  }
0x2be: {  	_ =	swait.ge [sflag:s29], $0x80  }
0x2bf: {  	[sflag:s29] =	ssyncset.done $0x0  }
0x2c0: {  	[sflag:s29] =	ssyncadd.s32 $0xFFFFFF80  }
0x2c1: {  	_ =	swait.ge [sflag:s29], $0x80  }
0x2c2: {  	[sflag:s29] =	ssyncset.done $0x0  }
0x2c3: {  	[sflag:s29] =	ssyncadd.s32 $0xFFFFFF80  }
0x2c4: {  	_ =	swait.ge [sflag:s29], $0x80  }
0x2c5: {  	[sflag:s29] =	ssyncset.done $0x0  }
0x2c6: {  	[sflag:s29] =	ssyncadd.s32 $0xFFFFFF80  }
0x2c7: {  	_ =	swait.ge [sflag:s29], $0x80  }
0x2c8: {  	[sflag:s29] =	ssyncset.done $0x0  }
0x2c9: {  	[sflag:s29] =	ssyncadd.s32 $0xFFFFFF80  }
0x2ca: {  	_ =	swait.ge [sflag:s29], $0x80  }
0x2cb: {  	[sflag:s29] =	ssyncset.done $0x0  }
0x2cc: {  	[sflag:s29] =	ssyncadd.s32 $0xFFFFFF80  }
0x2cd: {  	_ =	swait.ge [sflag:s29], $0x80  }
0x2ce: {  	[sflag:s29] =	ssyncset.done $0x0  }
0x2cf: {  	[sflag:s29] =	ssyncadd.s32 $0xFFFFFF80  }
0x2d0: {  	_ =	swait.ge [sflag:s29], $0x80  }
0x2d1: {  	[sflag:s29] =	ssyncset.done $0x0  }
0x2d2: {  	[sflag:s29] =	ssyncadd.s32 $0xFFFFFF80  }
0x2d3: {  	_ =	swait.ge [sflag:s29], $0x80  }
0x2d4: {  	[sflag:s29] =	ssyncset.done $0x0  }
0x2d5: {  	[sflag:s29] =	ssyncadd.s32 $0xFFFFFF80  }
0x2d6: {  	_ =	swait.ge [sflag:s29], $0x80  }
0x2d7: {  	[sflag:s29] =	ssyncset.done $0x0  }
0x2d8: {  	[sflag:s29] =	ssyncadd.s32 $0xFFFFFF80  }
0x2d9: {  	_ =	swait.ge [sflag:s29], $0x80  }
0x2da: {  	[sflag:s29] =	ssyncset.done $0x0  }
0x2db: {  	[sflag:s29] =	ssyncadd.s32 $0xFFFFFF80  }
0x2dc: {  	_ =	swait.ge [sflag:s29], $0x80  }
0x2dd: {  	[sflag:s29] =	ssyncset.done $0x0  }
0x2de: {  	[sflag:s29] =	ssyncadd.s32 $0xFFFFFF80  }
0x2df: {  	_ =	swait.ge [sflag:s29], $0x80  }
0x2e0: {  	[sflag:s29] =	ssyncset.done $0x0  }
0x2e1: {  	[sflag:s29] =	ssyncadd.s32 $0xFFFFFF80  }
0x2e2: {  	_ =	swait.ge [sflag:s29], $0x80  }
0x2e3: {  	[sflag:s29] =	ssyncset.done $0x0  }
0x2e4: {  	[sflag:s29] =	ssyncadd.s32 $0xFFFFFF80  }
0x2e5: {  	_ =	swait.ge [sflag:s29], $0x80  }
0x2e6: {  	[sflag:s29] =	ssyncset.done $0x0  }
0x2e7: {  	[sflag:s29] =	ssyncadd.s32 $0xFFFFFF80  }
0x2e8: {  	_ =	swait.ge [sflag:s29], $0x80  }
0x2e9: {  	[sflag:s29] =	ssyncset.done $0x0  }
0x2ea: {  	[sflag:s29] =	ssyncadd.s32 $0xFFFFFF80  }
0x2eb: {  	_ =	swait.ge [sflag:s29], $0x80  }
0x2ec: {  	[sflag:s29] =	ssyncset.done $0x0  }
0x2ed: {  	[sflag:s29] =	ssyncadd.s32 $0xFFFFFF80  }
0x2ee: {  	_ =	swait.ge [sflag:s29], $0x80  }
0x2ef: {  	[sflag:s29] =	ssyncset.done $0x0  }
0x2f0: {  	[sflag:s29] =	ssyncadd.s32 $0xFFFFFF80  }
0x2f1: {  	_ =	swait.ge [sflag:s29], $0x80  }
0x2f2: {  	[sflag:s29] =	ssyncset.done $0x0  }
0x2f3: {  	[sflag:s29] =	ssyncadd.s32 $0xFFFFFF80  }
0x2f4: {  	_ =	swait.ge [sflag:s29], $0x80  }
0x2f5: {  	[sflag:s29] =	ssyncset.done $0x0  }
0x2f6: {  	[sflag:s29] =	ssyncadd.s32 $0xFFFFFF80  }
0x2f7: {  	_ =	swait.ge [sflag:s29], $0x80  }
0x2f8: {  	[sflag:s29] =	ssyncset.done $0x0  }
0x2f9: {  	[sflag:s29] =	ssyncadd.s32 $0xFFFFFF80  }
0x2fa: {  	_ =	swait.ge [sflag:s29], $0x80  }
0x2fb: {  	[sflag:s29] =	ssyncset.done $0x0  }
0x2fc: {  	[sflag:s29] =	ssyncadd.s32 $0xFFFFFF80  }
0x2fd: {  	_ =	swait.ge [sflag:s29], $0x80  }
0x2fe: {  	[sflag:s29] =	ssyncset.done $0x0  }
0x2ff: {  	[sflag:s29] =	ssyncadd.s32 $0xFFFFFF80  }
0x300: {  	_ =	swait.ge [sflag:s29], $0x80  }
0x301: {  	[sflag:s29] =	ssyncset.done $0x0  }
0x302: {  	[sflag:s29] =	ssyncadd.s32 $0xFFFFFF80  }
0x303: {  	_ =	swait.ge [sflag:s29], $0x80  }
0x304: {  	[sflag:s29] =	ssyncset.done $0x0  }
0x305: {  	[sflag:s29] =	ssyncadd.s32 $0xFFFFFF80  }
0x306: {  	_ =	swait.ge [sflag:s29], $0x80  }
0x307: {  	[sflag:s29] =	ssyncset.done $0x0  }
0x308: {  	[sflag:s29] =	ssyncadd.s32 $0xFFFFFF80  }
0x309: {  	_ =	swait.ge [sflag:s29], $0x80  }
0x30a: {  	[sflag:s29] =	ssyncset.done $0x0  }
0x30b: {  	[sflag:s29] =	ssyncadd.s32 $0xFFFFFF80  }
0x30c: {  	_ =	swait.ge [sflag:s29], $0x80  }
0x30d: {  	[sflag:s29] =	ssyncset.done $0x0  }
0x30e: {  	[sflag:s29] =	ssyncadd.s32 $0xFFFFFF80  }
0x30f: {  	_ =	swait.ge [sflag:s29], $0x80  }
0x310: {  	[sflag:s29] =	ssyncset.done $0x0  }
0x311: {  	[sflag:s29] =	ssyncadd.s32 $0xFFFFFF80  }
0x312: {  	_ =	swait.ge [sflag:s29], $0x80  }
0x313: {  	[sflag:s29] =	ssyncset.done $0x0  }
0x314: {  	[sflag:s29] =	ssyncadd.s32 $0xFFFFFF80  }
0x315: {  	_ =	swait.ge [sflag:s29], $0x80  }
0x316: {  	[sflag:s29] =	ssyncset.done $0x0  }
0x317: {  	[sflag:s29] =	ssyncadd.s32 $0xFFFFFF80  }
0x318: {  	_ =	swait.ge [sflag:s29], $0x80  }
0x319: {  	[sflag:s29] =	ssyncset.done $0x0  }
0x31a: {  	[sflag:s29] =	ssyncadd.s32 $0xFFFFFF80  }
0x31b: {  	_ =	swait.ge [sflag:s29], $0x80  }
0x31c: {  	s4 =	sld [smem:$0x7AB];
	_ =	sdelay $0x1  }
0x31d: {  	s31 =	sadd.s32 $0x1, s31  }
0x31e: {  	p0 =	sne.s32 s31, s4  }
.Ltmp2:
0x31f: {  	_ = 	snop;
	(pc) =	sbr.rel @p0 .LBB2_1-.Ltmp2, $3  }
0x320: {  	_ =	sdelay $0x1  }
0x321: {  	[sflag:s29] =	ssyncset.done $0x0  }
0x322: {  	[sflag:s29] =	ssyncadd.s32 $0xFFFFFF80  }
0x323: {  	_ =	sfence.sel $0x180000  }
0x324: {  	[bflag:$0x0] =	sbarrier.arrive $0xFFFF  }
0x325: {  	_ =	strace $0x90000047  }
0x326: {  	s0 =	stileid.u32;
	[bflag:$0x2] =	sbarrier.arrive $0xFFFF  }
0x327: {  	p0 =	sne.s32 s0, $0x0;
	s0 =	rddreg [dreg:$0x4]  }
0x328: {  	s0 =	sadd.s32 @!p0 $0x100000, s0  }
0x329: {  	[sflag:s0] =	ssyncadd.tile.s32 @!p0 $0x1;
	_ =	shalt  }
.Lfunc_end2:
_tile_overlayer_lowered:
.L_overlay_start_2:
0x32a: {  	(tag) =	ssettag $0x2  }
0x32b: {  	s0 =	rddreg [dreg:$0x0];
	s2 =	stileid.u32  }
0x32c: {  	s1 =	rddreg [dreg:$0x1];
	p0 =	sne.s32 s2, $0x0  }
0x32d: {  	s3 =	rddreg [dreg:$0x2];
	[bflag:$0x3] =	sbarrier.arrive $0xFFFF;
	s2 =	simm.s32 @!p0 $0x1C02  }
0x32e: {  	[timem:s3], [sflag:s2] =	dma.local @!p0 [hbm:s0], s1  }
0x32f: {  	s0 =	simm.s32 @!p0 $0x2  }
0x330: {  	_ =	swait.ge @!p0 [sflag:s0], s1  }
0x331: {  	s1 =	ssub.s32 @!p0 $0x0, s1;
	[sflag:s0] =	ssyncset.done @!p0 $0x0  }
0x332: {  	[sflag:s0] =	ssyncadd.s32 @!p0 s1  }
0x333: {  	[bflag:$0x3] =	sbarrier.arrive $0xFFFF  }
0x334: {  	_ =	shalt  }

</sc_bundles>
